<compile_context>
chip_gen: v7x
topology: tpu7x:2x2x1
jax: 0.10.2.dev20260603
libtpu: 0.0.44.dev20260713+nightly
codegen_flags: <defaults>
</compile_context>

<pallas_src>
import jax
import jax.numpy as jnp
from jax import lax
from jax.experimental import pallas as pl
from jax.experimental.pallas import tpu as pltpu
from jax.experimental.pallas import tpu_sc as plsc

VOCAB = 100000
MAXLEN = 60
D = 144
BATCH = 16384
SEQ = 50
NV = D // 16

NC, NS = 2, 16
NW = NC * NS
B_PER_W = BATCH // NW
H = 128
NH = B_PER_W // H
NSTEP = SEQ * NH


def _hsum(v, lanes):
    for s in (8, 4, 2, 1):
        v = v + v.at[lanes ^ s].get(mode="promise_in_bounds")
    return v


def _vrsqrt(x):
    i = lax.bitcast_convert_type(x, jnp.int32)
    y = lax.bitcast_convert_type(jnp.int32(0x5F3759DF) - (i >> 1), jnp.float32)
    for _ in range(2):
        y = y * (1.5 - 0.5 * x * y * y)
    return y


def _tree_sum(vs):
    while len(vs) > 1:
        vs = [vs[i] + vs[i + 1] for i in range(0, len(vs) - 1, 2)] + (
            [vs[-1]] if len(vs) % 2 else [])
    return vs[0]


def _sc_body(xt_hbm, tok_hbm, pos_hbm, gamma_hbm, beta_hbm, out_hbm,
             idx_v, in0_v, in1_v, out0_v, out1_v, pos_v, gb_v,
             gsem0, gsem1, ssem):
    wid = lax.axis_index("s") * NC + lax.axis_index("c")
    bbase = wid * B_PER_W
    in_bufs = (in0_v, in1_v)
    out_bufs = (out0_v, out1_v)
    gsems = (gsem0, gsem1)

    pltpu.sync_copy(xt_hbm.at[:, pl.ds(bbase, B_PER_W)], idx_v)
    pltpu.sync_copy(pos_hbm, pos_v)
    pltpu.sync_copy(gamma_hbm, gb_v.at[0])
    pltpu.sync_copy(beta_hbm, gb_v.at[1])

    g_vecs = [gb_v[0, pl.ds(k * 16, 16)] for k in range(NV)]
    b_vecs = [gb_v[1, pl.ds(k * 16, 16)] for k in range(NV)]
    lanes = lax.iota(jnp.int32, 16)
    lanes_hi = lanes >> 3
    lanes_lo = lanes & 7

    def gather(g, b):
        p = g >> 2
        h = g & 3
        pltpu.async_copy(
            tok_hbm.at[idx_v.at[p, pl.ds(h * H, H)]], in_bufs[b], gsems[b])

    def gather_wait(b):
        pltpu.make_async_copy(
            tok_hbm.at[idx_v.at[0, pl.ds(0, H)]], in_bufs[b], gsems[b]).wait()

    def store_wait():
        pltpu.make_async_copy(
            out_hbm.at[0, :, 0, :, :],
            out0_v.at[:, :, pl.ds(0, H)], ssem).wait()

    gather(0, 0)
    gather(1, 1)

    @pl.loop(0, NSTEP, step=2)
    def step_loop(g0):
        for b in range(2):
            g = g0 + b
            p = g >> 2
            h = g & 3
            gather_wait(b)

            @pl.when(g >= 2)
            def _():
                store_wait()

            in_v = in_bufs[b]
            out_v = out_bufs[b]
            pvs = [pos_v[p, pl.ds(k * 16, 16)] for k in range(NV)]

            @pl.loop(0, H, unroll=2)
            def row_loop(t):
                vs = [in_v[t, pl.ds(k * 16, 16)] + pvs[k] for k in range(NV)]
                mean = _hsum(_tree_sum(vs), lanes) * (1.0 / D)
                q = _hsum(_tree_sum([v * v for v in vs]), lanes) * (1.0 / D)
                r = _vrsqrt(q - mean * mean + 1e-5)
                tv = jnp.broadcast_to(t, (16,))
                for k in range(NV):
                    o = (vs[k] - mean) * (r * g_vecs[k]) + b_vecs[k]
                    plsc.store_scatter(
                        out_v, [lanes_hi + 2 * k, lanes_lo, tv], o)

            @pl.when(g + 2 < NSTEP)
            def _():
                gather(g + 2, b)

            pltpu.async_copy(
                out_v.at[:, :, pl.ds(0, H)],
                out_hbm.at[p, :, (4 * wid) + h, :, :], ssem)

    store_wait()
    store_wait()


@jax.jit
def kernel(x, tok_table, pos_table, gamma, beta):
    x_t = x.T.astype(jnp.int32)
    mesh = plsc.VectorSubcoreMesh(core_axis_name="c", subcore_axis_name="s")
    out_t = pl.kernel(
        _sc_body,
        out_type=jax.ShapeDtypeStruct(
            (SEQ, D // 8, BATCH // 128, 8, 128), jnp.float32),
        mesh=mesh,
        compiler_params=pltpu.CompilerParams(
            use_tc_tiling_on_sc=False, needs_layout_passes=False),
        scratch_types=[
            pltpu.VMEM((SEQ, B_PER_W), jnp.int32),
            pltpu.VMEM((H, D), jnp.float32),
            pltpu.VMEM((H, D), jnp.float32),
            pltpu.VMEM((D // 8, 8, H + 1), jnp.float32),
            pltpu.VMEM((D // 8, 8, H + 1), jnp.float32),
            pltpu.VMEM((MAXLEN, D), jnp.float32),
            pltpu.VMEM((2, D), jnp.float32),
            pltpu.SemaphoreType.DMA,
            pltpu.SemaphoreType.DMA,
            pltpu.SemaphoreType.DMA,
        ],
    )(x_t, tok_table, pos_table, gamma, beta)
    return out_t.transpose(2, 4, 0, 1, 3).reshape(BATCH, SEQ, D)

# --- scband reference (transcript-rebuilt; emitter-appended) ---
"""Pipeline reference for scband-embedding-22187801051537 (READ-ONLY COPY).

The authoritative reference and input builder live on the scoring server;
editing this copy changes nothing except your own understanding.
"""

import jax, jax.numpy as jnp
import numpy as np

VOCAB = 100000
MAXLEN = 60
D_MODEL = 144  # n_heads(6) * d_v(24)
BATCH = 16384
SEQ = 50


def setup_inputs(seed: int = 0) -> dict:
    key = jax.random.key(seed)
    k1, k2, k3 = jax.random.split(key, 3)
    x = jax.random.randint(k1, (BATCH, SEQ), 0, VOCAB)
    tok_table = jax.random.normal(k2, (VOCAB, D_MODEL), dtype=jnp.float32) * 0.02
    pos_table = jax.random.normal(k3, (MAXLEN, D_MODEL), dtype=jnp.float32) * 0.02
    gamma = jnp.ones((D_MODEL,), dtype=jnp.float32)
    beta = jnp.zeros((D_MODEL,), dtype=jnp.float32)
    return {"x": x, "tok_table": tok_table, "pos_table": pos_table, "gamma": gamma, "beta": beta}


def reference(x, tok_table, pos_table, gamma, beta):
    seq_len = x.shape[1]
    pos = jnp.arange(seq_len, dtype=jnp.int32)
    # tok_embed(x) + pos_embed(pos) broadcast over batch
    emb = jnp.take(tok_table, x, axis=0) + jnp.take(pos_table, pos, axis=0)[None, :, :]
    # LayerNorm over last dim, eps=1e-5 (torch default)
    mean = jnp.mean(emb, axis=-1, keepdims=True)
    var = jnp.mean((emb - mean) ** 2, axis=-1, keepdims=True)
    normed = (emb - mean) / jnp.sqrt(var + 1e-5)
    return normed * gamma + beta

if __name__ == "__main__":
    import jax
    _d = setup_inputs()
    print(jax.jit(kernel)(*tuple(_d.values())))

</pallas_src>

<mosaic_0001>
#map = affine_map<(d0, d1) -> (0, 0)>
#map1 = affine_map<(d0, d1) -> (0)>
#map2 = affine_map<(d0, d1) -> (0, 0, 0, 0, 0)>
module attributes {stable_mosaic.version = 14 : i64} {
  func.func @_sc_body(%arg0: i32, %arg1: i32, %arg2: memref<50x16384xi32, #tpu.memory_space<hbm>>, %arg3: memref<100000x144xf32, #tpu.memory_space<hbm>>, %arg4: memref<60x144xf32, #tpu.memory_space<hbm>>, %arg5: memref<144xf32, #tpu.memory_space<hbm>>, %arg6: memref<144xf32, #tpu.memory_space<hbm>>, %arg7: memref<50x18x128x8x128xf32, #tpu.memory_space<hbm>>, %arg8: memref<50x512xi32, #tpu.memory_space<vmem>>, %arg9: memref<128x144xf32, #tpu.memory_space<vmem>>, %arg10: memref<128x144xf32, #tpu.memory_space<vmem>>, %arg11: memref<18x8x129xf32, #tpu.memory_space<vmem>>, %arg12: memref<18x8x129xf32, #tpu.memory_space<vmem>>, %arg13: memref<60x144xf32, #tpu.memory_space<vmem>>, %arg14: memref<2x144xf32, #tpu.memory_space<vmem>>, %arg15: memref<!tpu.dma_semaphore, #tpu.memory_space<semaphore_mem>>, %arg16: memref<!tpu.dma_semaphore, #tpu.memory_space<semaphore_mem>>, %arg17: memref<!tpu.dma_semaphore, #tpu.memory_space<semaphore_mem>>) attributes {dimension_semantics = [#tpu.dimension_semantics<core_parallel>, #tpu.dimension_semantics<subcore_parallel>], iteration_bounds = array<i64: 2, 16>, scalar_prefetch = 0 : i64, scratch_operands = 10 : i64, tpu.core_type = #tpu.core_type<sc_vector_subcore>, window_params = [{transform_indices = #map}, {transform_indices = #map}, {transform_indices = #map}, {transform_indices = #map1}, {transform_indices = #map1}, {transform_indices = #map2}]} {
    %mul3A = arith.constant 2 : i32
    %mul3A_0 = arith.muli %arg1, %mul3A : i32
    %add3A = arith.addi %mul3A_0, %arg0 : i32
    %mul3A_1 = arith.constant 512 : i32
    %mul3A_2 = arith.muli %add3A, %mul3A_1 : i32
    "tpu.region"() ({
      %run_scoped3A_135 = tpu.sem_alloc : memref<!tpu.dma_semaphore, #tpu.memory_space<semaphore_mem>>
      %dma_start3A_136 = arith.constant 0 : i32
      %dma_start3A_137 = tpu.memref_slice %arg2[%dma_start3A_136, %mul3A_2] : memref<50x16384xi32, #tpu.memory_space<hbm>> -> memref<50x512xi32, #tpu.memory_space<hbm>>
      %dma_start3A_138 = arith.constant 0 : i32
      %dma_start3A_139 = tpu.memref_slice %arg2[%dma_start3A_138, %mul3A_2] : memref<50x16384xi32, #tpu.memory_space<hbm>> -> memref<50x512xi32, #tpu.memory_space<hbm>>
      tpu.enqueue_dma source(%dma_start3A_139 : memref<50x512xi32, #tpu.memory_space<hbm>>) target(%arg8 : memref<50x512xi32, #tpu.memory_space<vmem>>) target_semaphore(%run_scoped3A_135 : memref<!tpu.dma_semaphore, #tpu.memory_space<semaphore_mem>>)
      %dma_wait3A_140 = arith.constant 0 : i32
      %dma_wait3A_141 = tpu.memref_slice %arg2[%dma_wait3A_140, %mul3A_2] : memref<50x16384xi32, #tpu.memory_space<hbm>> -> memref<50x512xi32, #tpu.memory_space<hbm>>
      %dma_wait3A_142 = arith.constant 0 : i32
      %dma_wait3A_143 = tpu.memref_slice %arg2[%dma_wait3A_142, %mul3A_2] : memref<50x16384xi32, #tpu.memory_space<hbm>> -> memref<50x512xi32, #tpu.memory_space<hbm>>
      tpu.wait_dma2 semaphore(%run_scoped3A_135 : memref<!tpu.dma_semaphore, #tpu.memory_space<semaphore_mem>>) src(%dma_wait3A_143 : memref<50x512xi32, #tpu.memory_space<hbm>>) dst(%arg8 : memref<50x512xi32, #tpu.memory_space<vmem>>)
      tpu.yield
    }) : () -> ()
    "tpu.region"() ({
      %run_scoped3A_135 = tpu.sem_alloc : memref<!tpu.dma_semaphore, #tpu.memory_space<semaphore_mem>>
      tpu.enqueue_dma source(%arg4 : memref<60x144xf32, #tpu.memory_space<hbm>>) target(%arg13 : memref<60x144xf32, #tpu.memory_space<vmem>>) target_semaphore(%run_scoped3A_135 : memref<!tpu.dma_semaphore, #tpu.memory_space<semaphore_mem>>)
      tpu.wait_dma2 semaphore(%run_scoped3A_135 : memref<!tpu.dma_semaphore, #tpu.memory_space<semaphore_mem>>) src(%arg4 : memref<60x144xf32, #tpu.memory_space<hbm>>) dst(%arg13 : memref<60x144xf32, #tpu.memory_space<vmem>>)
      tpu.yield
    }) : () -> ()
    %run_scoped3A = arith.constant 0 : i32
    "tpu.region"() ({
      %run_scoped3A_135 = tpu.sem_alloc : memref<!tpu.dma_semaphore, #tpu.memory_space<semaphore_mem>>
      %dma_start3A_136 = arith.constant 0 : i32
      %dma_start3A_137 = tpu.memref_slice %arg14[%run_scoped3A, %dma_start3A_136] : memref<2x144xf32, #tpu.memory_space<vmem>> -> memref<1x144xf32, #tpu.memory_space<vmem>>
      %dma_start3A_138 = tpu.memref_squeeze %dma_start3A_137 : memref<1x144xf32, #tpu.memory_space<vmem>> -> memref<144xf32, #tpu.memory_space<vmem>>
      %dma_start3A_139 = arith.constant 0 : i32
      %dma_start3A_140 = tpu.memref_slice %arg14[%run_scoped3A, %dma_start3A_139] : memref<2x144xf32, #tpu.memory_space<vmem>> -> memref<1x144xf32, #tpu.memory_space<vmem>>
      %dma_start3A_141 = tpu.memref_squeeze %dma_start3A_140 : memref<1x144xf32, #tpu.memory_space<vmem>> -> memref<144xf32, #tpu.memory_space<vmem>>
      tpu.enqueue_dma source(%arg5 : memref<144xf32, #tpu.memory_space<hbm>>) target(%dma_start3A_141 : memref<144xf32, #tpu.memory_space<vmem>>) target_semaphore(%run_scoped3A_135 : memref<!tpu.dma_semaphore, #tpu.memory_space<semaphore_mem>>)
      %dma_wait3A_142 = arith.constant 0 : i32
      %dma_wait3A_143 = tpu.memref_slice %arg14[%run_scoped3A, %dma_wait3A_142] : memref<2x144xf32, #tpu.memory_space<vmem>> -> memref<1x144xf32, #tpu.memory_space<vmem>>
      %dma_wait3A_144 = tpu.memref_squeeze %dma_wait3A_143 : memref<1x144xf32, #tpu.memory_space<vmem>> -> memref<144xf32, #tpu.memory_space<vmem>>
      %dma_wait3A_145 = arith.constant 0 : i32
      %dma_wait3A_146 = tpu.memref_slice %arg14[%run_scoped3A, %dma_wait3A_145] : memref<2x144xf32, #tpu.memory_space<vmem>> -> memref<1x144xf32, #tpu.memory_space<vmem>>
      %dma_wait3A_147 = tpu.memref_squeeze %dma_wait3A_146 : memref<1x144xf32, #tpu.memory_space<vmem>> -> memref<144xf32, #tpu.memory_space<vmem>>
      tpu.wait_dma2 semaphore(%run_scoped3A_135 : memref<!tpu.dma_semaphore, #tpu.memory_space<semaphore_mem>>) src(%arg5 : memref<144xf32, #tpu.memory_space<hbm>>) dst(%dma_wait3A_147 : memref<144xf32, #tpu.memory_space<vmem>>)
      tpu.yield
    }) : () -> ()
    %run_scoped3A_3 = arith.constant 1 : i32
    "tpu.region"() ({
      %run_scoped3A_135 = tpu.sem_alloc : memref<!tpu.dma_semaphore, #tpu.memory_space<semaphore_mem>>
      %dma_start3A_136 = arith.constant 0 : i32
      %dma_start3A_137 = tpu.memref_slice %arg14[%run_scoped3A_3, %dma_start3A_136] : memref<2x144xf32, #tpu.memory_space<vmem>> -> memref<1x144xf32, #tpu.memory_space<vmem>>
      %dma_start3A_138 = tpu.memref_squeeze %dma_start3A_137 : memref<1x144xf32, #tpu.memory_space<vmem>> -> memref<144xf32, #tpu.memory_space<vmem>>
      %dma_start3A_139 = arith.constant 0 : i32
      %dma_start3A_140 = tpu.memref_slice %arg14[%run_scoped3A_3, %dma_start3A_139] : memref<2x144xf32, #tpu.memory_space<vmem>> -> memref<1x144xf32, #tpu.memory_space<vmem>>
      %dma_start3A_141 = tpu.memref_squeeze %dma_start3A_140 : memref<1x144xf32, #tpu.memory_space<vmem>> -> memref<144xf32, #tpu.memory_space<vmem>>
      tpu.enqueue_dma source(%arg6 : memref<144xf32, #tpu.memory_space<hbm>>) target(%dma_start3A_141 : memref<144xf32, #tpu.memory_space<vmem>>) target_semaphore(%run_scoped3A_135 : memref<!tpu.dma_semaphore, #tpu.memory_space<semaphore_mem>>)
      %dma_wait3A_142 = arith.constant 0 : i32
      %dma_wait3A_143 = tpu.memref_slice %arg14[%run_scoped3A_3, %dma_wait3A_142] : memref<2x144xf32, #tpu.memory_space<vmem>> -> memref<1x144xf32, #tpu.memory_space<vmem>>
      %dma_wait3A_144 = tpu.memref_squeeze %dma_wait3A_143 : memref<1x144xf32, #tpu.memory_space<vmem>> -> memref<144xf32, #tpu.memory_space<vmem>>
      %dma_wait3A_145 = arith.constant 0 : i32
      %dma_wait3A_146 = tpu.memref_slice %arg14[%run_scoped3A_3, %dma_wait3A_145] : memref<2x144xf32, #tpu.memory_space<vmem>> -> memref<1x144xf32, #tpu.memory_space<vmem>>
      %dma_wait3A_147 = tpu.memref_squeeze %dma_wait3A_146 : memref<1x144xf32, #tpu.memory_space<vmem>> -> memref<144xf32, #tpu.memory_space<vmem>>
      tpu.wait_dma2 semaphore(%run_scoped3A_135 : memref<!tpu.dma_semaphore, #tpu.memory_space<semaphore_mem>>) src(%arg6 : memref<144xf32, #tpu.memory_space<hbm>>) dst(%dma_wait3A_147 : memref<144xf32, #tpu.memory_space<vmem>>)
      tpu.yield
    }) : () -> ()
    %get3A = arith.constant 0 : i32
    %get3A_4 = arith.index_cast %get3A : i32 to index
    %get3A_5 = arith.constant 0 : index
    %get3A_6 = tpu.vector_load %arg14[%get3A_4, %get3A_5] {strides = array<i32>} : memref<2x144xf32, #tpu.memory_space<vmem>>, vector<16xf32>,
    %get3A_7 = arith.constant 0 : i32
    %get3A_8 = arith.index_cast %get3A_7 : i32 to index
    %get3A_9 = arith.constant 16 : index
    %get3A_10 = tpu.vector_load %arg14[%get3A_8, %get3A_9] {strides = array<i32>} : memref<2x144xf32, #tpu.memory_space<vmem>>, vector<16xf32>,
    %get3A_11 = arith.constant 0 : i32
    %get3A_12 = arith.index_cast %get3A_11 : i32 to index
    %get3A_13 = arith.constant 32 : index
    %get3A_14 = tpu.vector_load %arg14[%get3A_12, %get3A_13] {strides = array<i32>} : memref<2x144xf32, #tpu.memory_space<vmem>>, vector<16xf32>,
    %get3A_15 = arith.constant 0 : i32
    %get3A_16 = arith.index_cast %get3A_15 : i32 to index
    %get3A_17 = arith.constant 48 : index
    %get3A_18 = tpu.vector_load %arg14[%get3A_16, %get3A_17] {strides = array<i32>} : memref<2x144xf32, #tpu.memory_space<vmem>>, vector<16xf32>,
    %get3A_19 = arith.constant 0 : i32
    %get3A_20 = arith.index_cast %get3A_19 : i32 to index
    %get3A_21 = arith.constant 64 : index
    %get3A_22 = tpu.vector_load %arg14[%get3A_20, %get3A_21] {strides = array<i32>} : memref<2x144xf32, #tpu.memory_space<vmem>>, vector<16xf32>,
    %get3A_23 = arith.constant 0 : i32
    %get3A_24 = arith.index_cast %get3A_23 : i32 to index
    %get3A_25 = arith.constant 80 : index
    %get3A_26 = tpu.vector_load %arg14[%get3A_24, %get3A_25] {strides = array<i32>} : memref<2x144xf32, #tpu.memory_space<vmem>>, vector<16xf32>,
    %get3A_27 = arith.constant 0 : i32
    %get3A_28 = arith.index_cast %get3A_27 : i32 to index
    %get3A_29 = arith.constant 96 : index
    %get3A_30 = tpu.vector_load %arg14[%get3A_28, %get3A_29] {strides = array<i32>} : memref<2x144xf32, #tpu.memory_space<vmem>>, vector<16xf32>,
    %get3A_31 = arith.constant 0 : i32
    %get3A_32 = arith.index_cast %get3A_31 : i32 to index
    %get3A_33 = arith.constant 112 : index
    %get3A_34 = tpu.vector_load %arg14[%get3A_32, %get3A_33] {strides = array<i32>} : memref<2x144xf32, #tpu.memory_space<vmem>>, vector<16xf32>,
    %get3A_35 = arith.constant 0 : i32
    %get3A_36 = arith.index_cast %get3A_35 : i32 to index
    %get3A_37 = arith.constant 128 : index
    %get3A_38 = tpu.vector_load %arg14[%get3A_36, %get3A_37] {strides = array<i32>} : memref<2x144xf32, #tpu.memory_space<vmem>>, vector<16xf32>,
    %get3A_39 = arith.constant 1 : i32
    %get3A_40 = arith.index_cast %get3A_39 : i32 to index
    %get3A_41 = arith.constant 0 : index
    %get3A_42 = tpu.vector_load %arg14[%get3A_40, %get3A_41] {strides = array<i32>} : memref<2x144xf32, #tpu.memory_space<vmem>>, vector<16xf32>,
    %get3A_43 = arith.constant 1 : i32
    %get3A_44 = arith.index_cast %get3A_43 : i32 to index
    %get3A_45 = arith.constant 16 : index
    %get3A_46 = tpu.vector_load %arg14[%get3A_44, %get3A_45] {strides = array<i32>} : memref<2x144xf32, #tpu.memory_space<vmem>>, vector<16xf32>,
    %get3A_47 = arith.constant 1 : i32
    %get3A_48 = arith.index_cast %get3A_47 : i32 to index
    %get3A_49 = arith.constant 32 : index
    %get3A_50 = tpu.vector_load %arg14[%get3A_48, %get3A_49] {strides = array<i32>} : memref<2x144xf32, #tpu.memory_space<vmem>>, vector<16xf32>,
    %get3A_51 = arith.constant 1 : i32
    %get3A_52 = arith.index_cast %get3A_51 : i32 to index
    %get3A_53 = arith.constant 48 : index
    %get3A_54 = tpu.vector_load %arg14[%get3A_52, %get3A_53] {strides = array<i32>} : memref<2x144xf32, #tpu.memory_space<vmem>>, vector<16xf32>,
    %get3A_55 = arith.constant 1 : i32
    %get3A_56 = arith.index_cast %get3A_55 : i32 to index
    %get3A_57 = arith.constant 64 : index
    %get3A_58 = tpu.vector_load %arg14[%get3A_56, %get3A_57] {strides = array<i32>} : memref<2x144xf32, #tpu.memory_space<vmem>>, vector<16xf32>,
    %get3A_59 = arith.constant 1 : i32
    %get3A_60 = arith.index_cast %get3A_59 : i32 to index
    %get3A_61 = arith.constant 80 : index
    %get3A_62 = tpu.vector_load %arg14[%get3A_60, %get3A_61] {strides = array<i32>} : memref<2x144xf32, #tpu.memory_space<vmem>>, vector<16xf32>,
    %get3A_63 = arith.constant 1 : i32
    %get3A_64 = arith.index_cast %get3A_63 : i32 to index
    %get3A_65 = arith.constant 96 : index
    %get3A_66 = tpu.vector_load %arg14[%get3A_64, %get3A_65] {strides = array<i32>} : memref<2x144xf32, #tpu.memory_space<vmem>>, vector<16xf32>,
    %get3A_67 = arith.constant 1 : i32
    %get3A_68 = arith.index_cast %get3A_67 : i32 to index
    %get3A_69 = arith.constant 112 : index
    %get3A_70 = tpu.vector_load %arg14[%get3A_68, %get3A_69] {strides = array<i32>} : memref<2x144xf32, #tpu.memory_space<vmem>>, vector<16xf32>,
    %get3A_71 = arith.constant 1 : i32
    %get3A_72 = arith.index_cast %get3A_71 : i32 to index
    %get3A_73 = arith.constant 128 : index
    %get3A_74 = tpu.vector_load %arg14[%get3A_72, %get3A_73] {strides = array<i32>} : memref<2x144xf32, #tpu.memory_space<vmem>>, vector<16xf32>,
    %iota3A = tpu.iota {dimensions = array<i32: 0>} : vector<16xi32>
    %shift_right_arithmetic3A = arith.constant 3 : i32
    %shift_right_arithmetic3A_75 = vector.broadcast %shift_right_arithmetic3A : i32 to vector<16xi32>
    %shift_right_arithmetic3A_76 = arith.shrsi %iota3A, %shift_right_arithmetic3A_75 : vector<16xi32>
    %and3A = arith.constant 7 : i32
    %and3A_77 = vector.broadcast %and3A : i32 to vector<16xi32>
    %and3A_78 = arith.andi %iota3A, %and3A_77 : vector<16xi32>
    %dma_start3A = arith.constant 0 : i32
    %dma_start3A_79 = arith.constant 0 : i32
    %dma_start3A_80 = tpu.memref_slice %arg8[%dma_start3A, %dma_start3A_79] : memref<50x512xi32, #tpu.memory_space<vmem>> -> memref<1x128xi32, #tpu.memory_space<vmem>>
    %dma_start3A_81 = tpu.memref_squeeze %dma_start3A_80 : memref<1x128xi32, #tpu.memory_space<vmem>> -> memref<128xi32, #tpu.memory_space<vmem>>
    %dma_start3A_82 = arith.constant 0 : i32
    %dma_start3A_83 = arith.constant 0 : i32
    %dma_start3A_84 = tpu.memref_slice %arg3[%dma_start3A_82, %dma_start3A_83] : memref<100000x144xf32, #tpu.memory_space<hbm>> -> memref<100000x144xf32, #tpu.memory_space<hbm>>
    tpu.enqueue_indirect_dma source(%dma_start3A_84 : memref<100000x144xf32, #tpu.memory_space<hbm>>) target(%arg9 : memref<128x144xf32, #tpu.memory_space<vmem>>) offsets(%dma_start3A_81 : memref<128xi32, #tpu.memory_space<vmem>>) semaphore(%arg15 : memref<!tpu.dma_semaphore, #tpu.memory_space<semaphore_mem>>)
    %dma_start3A_85 = arith.constant 0 : i32
    %dma_start3A_86 = arith.constant 128 : i32
    %dma_start3A_87 = tpu.memref_slice %arg8[%dma_start3A_85, %dma_start3A_86] : memref<50x512xi32, #tpu.memory_space<vmem>> -> memref<1x128xi32, #tpu.memory_space<vmem>>
    %dma_start3A_88 = tpu.memref_squeeze %dma_start3A_87 : memref<1x128xi32, #tpu.memory_space<vmem>> -> memref<128xi32, #tpu.memory_space<vmem>>
    %dma_start3A_89 = arith.constant 0 : i32
    %dma_start3A_90 = arith.constant 0 : i32
    %dma_start3A_91 = tpu.memref_slice %arg3[%dma_start3A_89, %dma_start3A_90] : memref<100000x144xf32, #tpu.memory_space<hbm>> -> memref<100000x144xf32, #tpu.memory_space<hbm>>
    tpu.enqueue_indirect_dma source(%dma_start3A_91 : memref<100000x144xf32, #tpu.memory_space<hbm>>) target(%arg10 : memref<128x144xf32, #tpu.memory_space<vmem>>) offsets(%dma_start3A_88 : memref<128xi32, #tpu.memory_space<vmem>>) semaphore(%arg16 : memref<!tpu.dma_semaphore, #tpu.memory_space<semaphore_mem>>)
    %scan3A = arith.constant 0 : i32
    %scan3A_92 = arith.constant 100 : i32
    %scan3A_93 = arith.addi %scan3A, %scan3A_92 : i32
    %scan3A_94 = arith.constant 1 : i32
    scf.for %scan3A_135 = %scan3A to %scan3A_93 step %scan3A_94  : i32 {
      %mul3A_136 = arith.constant 2 : i32
      %mul3A_137 = arith.muli %scan3A_135, %mul3A_136 : i32
      %add3A_138 = arith.constant 0 : i32
      %add3A_139 = arith.addi %add3A_138, %mul3A_137 : i32
      %add3A_140 = arith.constant 0 : i32
      %add3A_141 = arith.addi %add3A_139, %add3A_140 : i32
      %shift_right_arithmetic3A_142 = arith.constant 2 : i32
      %shift_right_arithmetic3A_143 = arith.shrsi %add3A_141, %shift_right_arithmetic3A_142 : i32
      %and3A_144 = arith.constant 3 : i32
      %and3A_145 = arith.andi %add3A_141, %and3A_144 : i32
      %dma_wait3A_146 = arith.constant 0 : i32
      %dma_wait3A_147 = arith.constant 0 : i32
      %dma_wait3A_148 = tpu.memref_slice %arg8[%dma_wait3A_146, %dma_wait3A_147] : memref<50x512xi32, #tpu.memory_space<vmem>> -> memref<1x128xi32, #tpu.memory_space<vmem>>
      %dma_wait3A_149 = tpu.memref_squeeze %dma_wait3A_148 : memref<1x128xi32, #tpu.memory_space<vmem>> -> memref<128xi32, #tpu.memory_space<vmem>>
      %dma_wait3A_150 = arith.constant 0 : i32
      %dma_wait3A_151 = arith.constant 0 : i32
      %dma_wait3A_152 = tpu.memref_slice %arg3[%dma_wait3A_150, %dma_wait3A_151] : memref<100000x144xf32, #tpu.memory_space<hbm>> -> memref<100000x144xf32, #tpu.memory_space<hbm>>
      tpu.wait_indirect_dma semaphore(%arg15 : memref<!tpu.dma_semaphore, #tpu.memory_space<semaphore_mem>>) src(%dma_wait3A_152 : memref<100000x144xf32, #tpu.memory_space<hbm>>) dst(%arg9 : memref<128x144xf32, #tpu.memory_space<vmem>>)
      %ge3A = arith.constant 2 : i32
      %ge3A_153 = arith.cmpi sge, %add3A_141, %ge3A : i32
      %convert_element_type3A = arith.extui %ge3A_153 : i1 to i32
      %cond3A = arith.constant 0 : i32
      %cond3A_154 = arith.cmpi ne, %convert_element_type3A, %cond3A : i32
      scf.if %cond3A_154 {
        %dma_wait3A_292 = arith.constant 0 : i32
        %dma_wait3A_293 = arith.constant 0 : i32
        %dma_wait3A_294 = arith.constant 0 : i32
        %dma_wait3A_295 = arith.constant 0 : i32
        %dma_wait3A_296 = arith.constant 0 : i32
        %dma_wait3A_297 = tpu.memref_slice %arg11[%dma_wait3A_294, %dma_wait3A_295, %dma_wait3A_296] : memref<18x8x129xf32, #tpu.memory_space<vmem>> -> memref<18x8x128xf32, #tpu.memory_space<vmem>>
        %dma_wait3A_298 = arith.constant 0 : i32
        %dma_wait3A_299 = arith.constant 0 : i32
        %dma_wait3A_300 = arith.constant 0 : i32
        %dma_wait3A_301 = tpu.memref_slice %arg7[%dma_wait3A_292, %dma_wait3A_298, %dma_wait3A_293, %dma_wait3A_299, %dma_wait3A_300] : memref<50x18x128x8x128xf32, #tpu.memory_space<hbm>> -> memref<1x18x1x8x128xf32, #tpu.memory_space<hbm>>
        %dma_wait3A_302 = tpu.memref_squeeze %dma_wait3A_301 : memref<1x18x1x8x128xf32, #tpu.memory_space<hbm>> -> memref<18x8x128xf32, #tpu.memory_space<hbm>>
        %dma_wait3A_303 = arith.constant 0 : i32
        %dma_wait3A_304 = arith.constant 0 : i32
        %dma_wait3A_305 = arith.constant 0 : i32
        %dma_wait3A_306 = tpu.memref_slice %arg11[%dma_wait3A_303, %dma_wait3A_304, %dma_wait3A_305] : memref<18x8x129xf32, #tpu.memory_space<vmem>> -> memref<18x8x128xf32, #tpu.memory_space<vmem>>
        %dma_wait3A_307 = arith.constant 0 : i32
        %dma_wait3A_308 = arith.constant 0 : i32
        %dma_wait3A_309 = arith.constant 0 : i32
        %dma_wait3A_310 = tpu.memref_slice %arg7[%dma_wait3A_292, %dma_wait3A_307, %dma_wait3A_293, %dma_wait3A_308, %dma_wait3A_309] : memref<50x18x128x8x128xf32, #tpu.memory_space<hbm>> -> memref<1x18x1x8x128xf32, #tpu.memory_space<hbm>>
        %dma_wait3A_311 = tpu.memref_squeeze %dma_wait3A_310 : memref<1x18x1x8x128xf32, #tpu.memory_space<hbm>> -> memref<18x8x128xf32, #tpu.memory_space<hbm>>
        tpu.wait_dma2 semaphore(%arg17 : memref<!tpu.dma_semaphore, #tpu.memory_space<semaphore_mem>>) src(%dma_wait3A_311 : memref<18x8x128xf32, #tpu.memory_space<hbm>>) dst(%dma_wait3A_306 : memref<18x8x128xf32, #tpu.memory_space<vmem>>)
      } else {
      }
      %get3A_155 = arith.index_cast %shift_right_arithmetic3A_143 : i32 to index
      %get3A_156 = arith.constant 0 : index
      %get3A_157 = tpu.vector_load %arg13[%get3A_155, %get3A_156] {strides = array<i32>} : memref<60x144xf32, #tpu.memory_space<vmem>>, vector<16xf32>,
      %get3A_158 = arith.index_cast %shift_right_arithmetic3A_143 : i32 to index
      %get3A_159 = arith.constant 16 : index
      %get3A_160 = tpu.vector_load %arg13[%get3A_158, %get3A_159] {strides = array<i32>} : memref<60x144xf32, #tpu.memory_space<vmem>>, vector<16xf32>,
      %get3A_161 = arith.index_cast %shift_right_arithmetic3A_143 : i32 to index
      %get3A_162 = arith.constant 32 : index
      %get3A_163 = tpu.vector_load %arg13[%get3A_161, %get3A_162] {strides = array<i32>} : memref<60x144xf32, #tpu.memory_space<vmem>>, vector<16xf32>,
      %get3A_164 = arith.index_cast %shift_right_arithmetic3A_143 : i32 to index
      %get3A_165 = arith.constant 48 : index
      %get3A_166 = tpu.vector_load %arg13[%get3A_164, %get3A_165] {strides = array<i32>} : memref<60x144xf32, #tpu.memory_space<vmem>>, vector<16xf32>,
      %get3A_167 = arith.index_cast %shift_right_arithmetic3A_143 : i32 to index
      %get3A_168 = arith.constant 64 : index
      %get3A_169 = tpu.vector_load %arg13[%get3A_167, %get3A_168] {strides = array<i32>} : memref<60x144xf32, #tpu.memory_space<vmem>>, vector<16xf32>,
      %get3A_170 = arith.index_cast %shift_right_arithmetic3A_143 : i32 to index
      %get3A_171 = arith.constant 80 : index
      %get3A_172 = tpu.vector_load %arg13[%get3A_170, %get3A_171] {strides = array<i32>} : memref<60x144xf32, #tpu.memory_space<vmem>>, vector<16xf32>,
      %get3A_173 = arith.index_cast %shift_right_arithmetic3A_143 : i32 to index
      %get3A_174 = arith.constant 96 : index
      %get3A_175 = tpu.vector_load %arg13[%get3A_173, %get3A_174] {strides = array<i32>} : memref<60x144xf32, #tpu.memory_space<vmem>>, vector<16xf32>,
      %get3A_176 = arith.index_cast %shift_right_arithmetic3A_143 : i32 to index
      %get3A_177 = arith.constant 112 : index
      %get3A_178 = tpu.vector_load %arg13[%get3A_176, %get3A_177] {strides = array<i32>} : memref<60x144xf32, #tpu.memory_space<vmem>>, vector<16xf32>,
      %get3A_179 = arith.index_cast %shift_right_arithmetic3A_143 : i32 to index
      %get3A_180 = arith.constant 128 : index
      %get3A_181 = tpu.vector_load %arg13[%get3A_179, %get3A_180] {strides = array<i32>} : memref<60x144xf32, #tpu.memory_space<vmem>>, vector<16xf32>,
      %scan3A_182 = arith.constant 0 : i32
      %scan3A_183 = arith.constant 128 : i32
      %scan3A_184 = arith.addi %scan3A_182, %scan3A_183 : i32
      %scan3A_185 = arith.constant 2 : i32
      scf.for %scan3A_292 = %scan3A_182 to %scan3A_184 step %scan3A_185  : i32 {
        %mul3A_293 = arith.constant 1 : i32
        %mul3A_294 = arith.muli %scan3A_292, %mul3A_293 : i32
        %add3A_295 = arith.constant 0 : i32
        %add3A_296 = arith.addi %add3A_295, %mul3A_294 : i32
        %get3A_297 = arith.index_cast %add3A_296 : i32 to index
        %get3A_298 = arith.constant 0 : index
        %get3A_299 = tpu.vector_load %arg9[%get3A_297, %get3A_298] {strides = array<i32>} : memref<128x144xf32, #tpu.memory_space<vmem>>, vector<16xf32>,
        %add3A_300 = arith.addf %get3A_299, %get3A_157 : vector<16xf32>
        %get3A_301 = arith.index_cast %add3A_296 : i32 to index
        %get3A_302 = arith.constant 16 : index
        %get3A_303 = tpu.vector_load %arg9[%get3A_301, %get3A_302] {strides = array<i32>} : memref<128x144xf32, #tpu.memory_space<vmem>>, vector<16xf32>,
        %add3A_304 = arith.addf %get3A_303, %get3A_160 : vector<16xf32>
        %get3A_305 = arith.index_cast %add3A_296 : i32 to index
        %get3A_306 = arith.constant 32 : index
        %get3A_307 = tpu.vector_load %arg9[%get3A_305, %get3A_306] {strides = array<i32>} : memref<128x144xf32, #tpu.memory_space<vmem>>, vector<16xf32>,
        %add3A_308 = arith.addf %get3A_307, %get3A_163 : vector<16xf32>
        %get3A_309 = arith.index_cast %add3A_296 : i32 to index
        %get3A_310 = arith.constant 48 : index
        %get3A_311 = tpu.vector_load %arg9[%get3A_309, %get3A_310] {strides = array<i32>} : memref<128x144xf32, #tpu.memory_space<vmem>>, vector<16xf32>,
        %add3A_312 = arith.addf %get3A_311, %get3A_166 : vector<16xf32>
        %get3A_313 = arith.index_cast %add3A_296 : i32 to index
        %get3A_314 = arith.constant 64 : index
        %get3A_315 = tpu.vector_load %arg9[%get3A_313, %get3A_314] {strides = array<i32>} : memref<128x144xf32, #tpu.memory_space<vmem>>, vector<16xf32>,
        %add3A_316 = arith.addf %get3A_315, %get3A_169 : vector<16xf32>
        %get3A_317 = arith.index_cast %add3A_296 : i32 to index
        %get3A_318 = arith.constant 80 : index
        %get3A_319 = tpu.vector_load %arg9[%get3A_317, %get3A_318] {strides = array<i32>} : memref<128x144xf32, #tpu.memory_space<vmem>>, vector<16xf32>,
        %add3A_320 = arith.addf %get3A_319, %get3A_172 : vector<16xf32>
        %get3A_321 = arith.index_cast %add3A_296 : i32 to index
        %get3A_322 = arith.constant 96 : index
        %get3A_323 = tpu.vector_load %arg9[%get3A_321, %get3A_322] {strides = array<i32>} : memref<128x144xf32, #tpu.memory_space<vmem>>, vector<16xf32>,
        %add3A_324 = arith.addf %get3A_323, %get3A_175 : vector<16xf32>
        %get3A_325 = arith.index_cast %add3A_296 : i32 to index
        %get3A_326 = arith.constant 112 : index
        %get3A_327 = tpu.vector_load %arg9[%get3A_325, %get3A_326] {strides = array<i32>} : memref<128x144xf32, #tpu.memory_space<vmem>>, vector<16xf32>,
        %add3A_328 = arith.addf %get3A_327, %get3A_178 : vector<16xf32>
        %get3A_329 = arith.index_cast %add3A_296 : i32 to index
        %get3A_330 = arith.constant 128 : index
        %get3A_331 = tpu.vector_load %arg9[%get3A_329, %get3A_330] {strides = array<i32>} : memref<128x144xf32, #tpu.memory_space<vmem>>, vector<16xf32>,
        %add3A_332 = arith.addf %get3A_331, %get3A_181 : vector<16xf32>
        %add3A_333 = arith.addf %add3A_300, %add3A_304 : vector<16xf32>
        %add3A_334 = arith.addf %add3A_308, %add3A_312 : vector<16xf32>
        %add3A_335 = arith.addf %add3A_316, %add3A_320 : vector<16xf32>
        %add3A_336 = arith.addf %add3A_324, %add3A_328 : vector<16xf32>
        %add3A_337 = arith.addf %add3A_333, %add3A_334 : vector<16xf32>
        %add3A_338 = arith.addf %add3A_335, %add3A_336 : vector<16xf32>
        %add3A_339 = arith.addf %add3A_337, %add3A_338 : vector<16xf32>
        %add3A_340 = arith.addf %add3A_339, %add3A_332 : vector<16xf32>
        %xor3A = arith.constant 8 : i32
        %xor3A_341 = vector.broadcast %xor3A : i32 to vector<16xi32>
        %xor3A_342 = arith.xori %iota3A, %xor3A_341 : vector<16xi32>
        %lt3A_343 = arith.constant 0 : i32
        %lt3A_344 = vector.broadcast %lt3A_343 : i32 to vector<16xi32>
        %lt3A_345 = arith.cmpi slt, %xor3A_342, %lt3A_344 : vector<16xi32>
        %add3A_346 = arith.constant 16 : i32
        %add3A_347 = vector.broadcast %add3A_346 : i32 to vector<16xi32>
        %add3A_348 = arith.addi %xor3A_342, %add3A_347 : vector<16xi32>
        %select_n3A = arith.select %lt3A_345, %add3A_348, %xor3A_342 : vector<16xi1>, vector<16xi32>
        %broadcast_in_dim3A = vector.shape_cast %select_n3A : vector<16xi32> to vector<16x1xi32>
        %gather3A = vector.shape_cast %broadcast_in_dim3A : vector<16x1xi32> to vector<16xi32>
        %gather3A_349 = tpu.dynamic_gather %add3A_340[%gather3A] in [0] : vector<16xf32>, vector<16xi32> -> vector<16xf32>
        %add3A_350 = arith.addf %add3A_340, %gather3A_349 : vector<16xf32>
        %xor3A_351 = arith.constant 4 : i32
        %xor3A_352 = vector.broadcast %xor3A_351 : i32 to vector<16xi32>
        %xor3A_353 = arith.xori %iota3A, %xor3A_352 : vector<16xi32>
        %lt3A_354 = arith.constant 0 : i32
        %lt3A_355 = vector.broadcast %lt3A_354 : i32 to vector<16xi32>
        %lt3A_356 = arith.cmpi slt, %xor3A_353, %lt3A_355 : vector<16xi32>
        %add3A_357 = arith.constant 16 : i32
        %add3A_358 = vector.broadcast %add3A_357 : i32 to vector<16xi32>
        %add3A_359 = arith.addi %xor3A_353, %add3A_358 : vector<16xi32>
        %select_n3A_360 = arith.select %lt3A_356, %add3A_359, %xor3A_353 : vector<16xi1>, vector<16xi32>
        %broadcast_in_dim3A_361 = vector.shape_cast %select_n3A_360 : vector<16xi32> to vector<16x1xi32>
        %gather3A_362 = vector.shape_cast %broadcast_in_dim3A_361 : vector<16x1xi32> to vector<16xi32>
        %gather3A_363 = tpu.dynamic_gather %add3A_350[%gather3A_362] in [0] : vector<16xf32>, vector<16xi32> -> vector<16xf32>
        %add3A_364 = arith.addf %add3A_350, %gather3A_363 : vector<16xf32>
        %xor3A_365 = arith.constant 2 : i32
        %xor3A_366 = vector.broadcast %xor3A_365 : i32 to vector<16xi32>
        %xor3A_367 = arith.xori %iota3A, %xor3A_366 : vector<16xi32>
        %lt3A_368 = arith.constant 0 : i32
        %lt3A_369 = vector.broadcast %lt3A_368 : i32 to vector<16xi32>
        %lt3A_370 = arith.cmpi slt, %xor3A_367, %lt3A_369 : vector<16xi32>
        %add3A_371 = arith.constant 16 : i32
        %add3A_372 = vector.broadcast %add3A_371 : i32 to vector<16xi32>
        %add3A_373 = arith.addi %xor3A_367, %add3A_372 : vector<16xi32>
        %select_n3A_374 = arith.select %lt3A_370, %add3A_373, %xor3A_367 : vector<16xi1>, vector<16xi32>
        %broadcast_in_dim3A_375 = vector.shape_cast %select_n3A_374 : vector<16xi32> to vector<16x1xi32>
        %gather3A_376 = vector.shape_cast %broadcast_in_dim3A_375 : vector<16x1xi32> to vector<16xi32>
        %gather3A_377 = tpu.dynamic_gather %add3A_364[%gather3A_376] in [0] : vector<16xf32>, vector<16xi32> -> vector<16xf32>
        %add3A_378 = arith.addf %add3A_364, %gather3A_377 : vector<16xf32>
        %xor3A_379 = arith.constant 1 : i32
        %xor3A_380 = vector.broadcast %xor3A_379 : i32 to vector<16xi32>
        %xor3A_381 = arith.xori %iota3A, %xor3A_380 : vector<16xi32>
        %lt3A_382 = arith.constant 0 : i32
        %lt3A_383 = vector.broadcast %lt3A_382 : i32 to vector<16xi32>
        %lt3A_384 = arith.cmpi slt, %xor3A_381, %lt3A_383 : vector<16xi32>
        %add3A_385 = arith.constant 16 : i32
        %add3A_386 = vector.broadcast %add3A_385 : i32 to vector<16xi32>
        %add3A_387 = arith.addi %xor3A_381, %add3A_386 : vector<16xi32>
        %select_n3A_388 = arith.select %lt3A_384, %add3A_387, %xor3A_381 : vector<16xi1>, vector<16xi32>
        %broadcast_in_dim3A_389 = vector.shape_cast %select_n3A_388 : vector<16xi32> to vector<16x1xi32>
        %gather3A_390 = vector.shape_cast %broadcast_in_dim3A_389 : vector<16x1xi32> to vector<16xi32>
        %gather3A_391 = tpu.dynamic_gather %add3A_378[%gather3A_390] in [0] : vector<16xf32>, vector<16xi32> -> vector<16xf32>
        %add3A_392 = arith.addf %add3A_378, %gather3A_391 : vector<16xf32>
        %mul3A_393 = arith.constant 0.0069444445 : f32
        %mul3A_394 = vector.broadcast %mul3A_393 : f32 to vector<16xf32>
        %mul3A_395 = arith.mulf %add3A_392, %mul3A_394 : vector<16xf32>
        %mul3A_396 = arith.mulf %add3A_300, %add3A_300 : vector<16xf32>
        %mul3A_397 = arith.mulf %add3A_304, %add3A_304 : vector<16xf32>
        %mul3A_398 = arith.mulf %add3A_308, %add3A_308 : vector<16xf32>
        %mul3A_399 = arith.mulf %add3A_312, %add3A_312 : vector<16xf32>
        %mul3A_400 = arith.mulf %add3A_316, %add3A_316 : vector<16xf32>
        %mul3A_401 = arith.mulf %add3A_320, %add3A_320 : vector<16xf32>
        %mul3A_402 = arith.mulf %add3A_324, %add3A_324 : vector<16xf32>
        %mul3A_403 = arith.mulf %add3A_328, %add3A_328 : vector<16xf32>
        %mul3A_404 = arith.mulf %add3A_332, %add3A_332 : vector<16xf32>
        %add3A_405 = arith.addf %mul3A_396, %mul3A_397 : vector<16xf32>
        %add3A_406 = arith.addf %mul3A_398, %mul3A_399 : vector<16xf32>
        %add3A_407 = arith.addf %mul3A_400, %mul3A_401 : vector<16xf32>
        %add3A_408 = arith.addf %mul3A_402, %mul3A_403 : vector<16xf32>
        %add3A_409 = arith.addf %add3A_405, %add3A_406 : vector<16xf32>
        %add3A_410 = arith.addf %add3A_407, %add3A_408 : vector<16xf32>
        %add3A_411 = arith.addf %add3A_409, %add3A_410 : vector<16xf32>
        %add3A_412 = arith.addf %add3A_411, %mul3A_404 : vector<16xf32>
        %xor3A_413 = arith.constant 8 : i32
        %xor3A_414 = vector.broadcast %xor3A_413 : i32 to vector<16xi32>
        %xor3A_415 = arith.xori %iota3A, %xor3A_414 : vector<16xi32>
        %lt3A_416 = arith.constant 0 : i32
        %lt3A_417 = vector.broadcast %lt3A_416 : i32 to vector<16xi32>
        %lt3A_418 = arith.cmpi slt, %xor3A_415, %lt3A_417 : vector<16xi32>
        %add3A_419 = arith.constant 16 : i32
        %add3A_420 = vector.broadcast %add3A_419 : i32 to vector<16xi32>
        %add3A_421 = arith.addi %xor3A_415, %add3A_420 : vector<16xi32>
        %select_n3A_422 = arith.select %lt3A_418, %add3A_421, %xor3A_415 : vector<16xi1>, vector<16xi32>
        %broadcast_in_dim3A_423 = vector.shape_cast %select_n3A_422 : vector<16xi32> to vector<16x1xi32>
        %gather3A_424 = vector.shape_cast %broadcast_in_dim3A_423 : vector<16x1xi32> to vector<16xi32>
        %gather3A_425 = tpu.dynamic_gather %add3A_412[%gather3A_424] in [0] : vector<16xf32>, vector<16xi32> -> vector<16xf32>
        %add3A_426 = arith.addf %add3A_412, %gather3A_425 : vector<16xf32>
        %xor3A_427 = arith.constant 4 : i32
        %xor3A_428 = vector.broadcast %xor3A_427 : i32 to vector<16xi32>
        %xor3A_429 = arith.xori %iota3A, %xor3A_428 : vector<16xi32>
        %lt3A_430 = arith.constant 0 : i32
        %lt3A_431 = vector.broadcast %lt3A_430 : i32 to vector<16xi32>
        %lt3A_432 = arith.cmpi slt, %xor3A_429, %lt3A_431 : vector<16xi32>
        %add3A_433 = arith.constant 16 : i32
        %add3A_434 = vector.broadcast %add3A_433 : i32 to vector<16xi32>
        %add3A_435 = arith.addi %xor3A_429, %add3A_434 : vector<16xi32>
        %select_n3A_436 = arith.select %lt3A_432, %add3A_435, %xor3A_429 : vector<16xi1>, vector<16xi32>
        %broadcast_in_dim3A_437 = vector.shape_cast %select_n3A_436 : vector<16xi32> to vector<16x1xi32>
        %gather3A_438 = vector.shape_cast %broadcast_in_dim3A_437 : vector<16x1xi32> to vector<16xi32>
        %gather3A_439 = tpu.dynamic_gather %add3A_426[%gather3A_438] in [0] : vector<16xf32>, vector<16xi32> -> vector<16xf32>
        %add3A_440 = arith.addf %add3A_426, %gather3A_439 : vector<16xf32>
        %xor3A_441 = arith.constant 2 : i32
        %xor3A_442 = vector.broadcast %xor3A_441 : i32 to vector<16xi32>
        %xor3A_443 = arith.xori %iota3A, %xor3A_442 : vector<16xi32>
        %lt3A_444 = arith.constant 0 : i32
        %lt3A_445 = vector.broadcast %lt3A_444 : i32 to vector<16xi32>
        %lt3A_446 = arith.cmpi slt, %xor3A_443, %lt3A_445 : vector<16xi32>
        %add3A_447 = arith.constant 16 : i32
        %add3A_448 = vector.broadcast %add3A_447 : i32 to vector<16xi32>
        %add3A_449 = arith.addi %xor3A_443, %add3A_448 : vector<16xi32>
        %select_n3A_450 = arith.select %lt3A_446, %add3A_449, %xor3A_443 : vector<16xi1>, vector<16xi32>
        %broadcast_in_dim3A_451 = vector.shape_cast %select_n3A_450 : vector<16xi32> to vector<16x1xi32>
        %gather3A_452 = vector.shape_cast %broadcast_in_dim3A_451 : vector<16x1xi32> to vector<16xi32>
        %gather3A_453 = tpu.dynamic_gather %add3A_440[%gather3A_452] in [0] : vector<16xf32>, vector<16xi32> -> vector<16xf32>
        %add3A_454 = arith.addf %add3A_440, %gather3A_453 : vector<16xf32>
        %xor3A_455 = arith.constant 1 : i32
        %xor3A_456 = vector.broadcast %xor3A_455 : i32 to vector<16xi32>
        %xor3A_457 = arith.xori %iota3A, %xor3A_456 : vector<16xi32>
        %lt3A_458 = arith.constant 0 : i32
        %lt3A_459 = vector.broadcast %lt3A_458 : i32 to vector<16xi32>
        %lt3A_460 = arith.cmpi slt, %xor3A_457, %lt3A_459 : vector<16xi32>
        %add3A_461 = arith.constant 16 : i32
        %add3A_462 = vector.broadcast %add3A_461 : i32 to vector<16xi32>
        %add3A_463 = arith.addi %xor3A_457, %add3A_462 : vector<16xi32>
        %select_n3A_464 = arith.select %lt3A_460, %add3A_463, %xor3A_457 : vector<16xi1>, vector<16xi32>
        %broadcast_in_dim3A_465 = vector.shape_cast %select_n3A_464 : vector<16xi32> to vector<16x1xi32>
        %gather3A_466 = vector.shape_cast %broadcast_in_dim3A_465 : vector<16x1xi32> to vector<16xi32>
        %gather3A_467 = tpu.dynamic_gather %add3A_454[%gather3A_466] in [0] : vector<16xf32>, vector<16xi32> -> vector<16xf32>
        %add3A_468 = arith.addf %add3A_454, %gather3A_467 : vector<16xf32>
        %mul3A_469 = arith.constant 0.0069444445 : f32
        %mul3A_470 = vector.broadcast %mul3A_469 : f32 to vector<16xf32>
        %mul3A_471 = arith.mulf %add3A_468, %mul3A_470 : vector<16xf32>
        %mul3A_472 = arith.mulf %mul3A_395, %mul3A_395 : vector<16xf32>
        %sub3A = arith.subf %mul3A_471, %mul3A_472 : vector<16xf32>
        %add3A_473 = arith.constant 9.99999974E-6 : f32
        %add3A_474 = vector.broadcast %add3A_473 : f32 to vector<16xf32>
        %add3A_475 = arith.addf %sub3A, %add3A_474 : vector<16xf32>
        %bitcast_convert_type3A = tpu.bitcast %add3A_475 : vector<16xf32> -> vector<16xi32>
        %shift_right_arithmetic3A_476 = arith.constant 1 : i32
        %shift_right_arithmetic3A_477 = vector.broadcast %shift_right_arithmetic3A_476 : i32 to vector<16xi32>
        %shift_right_arithmetic3A_478 = arith.shrsi %bitcast_convert_type3A, %shift_right_arithmetic3A_477 : vector<16xi32>
        %sub3A_479 = arith.constant 1597463007 : i32
        %sub3A_480 = vector.broadcast %sub3A_479 : i32 to vector<16xi32>
        %sub3A_481 = arith.subi %sub3A_480, %shift_right_arithmetic3A_478 : vector<16xi32>
        %bitcast_convert_type3A_482 = tpu.bitcast %sub3A_481 : vector<16xi32> -> vector<16xf32>
        %mul3A_483 = arith.constant 5.000000e-01 : f32
        %mul3A_484 = vector.broadcast %mul3A_483 : f32 to vector<16xf32>
        %mul3A_485 = arith.mulf %mul3A_484, %add3A_475 : vector<16xf32>
        %mul3A_486 = arith.mulf %mul3A_485, %bitcast_convert_type3A_482 : vector<16xf32>
        %mul3A_487 = arith.mulf %mul3A_486, %bitcast_convert_type3A_482 : vector<16xf32>
        %sub3A_488 = arith.constant 1.500000e+00 : f32
        %sub3A_489 = vector.broadcast %sub3A_488 : f32 to vector<16xf32>
        %sub3A_490 = arith.subf %sub3A_489, %mul3A_487 : vector<16xf32>
        %mul3A_491 = arith.mulf %bitcast_convert_type3A_482, %sub3A_490 : vector<16xf32>
        %mul3A_492 = arith.constant 5.000000e-01 : f32
        %mul3A_493 = vector.broadcast %mul3A_492 : f32 to vector<16xf32>
        %mul3A_494 = arith.mulf %mul3A_493, %add3A_475 : vector<16xf32>
        %mul3A_495 = arith.mulf %mul3A_494, %mul3A_491 : vector<16xf32>
        %mul3A_496 = arith.mulf %mul3A_495, %mul3A_491 : vector<16xf32>
        %sub3A_497 = arith.constant 1.500000e+00 : f32
        %sub3A_498 = vector.broadcast %sub3A_497 : f32 to vector<16xf32>
        %sub3A_499 = arith.subf %sub3A_498, %mul3A_496 : vector<16xf32>
        %mul3A_500 = arith.mulf %mul3A_491, %sub3A_499 : vector<16xf32>
        %broadcast_in_dim3A_501 = vector.broadcast %add3A_296 : i32 to vector<16xi32>
        %sub3A_502 = arith.subf %add3A_300, %mul3A_395 : vector<16xf32>
        %mul3A_503 = arith.mulf %mul3A_500, %get3A_6 : vector<16xf32>
        %mul3A_504 = arith.mulf %sub3A_502, %mul3A_503 : vector<16xf32>
        %add3A_505 = arith.addf %mul3A_504, %get3A_42 : vector<16xf32>
        %add3A_506 = arith.constant 0 : i32
        %add3A_507 = vector.broadcast %add3A_506 : i32 to vector<16xi32>
        %add3A_508 = arith.addi %shift_right_arithmetic3A_76, %add3A_507 : vector<16xi32>
        tpu.vector_store_idx %arg11[%add3A_508, %and3A_78, %broadcast_in_dim3A_501], %add3A_505 : memref<18x8x129xf32, #tpu.memory_space<vmem>>[vector<16xi32>, vector<16xi32>, vector<16xi32>], vector<16xf32>,
        %sub3A_509 = arith.subf %add3A_304, %mul3A_395 : vector<16xf32>
        %mul3A_510 = arith.mulf %mul3A_500, %get3A_10 : vector<16xf32>
        %mul3A_511 = arith.mulf %sub3A_509, %mul3A_510 : vector<16xf32>
        %add3A_512 = arith.addf %mul3A_511, %get3A_46 : vector<16xf32>
        %add3A_513 = arith.constant 2 : i32
        %add3A_514 = vector.broadcast %add3A_513 : i32 to vector<16xi32>
        %add3A_515 = arith.addi %shift_right_arithmetic3A_76, %add3A_514 : vector<16xi32>
        tpu.vector_store_idx %arg11[%add3A_515, %and3A_78, %broadcast_in_dim3A_501], %add3A_512 : memref<18x8x129xf32, #tpu.memory_space<vmem>>[vector<16xi32>, vector<16xi32>, vector<16xi32>], vector<16xf32>,
        %sub3A_516 = arith.subf %add3A_308, %mul3A_395 : vector<16xf32>
        %mul3A_517 = arith.mulf %mul3A_500, %get3A_14 : vector<16xf32>
        %mul3A_518 = arith.mulf %sub3A_516, %mul3A_517 : vector<16xf32>
        %add3A_519 = arith.addf %mul3A_518, %get3A_50 : vector<16xf32>
        %add3A_520 = arith.constant 4 : i32
        %add3A_521 = vector.broadcast %add3A_520 : i32 to vector<16xi32>
        %add3A_522 = arith.addi %shift_right_arithmetic3A_76, %add3A_521 : vector<16xi32>
        tpu.vector_store_idx %arg11[%add3A_522, %and3A_78, %broadcast_in_dim3A_501], %add3A_519 : memref<18x8x129xf32, #tpu.memory_space<vmem>>[vector<16xi32>, vector<16xi32>, vector<16xi32>], vector<16xf32>,
        %sub3A_523 = arith.subf %add3A_312, %mul3A_395 : vector<16xf32>
        %mul3A_524 = arith.mulf %mul3A_500, %get3A_18 : vector<16xf32>
        %mul3A_525 = arith.mulf %sub3A_523, %mul3A_524 : vector<16xf32>
        %add3A_526 = arith.addf %mul3A_525, %get3A_54 : vector<16xf32>
        %add3A_527 = arith.constant 6 : i32
        %add3A_528 = vector.broadcast %add3A_527 : i32 to vector<16xi32>
        %add3A_529 = arith.addi %shift_right_arithmetic3A_76, %add3A_528 : vector<16xi32>
        tpu.vector_store_idx %arg11[%add3A_529, %and3A_78, %broadcast_in_dim3A_501], %add3A_526 : memref<18x8x129xf32, #tpu.memory_space<vmem>>[vector<16xi32>, vector<16xi32>, vector<16xi32>], vector<16xf32>,
        %sub3A_530 = arith.subf %add3A_316, %mul3A_395 : vector<16xf32>
        %mul3A_531 = arith.mulf %mul3A_500, %get3A_22 : vector<16xf32>
        %mul3A_532 = arith.mulf %sub3A_530, %mul3A_531 : vector<16xf32>
        %add3A_533 = arith.addf %mul3A_532, %get3A_58 : vector<16xf32>
        %add3A_534 = arith.constant 8 : i32
        %add3A_535 = vector.broadcast %add3A_534 : i32 to vector<16xi32>
        %add3A_536 = arith.addi %shift_right_arithmetic3A_76, %add3A_535 : vector<16xi32>
        tpu.vector_store_idx %arg11[%add3A_536, %and3A_78, %broadcast_in_dim3A_501], %add3A_533 : memref<18x8x129xf32, #tpu.memory_space<vmem>>[vector<16xi32>, vector<16xi32>, vector<16xi32>], vector<16xf32>,
        %sub3A_537 = arith.subf %add3A_320, %mul3A_395 : vector<16xf32>
        %mul3A_538 = arith.mulf %mul3A_500, %get3A_26 : vector<16xf32>
        %mul3A_539 = arith.mulf %sub3A_537, %mul3A_538 : vector<16xf32>
        %add3A_540 = arith.addf %mul3A_539, %get3A_62 : vector<16xf32>
        %add3A_541 = arith.constant 10 : i32
        %add3A_542 = vector.broadcast %add3A_541 : i32 to vector<16xi32>
        %add3A_543 = arith.addi %shift_right_arithmetic3A_76, %add3A_542 : vector<16xi32>
        tpu.vector_store_idx %arg11[%add3A_543, %and3A_78, %broadcast_in_dim3A_501], %add3A_540 : memref<18x8x129xf32, #tpu.memory_space<vmem>>[vector<16xi32>, vector<16xi32>, vector<16xi32>], vector<16xf32>,
        %sub3A_544 = arith.subf %add3A_324, %mul3A_395 : vector<16xf32>
        %mul3A_545 = arith.mulf %mul3A_500, %get3A_30 : vector<16xf32>
        %mul3A_546 = arith.mulf %sub3A_544, %mul3A_545 : vector<16xf32>
        %add3A_547 = arith.addf %mul3A_546, %get3A_66 : vector<16xf32>
        %add3A_548 = arith.constant 12 : i32
        %add3A_549 = vector.broadcast %add3A_548 : i32 to vector<16xi32>
        %add3A_550 = arith.addi %shift_right_arithmetic3A_76, %add3A_549 : vector<16xi32>
        tpu.vector_store_idx %arg11[%add3A_550, %and3A_78, %broadcast_in_dim3A_501], %add3A_547 : memref<18x8x129xf32, #tpu.memory_space<vmem>>[vector<16xi32>, vector<16xi32>, vector<16xi32>], vector<16xf32>,
        %sub3A_551 = arith.subf %add3A_328, %mul3A_395 : vector<16xf32>
        %mul3A_552 = arith.mulf %mul3A_500, %get3A_34 : vector<16xf32>
        %mul3A_553 = arith.mulf %sub3A_551, %mul3A_552 : vector<16xf32>
        %add3A_554 = arith.addf %mul3A_553, %get3A_70 : vector<16xf32>
        %add3A_555 = arith.constant 14 : i32
        %add3A_556 = vector.broadcast %add3A_555 : i32 to vector<16xi32>
        %add3A_557 = arith.addi %shift_right_arithmetic3A_76, %add3A_556 : vector<16xi32>
        tpu.vector_store_idx %arg11[%add3A_557, %and3A_78, %broadcast_in_dim3A_501], %add3A_554 : memref<18x8x129xf32, #tpu.memory_space<vmem>>[vector<16xi32>, vector<16xi32>, vector<16xi32>], vector<16xf32>,
        %sub3A_558 = arith.subf %add3A_332, %mul3A_395 : vector<16xf32>
        %mul3A_559 = arith.mulf %mul3A_500, %get3A_38 : vector<16xf32>
        %mul3A_560 = arith.mulf %sub3A_558, %mul3A_559 : vector<16xf32>
        %add3A_561 = arith.addf %mul3A_560, %get3A_74 : vector<16xf32>
        %add3A_562 = arith.constant 16 : i32
        %add3A_563 = vector.broadcast %add3A_562 : i32 to vector<16xi32>
        %add3A_564 = arith.addi %shift_right_arithmetic3A_76, %add3A_563 : vector<16xi32>
        tpu.vector_store_idx %arg11[%add3A_564, %and3A_78, %broadcast_in_dim3A_501], %add3A_561 : memref<18x8x129xf32, #tpu.memory_space<vmem>>[vector<16xi32>, vector<16xi32>, vector<16xi32>], vector<16xf32>,
        %scan3A_565 = arith.constant 1 : i32
        %scan3A_566 = arith.addi %scan3A_292, %scan3A_565 : i32
        %mul3A_567 = arith.constant 1 : i32
        %mul3A_568 = arith.muli %scan3A_566, %mul3A_567 : i32
        %add3A_569 = arith.constant 0 : i32
        %add3A_570 = arith.addi %add3A_569, %mul3A_568 : i32
        %get3A_571 = arith.index_cast %add3A_570 : i32 to index
        %get3A_572 = arith.constant 0 : index
        %get3A_573 = tpu.vector_load %arg9[%get3A_571, %get3A_572] {strides = array<i32>} : memref<128x144xf32, #tpu.memory_space<vmem>>, vector<16xf32>,
        %add3A_574 = arith.addf %get3A_573, %get3A_157 : vector<16xf32>
        %get3A_575 = arith.index_cast %add3A_570 : i32 to index
        %get3A_576 = arith.constant 16 : index
        %get3A_577 = tpu.vector_load %arg9[%get3A_575, %get3A_576] {strides = array<i32>} : memref<128x144xf32, #tpu.memory_space<vmem>>, vector<16xf32>,
        %add3A_578 = arith.addf %get3A_577, %get3A_160 : vector<16xf32>
        %get3A_579 = arith.index_cast %add3A_570 : i32 to index
        %get3A_580 = arith.constant 32 : index
        %get3A_581 = tpu.vector_load %arg9[%get3A_579, %get3A_580] {strides = array<i32>} : memref<128x144xf32, #tpu.memory_space<vmem>>, vector<16xf32>,
        %add3A_582 = arith.addf %get3A_581, %get3A_163 : vector<16xf32>
        %get3A_583 = arith.index_cast %add3A_570 : i32 to index
        %get3A_584 = arith.constant 48 : index
        %get3A_585 = tpu.vector_load %arg9[%get3A_583, %get3A_584] {strides = array<i32>} : memref<128x144xf32, #tpu.memory_space<vmem>>, vector<16xf32>,
        %add3A_586 = arith.addf %get3A_585, %get3A_166 : vector<16xf32>
        %get3A_587 = arith.index_cast %add3A_570 : i32 to index
        %get3A_588 = arith.constant 64 : index
        %get3A_589 = tpu.vector_load %arg9[%get3A_587, %get3A_588] {strides = array<i32>} : memref<128x144xf32, #tpu.memory_space<vmem>>, vector<16xf32>,
        %add3A_590 = arith.addf %get3A_589, %get3A_169 : vector<16xf32>
        %get3A_591 = arith.index_cast %add3A_570 : i32 to index
        %get3A_592 = arith.constant 80 : index
        %get3A_593 = tpu.vector_load %arg9[%get3A_591, %get3A_592] {strides = array<i32>} : memref<128x144xf32, #tpu.memory_space<vmem>>, vector<16xf32>,
        %add3A_594 = arith.addf %get3A_593, %get3A_172 : vector<16xf32>
        %get3A_595 = arith.index_cast %add3A_570 : i32 to index
        %get3A_596 = arith.constant 96 : index
        %get3A_597 = tpu.vector_load %arg9[%get3A_595, %get3A_596] {strides = array<i32>} : memref<128x144xf32, #tpu.memory_space<vmem>>, vector<16xf32>,
        %add3A_598 = arith.addf %get3A_597, %get3A_175 : vector<16xf32>
        %get3A_599 = arith.index_cast %add3A_570 : i32 to index
        %get3A_600 = arith.constant 112 : index
        %get3A_601 = tpu.vector_load %arg9[%get3A_599, %get3A_600] {strides = array<i32>} : memref<128x144xf32, #tpu.memory_space<vmem>>, vector<16xf32>,
        %add3A_602 = arith.addf %get3A_601, %get3A_178 : vector<16xf32>
        %get3A_603 = arith.index_cast %add3A_570 : i32 to index
        %get3A_604 = arith.constant 128 : index
        %get3A_605 = tpu.vector_load %arg9[%get3A_603, %get3A_604] {strides = array<i32>} : memref<128x144xf32, #tpu.memory_space<vmem>>, vector<16xf32>,
        %add3A_606 = arith.addf %get3A_605, %get3A_181 : vector<16xf32>
        %add3A_607 = arith.addf %add3A_574, %add3A_578 : vector<16xf32>
        %add3A_608 = arith.addf %add3A_582, %add3A_586 : vector<16xf32>
        %add3A_609 = arith.addf %add3A_590, %add3A_594 : vector<16xf32>
        %add3A_610 = arith.addf %add3A_598, %add3A_602 : vector<16xf32>
        %add3A_611 = arith.addf %add3A_607, %add3A_608 : vector<16xf32>
        %add3A_612 = arith.addf %add3A_609, %add3A_610 : vector<16xf32>
        %add3A_613 = arith.addf %add3A_611, %add3A_612 : vector<16xf32>
        %add3A_614 = arith.addf %add3A_613, %add3A_606 : vector<16xf32>
        %xor3A_615 = arith.constant 8 : i32
        %xor3A_616 = vector.broadcast %xor3A_615 : i32 to vector<16xi32>
        %xor3A_617 = arith.xori %iota3A, %xor3A_616 : vector<16xi32>
        %lt3A_618 = arith.constant 0 : i32
        %lt3A_619 = vector.broadcast %lt3A_618 : i32 to vector<16xi32>
        %lt3A_620 = arith.cmpi slt, %xor3A_617, %lt3A_619 : vector<16xi32>
        %add3A_621 = arith.constant 16 : i32
        %add3A_622 = vector.broadcast %add3A_621 : i32 to vector<16xi32>
        %add3A_623 = arith.addi %xor3A_617, %add3A_622 : vector<16xi32>
        %select_n3A_624 = arith.select %lt3A_620, %add3A_623, %xor3A_617 : vector<16xi1>, vector<16xi32>
        %broadcast_in_dim3A_625 = vector.shape_cast %select_n3A_624 : vector<16xi32> to vector<16x1xi32>
        %gather3A_626 = vector.shape_cast %broadcast_in_dim3A_625 : vector<16x1xi32> to vector<16xi32>
        %gather3A_627 = tpu.dynamic_gather %add3A_614[%gather3A_626] in [0] : vector<16xf32>, vector<16xi32> -> vector<16xf32>
        %add3A_628 = arith.addf %add3A_614, %gather3A_627 : vector<16xf32>
        %xor3A_629 = arith.constant 4 : i32
        %xor3A_630 = vector.broadcast %xor3A_629 : i32 to vector<16xi32>
        %xor3A_631 = arith.xori %iota3A, %xor3A_630 : vector<16xi32>
        %lt3A_632 = arith.constant 0 : i32
        %lt3A_633 = vector.broadcast %lt3A_632 : i32 to vector<16xi32>
        %lt3A_634 = arith.cmpi slt, %xor3A_631, %lt3A_633 : vector<16xi32>
        %add3A_635 = arith.constant 16 : i32
        %add3A_636 = vector.broadcast %add3A_635 : i32 to vector<16xi32>
        %add3A_637 = arith.addi %xor3A_631, %add3A_636 : vector<16xi32>
        %select_n3A_638 = arith.select %lt3A_634, %add3A_637, %xor3A_631 : vector<16xi1>, vector<16xi32>
        %broadcast_in_dim3A_639 = vector.shape_cast %select_n3A_638 : vector<16xi32> to vector<16x1xi32>
        %gather3A_640 = vector.shape_cast %broadcast_in_dim3A_639 : vector<16x1xi32> to vector<16xi32>
        %gather3A_641 = tpu.dynamic_gather %add3A_628[%gather3A_640] in [0] : vector<16xf32>, vector<16xi32> -> vector<16xf32>
        %add3A_642 = arith.addf %add3A_628, %gather3A_641 : vector<16xf32>
        %xor3A_643 = arith.constant 2 : i32
        %xor3A_644 = vector.broadcast %xor3A_643 : i32 to vector<16xi32>
        %xor3A_645 = arith.xori %iota3A, %xor3A_644 : vector<16xi32>
        %lt3A_646 = arith.constant 0 : i32
        %lt3A_647 = vector.broadcast %lt3A_646 : i32 to vector<16xi32>
        %lt3A_648 = arith.cmpi slt, %xor3A_645, %lt3A_647 : vector<16xi32>
        %add3A_649 = arith.constant 16 : i32
        %add3A_650 = vector.broadcast %add3A_649 : i32 to vector<16xi32>
        %add3A_651 = arith.addi %xor3A_645, %add3A_650 : vector<16xi32>
        %select_n3A_652 = arith.select %lt3A_648, %add3A_651, %xor3A_645 : vector<16xi1>, vector<16xi32>
        %broadcast_in_dim3A_653 = vector.shape_cast %select_n3A_652 : vector<16xi32> to vector<16x1xi32>
        %gather3A_654 = vector.shape_cast %broadcast_in_dim3A_653 : vector<16x1xi32> to vector<16xi32>
        %gather3A_655 = tpu.dynamic_gather %add3A_642[%gather3A_654] in [0] : vector<16xf32>, vector<16xi32> -> vector<16xf32>
        %add3A_656 = arith.addf %add3A_642, %gather3A_655 : vector<16xf32>
        %xor3A_657 = arith.constant 1 : i32
        %xor3A_658 = vector.broadcast %xor3A_657 : i32 to vector<16xi32>
        %xor3A_659 = arith.xori %iota3A, %xor3A_658 : vector<16xi32>
        %lt3A_660 = arith.constant 0 : i32
        %lt3A_661 = vector.broadcast %lt3A_660 : i32 to vector<16xi32>
        %lt3A_662 = arith.cmpi slt, %xor3A_659, %lt3A_661 : vector<16xi32>
        %add3A_663 = arith.constant 16 : i32
        %add3A_664 = vector.broadcast %add3A_663 : i32 to vector<16xi32>
        %add3A_665 = arith.addi %xor3A_659, %add3A_664 : vector<16xi32>
        %select_n3A_666 = arith.select %lt3A_662, %add3A_665, %xor3A_659 : vector<16xi1>, vector<16xi32>
        %broadcast_in_dim3A_667 = vector.shape_cast %select_n3A_666 : vector<16xi32> to vector<16x1xi32>
        %gather3A_668 = vector.shape_cast %broadcast_in_dim3A_667 : vector<16x1xi32> to vector<16xi32>
        %gather3A_669 = tpu.dynamic_gather %add3A_656[%gather3A_668] in [0] : vector<16xf32>, vector<16xi32> -> vector<16xf32>
        %add3A_670 = arith.addf %add3A_656, %gather3A_669 : vector<16xf32>
        %mul3A_671 = arith.constant 0.0069444445 : f32
        %mul3A_672 = vector.broadcast %mul3A_671 : f32 to vector<16xf32>
        %mul3A_673 = arith.mulf %add3A_670, %mul3A_672 : vector<16xf32>
        %mul3A_674 = arith.mulf %add3A_574, %add3A_574 : vector<16xf32>
        %mul3A_675 = arith.mulf %add3A_578, %add3A_578 : vector<16xf32>
        %mul3A_676 = arith.mulf %add3A_582, %add3A_582 : vector<16xf32>
        %mul3A_677 = arith.mulf %add3A_586, %add3A_586 : vector<16xf32>
        %mul3A_678 = arith.mulf %add3A_590, %add3A_590 : vector<16xf32>
        %mul3A_679 = arith.mulf %add3A_594, %add3A_594 : vector<16xf32>
        %mul3A_680 = arith.mulf %add3A_598, %add3A_598 : vector<16xf32>
        %mul3A_681 = arith.mulf %add3A_602, %add3A_602 : vector<16xf32>
        %mul3A_682 = arith.mulf %add3A_606, %add3A_606 : vector<16xf32>
        %add3A_683 = arith.addf %mul3A_674, %mul3A_675 : vector<16xf32>
        %add3A_684 = arith.addf %mul3A_676, %mul3A_677 : vector<16xf32>
        %add3A_685 = arith.addf %mul3A_678, %mul3A_679 : vector<16xf32>
        %add3A_686 = arith.addf %mul3A_680, %mul3A_681 : vector<16xf32>
        %add3A_687 = arith.addf %add3A_683, %add3A_684 : vector<16xf32>
        %add3A_688 = arith.addf %add3A_685, %add3A_686 : vector<16xf32>
        %add3A_689 = arith.addf %add3A_687, %add3A_688 : vector<16xf32>
        %add3A_690 = arith.addf %add3A_689, %mul3A_682 : vector<16xf32>
        %xor3A_691 = arith.constant 8 : i32
        %xor3A_692 = vector.broadcast %xor3A_691 : i32 to vector<16xi32>
        %xor3A_693 = arith.xori %iota3A, %xor3A_692 : vector<16xi32>
        %lt3A_694 = arith.constant 0 : i32
        %lt3A_695 = vector.broadcast %lt3A_694 : i32 to vector<16xi32>
        %lt3A_696 = arith.cmpi slt, %xor3A_693, %lt3A_695 : vector<16xi32>
        %add3A_697 = arith.constant 16 : i32
        %add3A_698 = vector.broadcast %add3A_697 : i32 to vector<16xi32>
        %add3A_699 = arith.addi %xor3A_693, %add3A_698 : vector<16xi32>
        %select_n3A_700 = arith.select %lt3A_696, %add3A_699, %xor3A_693 : vector<16xi1>, vector<16xi32>
        %broadcast_in_dim3A_701 = vector.shape_cast %select_n3A_700 : vector<16xi32> to vector<16x1xi32>
        %gather3A_702 = vector.shape_cast %broadcast_in_dim3A_701 : vector<16x1xi32> to vector<16xi32>
        %gather3A_703 = tpu.dynamic_gather %add3A_690[%gather3A_702] in [0] : vector<16xf32>, vector<16xi32> -> vector<16xf32>
        %add3A_704 = arith.addf %add3A_690, %gather3A_703 : vector<16xf32>
        %xor3A_705 = arith.constant 4 : i32
        %xor3A_706 = vector.broadcast %xor3A_705 : i32 to vector<16xi32>
        %xor3A_707 = arith.xori %iota3A, %xor3A_706 : vector<16xi32>
        %lt3A_708 = arith.constant 0 : i32
        %lt3A_709 = vector.broadcast %lt3A_708 : i32 to vector<16xi32>
        %lt3A_710 = arith.cmpi slt, %xor3A_707, %lt3A_709 : vector<16xi32>
        %add3A_711 = arith.constant 16 : i32
        %add3A_712 = vector.broadcast %add3A_711 : i32 to vector<16xi32>
        %add3A_713 = arith.addi %xor3A_707, %add3A_712 : vector<16xi32>
        %select_n3A_714 = arith.select %lt3A_710, %add3A_713, %xor3A_707 : vector<16xi1>, vector<16xi32>
        %broadcast_in_dim3A_715 = vector.shape_cast %select_n3A_714 : vector<16xi32> to vector<16x1xi32>
        %gather3A_716 = vector.shape_cast %broadcast_in_dim3A_715 : vector<16x1xi32> to vector<16xi32>
        %gather3A_717 = tpu.dynamic_gather %add3A_704[%gather3A_716] in [0] : vector<16xf32>, vector<16xi32> -> vector<16xf32>
        %add3A_718 = arith.addf %add3A_704, %gather3A_717 : vector<16xf32>
        %xor3A_719 = arith.constant 2 : i32
        %xor3A_720 = vector.broadcast %xor3A_719 : i32 to vector<16xi32>
        %xor3A_721 = arith.xori %iota3A, %xor3A_720 : vector<16xi32>
        %lt3A_722 = arith.constant 0 : i32
        %lt3A_723 = vector.broadcast %lt3A_722 : i32 to vector<16xi32>
        %lt3A_724 = arith.cmpi slt, %xor3A_721, %lt3A_723 : vector<16xi32>
        %add3A_725 = arith.constant 16 : i32
        %add3A_726 = vector.broadcast %add3A_725 : i32 to vector<16xi32>
        %add3A_727 = arith.addi %xor3A_721, %add3A_726 : vector<16xi32>
        %select_n3A_728 = arith.select %lt3A_724, %add3A_727, %xor3A_721 : vector<16xi1>, vector<16xi32>
        %broadcast_in_dim3A_729 = vector.shape_cast %select_n3A_728 : vector<16xi32> to vector<16x1xi32>
        %gather3A_730 = vector.shape_cast %broadcast_in_dim3A_729 : vector<16x1xi32> to vector<16xi32>
        %gather3A_731 = tpu.dynamic_gather %add3A_718[%gather3A_730] in [0] : vector<16xf32>, vector<16xi32> -> vector<16xf32>
        %add3A_732 = arith.addf %add3A_718, %gather3A_731 : vector<16xf32>
        %xor3A_733 = arith.constant 1 : i32
        %xor3A_734 = vector.broadcast %xor3A_733 : i32 to vector<16xi32>
        %xor3A_735 = arith.xori %iota3A, %xor3A_734 : vector<16xi32>
        %lt3A_736 = arith.constant 0 : i32
        %lt3A_737 = vector.broadcast %lt3A_736 : i32 to vector<16xi32>
        %lt3A_738 = arith.cmpi slt, %xor3A_735, %lt3A_737 : vector<16xi32>
        %add3A_739 = arith.constant 16 : i32
        %add3A_740 = vector.broadcast %add3A_739 : i32 to vector<16xi32>
        %add3A_741 = arith.addi %xor3A_735, %add3A_740 : vector<16xi32>
        %select_n3A_742 = arith.select %lt3A_738, %add3A_741, %xor3A_735 : vector<16xi1>, vector<16xi32>
        %broadcast_in_dim3A_743 = vector.shape_cast %select_n3A_742 : vector<16xi32> to vector<16x1xi32>
        %gather3A_744 = vector.shape_cast %broadcast_in_dim3A_743 : vector<16x1xi32> to vector<16xi32>
        %gather3A_745 = tpu.dynamic_gather %add3A_732[%gather3A_744] in [0] : vector<16xf32>, vector<16xi32> -> vector<16xf32>
        %add3A_746 = arith.addf %add3A_732, %gather3A_745 : vector<16xf32>
        %mul3A_747 = arith.constant 0.0069444445 : f32
        %mul3A_748 = vector.broadcast %mul3A_747 : f32 to vector<16xf32>
        %mul3A_749 = arith.mulf %add3A_746, %mul3A_748 : vector<16xf32>
        %mul3A_750 = arith.mulf %mul3A_673, %mul3A_673 : vector<16xf32>
        %sub3A_751 = arith.subf %mul3A_749, %mul3A_750 : vector<16xf32>
        %add3A_752 = arith.constant 9.99999974E-6 : f32
        %add3A_753 = vector.broadcast %add3A_752 : f32 to vector<16xf32>
        %add3A_754 = arith.addf %sub3A_751, %add3A_753 : vector<16xf32>
        %bitcast_convert_type3A_755 = tpu.bitcast %add3A_754 : vector<16xf32> -> vector<16xi32>
        %shift_right_arithmetic3A_756 = arith.constant 1 : i32
        %shift_right_arithmetic3A_757 = vector.broadcast %shift_right_arithmetic3A_756 : i32 to vector<16xi32>
        %shift_right_arithmetic3A_758 = arith.shrsi %bitcast_convert_type3A_755, %shift_right_arithmetic3A_757 : vector<16xi32>
        %sub3A_759 = arith.constant 1597463007 : i32
        %sub3A_760 = vector.broadcast %sub3A_759 : i32 to vector<16xi32>
        %sub3A_761 = arith.subi %sub3A_760, %shift_right_arithmetic3A_758 : vector<16xi32>
        %bitcast_convert_type3A_762 = tpu.bitcast %sub3A_761 : vector<16xi32> -> vector<16xf32>
        %mul3A_763 = arith.constant 5.000000e-01 : f32
        %mul3A_764 = vector.broadcast %mul3A_763 : f32 to vector<16xf32>
        %mul3A_765 = arith.mulf %mul3A_764, %add3A_754 : vector<16xf32>
        %mul3A_766 = arith.mulf %mul3A_765, %bitcast_convert_type3A_762 : vector<16xf32>
        %mul3A_767 = arith.mulf %mul3A_766, %bitcast_convert_type3A_762 : vector<16xf32>
        %sub3A_768 = arith.constant 1.500000e+00 : f32
        %sub3A_769 = vector.broadcast %sub3A_768 : f32 to vector<16xf32>
        %sub3A_770 = arith.subf %sub3A_769, %mul3A_767 : vector<16xf32>
        %mul3A_771 = arith.mulf %bitcast_convert_type3A_762, %sub3A_770 : vector<16xf32>
        %mul3A_772 = arith.constant 5.000000e-01 : f32
        %mul3A_773 = vector.broadcast %mul3A_772 : f32 to vector<16xf32>
        %mul3A_774 = arith.mulf %mul3A_773, %add3A_754 : vector<16xf32>
        %mul3A_775 = arith.mulf %mul3A_774, %mul3A_771 : vector<16xf32>
        %mul3A_776 = arith.mulf %mul3A_775, %mul3A_771 : vector<16xf32>
        %sub3A_777 = arith.constant 1.500000e+00 : f32
        %sub3A_778 = vector.broadcast %sub3A_777 : f32 to vector<16xf32>
        %sub3A_779 = arith.subf %sub3A_778, %mul3A_776 : vector<16xf32>
        %mul3A_780 = arith.mulf %mul3A_771, %sub3A_779 : vector<16xf32>
        %broadcast_in_dim3A_781 = vector.broadcast %add3A_570 : i32 to vector<16xi32>
        %sub3A_782 = arith.subf %add3A_574, %mul3A_673 : vector<16xf32>
        %mul3A_783 = arith.mulf %mul3A_780, %get3A_6 : vector<16xf32>
        %mul3A_784 = arith.mulf %sub3A_782, %mul3A_783 : vector<16xf32>
        %add3A_785 = arith.addf %mul3A_784, %get3A_42 : vector<16xf32>
        %add3A_786 = arith.constant 0 : i32
        %add3A_787 = vector.broadcast %add3A_786 : i32 to vector<16xi32>
        %add3A_788 = arith.addi %shift_right_arithmetic3A_76, %add3A_787 : vector<16xi32>
        tpu.vector_store_idx %arg11[%add3A_788, %and3A_78, %broadcast_in_dim3A_781], %add3A_785 : memref<18x8x129xf32, #tpu.memory_space<vmem>>[vector<16xi32>, vector<16xi32>, vector<16xi32>], vector<16xf32>,
        %sub3A_789 = arith.subf %add3A_578, %mul3A_673 : vector<16xf32>
        %mul3A_790 = arith.mulf %mul3A_780, %get3A_10 : vector<16xf32>
        %mul3A_791 = arith.mulf %sub3A_789, %mul3A_790 : vector<16xf32>
        %add3A_792 = arith.addf %mul3A_791, %get3A_46 : vector<16xf32>
        %add3A_793 = arith.constant 2 : i32
        %add3A_794 = vector.broadcast %add3A_793 : i32 to vector<16xi32>
        %add3A_795 = arith.addi %shift_right_arithmetic3A_76, %add3A_794 : vector<16xi32>
        tpu.vector_store_idx %arg11[%add3A_795, %and3A_78, %broadcast_in_dim3A_781], %add3A_792 : memref<18x8x129xf32, #tpu.memory_space<vmem>>[vector<16xi32>, vector<16xi32>, vector<16xi32>], vector<16xf32>,
        %sub3A_796 = arith.subf %add3A_582, %mul3A_673 : vector<16xf32>
        %mul3A_797 = arith.mulf %mul3A_780, %get3A_14 : vector<16xf32>
        %mul3A_798 = arith.mulf %sub3A_796, %mul3A_797 : vector<16xf32>
        %add3A_799 = arith.addf %mul3A_798, %get3A_50 : vector<16xf32>
        %add3A_800 = arith.constant 4 : i32
        %add3A_801 = vector.broadcast %add3A_800 : i32 to vector<16xi32>
        %add3A_802 = arith.addi %shift_right_arithmetic3A_76, %add3A_801 : vector<16xi32>
        tpu.vector_store_idx %arg11[%add3A_802, %and3A_78, %broadcast_in_dim3A_781], %add3A_799 : memref<18x8x129xf32, #tpu.memory_space<vmem>>[vector<16xi32>, vector<16xi32>, vector<16xi32>], vector<16xf32>,
        %sub3A_803 = arith.subf %add3A_586, %mul3A_673 : vector<16xf32>
        %mul3A_804 = arith.mulf %mul3A_780, %get3A_18 : vector<16xf32>
        %mul3A_805 = arith.mulf %sub3A_803, %mul3A_804 : vector<16xf32>
        %add3A_806 = arith.addf %mul3A_805, %get3A_54 : vector<16xf32>
        %add3A_807 = arith.constant 6 : i32
        %add3A_808 = vector.broadcast %add3A_807 : i32 to vector<16xi32>
        %add3A_809 = arith.addi %shift_right_arithmetic3A_76, %add3A_808 : vector<16xi32>
        tpu.vector_store_idx %arg11[%add3A_809, %and3A_78, %broadcast_in_dim3A_781], %add3A_806 : memref<18x8x129xf32, #tpu.memory_space<vmem>>[vector<16xi32>, vector<16xi32>, vector<16xi32>], vector<16xf32>,
        %sub3A_810 = arith.subf %add3A_590, %mul3A_673 : vector<16xf32>
        %mul3A_811 = arith.mulf %mul3A_780, %get3A_22 : vector<16xf32>
        %mul3A_812 = arith.mulf %sub3A_810, %mul3A_811 : vector<16xf32>
        %add3A_813 = arith.addf %mul3A_812, %get3A_58 : vector<16xf32>
        %add3A_814 = arith.constant 8 : i32
        %add3A_815 = vector.broadcast %add3A_814 : i32 to vector<16xi32>
        %add3A_816 = arith.addi %shift_right_arithmetic3A_76, %add3A_815 : vector<16xi32>
        tpu.vector_store_idx %arg11[%add3A_816, %and3A_78, %broadcast_in_dim3A_781], %add3A_813 : memref<18x8x129xf32, #tpu.memory_space<vmem>>[vector<16xi32>, vector<16xi32>, vector<16xi32>], vector<16xf32>,
        %sub3A_817 = arith.subf %add3A_594, %mul3A_673 : vector<16xf32>
        %mul3A_818 = arith.mulf %mul3A_780, %get3A_26 : vector<16xf32>
        %mul3A_819 = arith.mulf %sub3A_817, %mul3A_818 : vector<16xf32>
        %add3A_820 = arith.addf %mul3A_819, %get3A_62 : vector<16xf32>
        %add3A_821 = arith.constant 10 : i32
        %add3A_822 = vector.broadcast %add3A_821 : i32 to vector<16xi32>
        %add3A_823 = arith.addi %shift_right_arithmetic3A_76, %add3A_822 : vector<16xi32>
        tpu.vector_store_idx %arg11[%add3A_823, %and3A_78, %broadcast_in_dim3A_781], %add3A_820 : memref<18x8x129xf32, #tpu.memory_space<vmem>>[vector<16xi32>, vector<16xi32>, vector<16xi32>], vector<16xf32>,
        %sub3A_824 = arith.subf %add3A_598, %mul3A_673 : vector<16xf32>
        %mul3A_825 = arith.mulf %mul3A_780, %get3A_30 : vector<16xf32>
        %mul3A_826 = arith.mulf %sub3A_824, %mul3A_825 : vector<16xf32>
        %add3A_827 = arith.addf %mul3A_826, %get3A_66 : vector<16xf32>
        %add3A_828 = arith.constant 12 : i32
        %add3A_829 = vector.broadcast %add3A_828 : i32 to vector<16xi32>
        %add3A_830 = arith.addi %shift_right_arithmetic3A_76, %add3A_829 : vector<16xi32>
        tpu.vector_store_idx %arg11[%add3A_830, %and3A_78, %broadcast_in_dim3A_781], %add3A_827 : memref<18x8x129xf32, #tpu.memory_space<vmem>>[vector<16xi32>, vector<16xi32>, vector<16xi32>], vector<16xf32>,
        %sub3A_831 = arith.subf %add3A_602, %mul3A_673 : vector<16xf32>
        %mul3A_832 = arith.mulf %mul3A_780, %get3A_34 : vector<16xf32>
        %mul3A_833 = arith.mulf %sub3A_831, %mul3A_832 : vector<16xf32>
        %add3A_834 = arith.addf %mul3A_833, %get3A_70 : vector<16xf32>
        %add3A_835 = arith.constant 14 : i32
        %add3A_836 = vector.broadcast %add3A_835 : i32 to vector<16xi32>
        %add3A_837 = arith.addi %shift_right_arithmetic3A_76, %add3A_836 : vector<16xi32>
        tpu.vector_store_idx %arg11[%add3A_837, %and3A_78, %broadcast_in_dim3A_781], %add3A_834 : memref<18x8x129xf32, #tpu.memory_space<vmem>>[vector<16xi32>, vector<16xi32>, vector<16xi32>], vector<16xf32>,
        %sub3A_838 = arith.subf %add3A_606, %mul3A_673 : vector<16xf32>
        %mul3A_839 = arith.mulf %mul3A_780, %get3A_38 : vector<16xf32>
        %mul3A_840 = arith.mulf %sub3A_838, %mul3A_839 : vector<16xf32>
        %add3A_841 = arith.addf %mul3A_840, %get3A_74 : vector<16xf32>
        %add3A_842 = arith.constant 16 : i32
        %add3A_843 = vector.broadcast %add3A_842 : i32 to vector<16xi32>
        %add3A_844 = arith.addi %shift_right_arithmetic3A_76, %add3A_843 : vector<16xi32>
        tpu.vector_store_idx %arg11[%add3A_844, %and3A_78, %broadcast_in_dim3A_781], %add3A_841 : memref<18x8x129xf32, #tpu.memory_space<vmem>>[vector<16xi32>, vector<16xi32>, vector<16xi32>], vector<16xf32>,
      }
      %scan3A_186 = arith.constant 128 : i32
      %add3A_187 = arith.constant 2 : i32
      %add3A_188 = arith.addi %add3A_141, %add3A_187 : i32
      %lt3A = arith.constant 200 : i32
      %lt3A_189 = arith.cmpi slt, %add3A_188, %lt3A : i32
      %convert_element_type3A_190 = arith.extui %lt3A_189 : i1 to i32
      %cond3A_191 = arith.constant 0 : i32
      %cond3A_192 = arith.cmpi ne, %convert_element_type3A_190, %cond3A_191 : i32
      scf.if %cond3A_192 {
        %add3A_292 = arith.constant 2 : i32
        %add3A_293 = arith.addi %add3A_141, %add3A_292 : i32
        %shift_right_arithmetic3A_294 = arith.constant 2 : i32
        %shift_right_arithmetic3A_295 = arith.shrsi %add3A_293, %shift_right_arithmetic3A_294 : i32
        %and3A_296 = arith.constant 3 : i32
        %and3A_297 = arith.andi %add3A_293, %and3A_296 : i32
        %mul3A_298 = arith.constant 128 : i32
        %mul3A_299 = arith.muli %and3A_297, %mul3A_298 : i32
        %dma_start3A_300 = tpu.memref_slice %arg8[%shift_right_arithmetic3A_295, %mul3A_299] : memref<50x512xi32, #tpu.memory_space<vmem>> -> memref<1x128xi32, #tpu.memory_space<vmem>>
        %dma_start3A_301 = tpu.memref_squeeze %dma_start3A_300 : memref<1x128xi32, #tpu.memory_space<vmem>> -> memref<128xi32, #tpu.memory_space<vmem>>
        %dma_start3A_302 = arith.constant 0 : i32
        %dma_start3A_303 = arith.constant 0 : i32
        %dma_start3A_304 = tpu.memref_slice %arg3[%dma_start3A_302, %dma_start3A_303] : memref<100000x144xf32, #tpu.memory_space<hbm>> -> memref<100000x144xf32, #tpu.memory_space<hbm>>
        tpu.enqueue_indirect_dma source(%dma_start3A_304 : memref<100000x144xf32, #tpu.memory_space<hbm>>) target(%arg9 : memref<128x144xf32, #tpu.memory_space<vmem>>) offsets(%dma_start3A_301 : memref<128xi32, #tpu.memory_space<vmem>>) semaphore(%arg15 : memref<!tpu.dma_semaphore, #tpu.memory_space<semaphore_mem>>)
      } else {
      }
      %mul3A_193 = arith.constant 4 : i32
      %mul3A_194 = arith.muli %mul3A_193, %add3A : i32
      %add3A_195 = arith.addi %mul3A_194, %and3A_145 : i32
      %dma_start3A_196 = arith.constant 0 : i32
      %dma_start3A_197 = arith.constant 0 : i32
      %dma_start3A_198 = arith.constant 0 : i32
      %dma_start3A_199 = tpu.memref_slice %arg11[%dma_start3A_196, %dma_start3A_197, %dma_start3A_198] : memref<18x8x129xf32, #tpu.memory_space<vmem>> -> memref<18x8x128xf32, #tpu.memory_space<vmem>>
      %dma_start3A_200 = arith.constant 0 : i32
      %dma_start3A_201 = arith.constant 0 : i32
      %dma_start3A_202 = arith.constant 0 : i32
      %dma_start3A_203 = tpu.memref_slice %arg7[%shift_right_arithmetic3A_143, %dma_start3A_200, %add3A_195, %dma_start3A_201, %dma_start3A_202] : memref<50x18x128x8x128xf32, #tpu.memory_space<hbm>> -> memref<1x18x1x8x128xf32, #tpu.memory_space<hbm>>
      %dma_start3A_204 = tpu.memref_squeeze %dma_start3A_203 : memref<1x18x1x8x128xf32, #tpu.memory_space<hbm>> -> memref<18x8x128xf32, #tpu.memory_space<hbm>>
      %dma_start3A_205 = arith.constant 0 : i32
      %dma_start3A_206 = arith.constant 0 : i32
      %dma_start3A_207 = arith.constant 0 : i32
      %dma_start3A_208 = tpu.memref_slice %arg7[%shift_right_arithmetic3A_143, %dma_start3A_205, %add3A_195, %dma_start3A_206, %dma_start3A_207] : memref<50x18x128x8x128xf32, #tpu.memory_space<hbm>> -> memref<1x18x1x8x128xf32, #tpu.memory_space<hbm>>
      %dma_start3A_209 = tpu.memref_squeeze %dma_start3A_208 : memref<1x18x1x8x128xf32, #tpu.memory_space<hbm>> -> memref<18x8x128xf32, #tpu.memory_space<hbm>>
      %dma_start3A_210 = arith.constant 0 : i32
      %dma_start3A_211 = arith.constant 0 : i32
      %dma_start3A_212 = arith.constant 0 : i32
      %dma_start3A_213 = tpu.memref_slice %arg11[%dma_start3A_210, %dma_start3A_211, %dma_start3A_212] : memref<18x8x129xf32, #tpu.memory_space<vmem>> -> memref<18x8x128xf32, #tpu.memory_space<vmem>>
      tpu.enqueue_dma source(%dma_start3A_213 : memref<18x8x128xf32, #tpu.memory_space<vmem>>) target(%dma_start3A_209 : memref<18x8x128xf32, #tpu.memory_space<hbm>>) target_semaphore(%arg17 : memref<!tpu.dma_semaphore, #tpu.memory_space<semaphore_mem>>)
      %add3A_214 = arith.constant 1 : i32
      %add3A_215 = arith.addi %add3A_139, %add3A_214 : i32
      %shift_right_arithmetic3A_216 = arith.constant 2 : i32
      %shift_right_arithmetic3A_217 = arith.shrsi %add3A_215, %shift_right_arithmetic3A_216 : i32
      %and3A_218 = arith.constant 3 : i32
      %and3A_219 = arith.andi %add3A_215, %and3A_218 : i32
      %dma_wait3A_220 = arith.constant 0 : i32
      %dma_wait3A_221 = arith.constant 0 : i32
      %dma_wait3A_222 = tpu.memref_slice %arg8[%dma_wait3A_220, %dma_wait3A_221] : memref<50x512xi32, #tpu.memory_space<vmem>> -> memref<1x128xi32, #tpu.memory_space<vmem>>
      %dma_wait3A_223 = tpu.memref_squeeze %dma_wait3A_222 : memref<1x128xi32, #tpu.memory_space<vmem>> -> memref<128xi32, #tpu.memory_space<vmem>>
      %dma_wait3A_224 = arith.constant 0 : i32
      %dma_wait3A_225 = arith.constant 0 : i32
      %dma_wait3A_226 = tpu.memref_slice %arg3[%dma_wait3A_224, %dma_wait3A_225] : memref<100000x144xf32, #tpu.memory_space<hbm>> -> memref<100000x144xf32, #tpu.memory_space<hbm>>
      tpu.wait_indirect_dma semaphore(%arg16 : memref<!tpu.dma_semaphore, #tpu.memory_space<semaphore_mem>>) src(%dma_wait3A_226 : memref<100000x144xf32, #tpu.memory_space<hbm>>) dst(%arg10 : memref<128x144xf32, #tpu.memory_space<vmem>>)
      %ge3A_227 = arith.constant 2 : i32
      %ge3A_228 = arith.cmpi sge, %add3A_215, %ge3A_227 : i32
      %convert_element_type3A_229 = arith.extui %ge3A_228 : i1 to i32
      %cond3A_230 = arith.constant 0 : i32
      %cond3A_231 = arith.cmpi ne, %convert_element_type3A_229, %cond3A_230 : i32
      scf.if %cond3A_231 {
        %dma_wait3A_292 = arith.constant 0 : i32
        %dma_wait3A_293 = arith.constant 0 : i32
        %dma_wait3A_294 = arith.constant 0 : i32
        %dma_wait3A_295 = arith.constant 0 : i32
        %dma_wait3A_296 = arith.constant 0 : i32
        %dma_wait3A_297 = tpu.memref_slice %arg11[%dma_wait3A_294, %dma_wait3A_295, %dma_wait3A_296] : memref<18x8x129xf32, #tpu.memory_space<vmem>> -> memref<18x8x128xf32, #tpu.memory_space<vmem>>
        %dma_wait3A_298 = arith.constant 0 : i32
        %dma_wait3A_299 = arith.constant 0 : i32
        %dma_wait3A_300 = arith.constant 0 : i32
        %dma_wait3A_301 = tpu.memref_slice %arg7[%dma_wait3A_292, %dma_wait3A_298, %dma_wait3A_293, %dma_wait3A_299, %dma_wait3A_300] : memref<50x18x128x8x128xf32, #tpu.memory_space<hbm>> -> memref<1x18x1x8x128xf32, #tpu.memory_space<hbm>>
        %dma_wait3A_302 = tpu.memref_squeeze %dma_wait3A_301 : memref<1x18x1x8x128xf32, #tpu.memory_space<hbm>> -> memref<18x8x128xf32, #tpu.memory_space<hbm>>
        %dma_wait3A_303 = arith.constant 0 : i32
        %dma_wait3A_304 = arith.constant 0 : i32
        %dma_wait3A_305 = arith.constant 0 : i32
        %dma_wait3A_306 = tpu.memref_slice %arg11[%dma_wait3A_303, %dma_wait3A_304, %dma_wait3A_305] : memref<18x8x129xf32, #tpu.memory_space<vmem>> -> memref<18x8x128xf32, #tpu.memory_space<vmem>>
        %dma_wait3A_307 = arith.constant 0 : i32
        %dma_wait3A_308 = arith.constant 0 : i32
        %dma_wait3A_309 = arith.constant 0 : i32
        %dma_wait3A_310 = tpu.memref_slice %arg7[%dma_wait3A_292, %dma_wait3A_307, %dma_wait3A_293, %dma_wait3A_308, %dma_wait3A_309] : memref<50x18x128x8x128xf32, #tpu.memory_space<hbm>> -> memref<1x18x1x8x128xf32, #tpu.memory_space<hbm>>
        %dma_wait3A_311 = tpu.memref_squeeze %dma_wait3A_310 : memref<1x18x1x8x128xf32, #tpu.memory_space<hbm>> -> memref<18x8x128xf32, #tpu.memory_space<hbm>>
        tpu.wait_dma2 semaphore(%arg17 : memref<!tpu.dma_semaphore, #tpu.memory_space<semaphore_mem>>) src(%dma_wait3A_311 : memref<18x8x128xf32, #tpu.memory_space<hbm>>) dst(%dma_wait3A_306 : memref<18x8x128xf32, #tpu.memory_space<vmem>>)
      } else {
      }
      %get3A_232 = arith.index_cast %shift_right_arithmetic3A_217 : i32 to index
      %get3A_233 = arith.constant 0 : index
      %get3A_234 = tpu.vector_load %arg13[%get3A_232, %get3A_233] {strides = array<i32>} : memref<60x144xf32, #tpu.memory_space<vmem>>, vector<16xf32>,
      %get3A_235 = arith.index_cast %shift_right_arithmetic3A_217 : i32 to index
      %get3A_236 = arith.constant 16 : index
      %get3A_237 = tpu.vector_load %arg13[%get3A_235, %get3A_236] {strides = array<i32>} : memref<60x144xf32, #tpu.memory_space<vmem>>, vector<16xf32>,
      %get3A_238 = arith.index_cast %shift_right_arithmetic3A_217 : i32 to index
      %get3A_239 = arith.constant 32 : index
      %get3A_240 = tpu.vector_load %arg13[%get3A_238, %get3A_239] {strides = array<i32>} : memref<60x144xf32, #tpu.memory_space<vmem>>, vector<16xf32>,
      %get3A_241 = arith.index_cast %shift_right_arithmetic3A_217 : i32 to index
      %get3A_242 = arith.constant 48 : index
      %get3A_243 = tpu.vector_load %arg13[%get3A_241, %get3A_242] {strides = array<i32>} : memref<60x144xf32, #tpu.memory_space<vmem>>, vector<16xf32>,
      %get3A_244 = arith.index_cast %shift_right_arithmetic3A_217 : i32 to index
      %get3A_245 = arith.constant 64 : index
      %get3A_246 = tpu.vector_load %arg13[%get3A_244, %get3A_245] {strides = array<i32>} : memref<60x144xf32, #tpu.memory_space<vmem>>, vector<16xf32>,
      %get3A_247 = arith.index_cast %shift_right_arithmetic3A_217 : i32 to index
      %get3A_248 = arith.constant 80 : index
      %get3A_249 = tpu.vector_load %arg13[%get3A_247, %get3A_248] {strides = array<i32>} : memref<60x144xf32, #tpu.memory_space<vmem>>, vector<16xf32>,
      %get3A_250 = arith.index_cast %shift_right_arithmetic3A_217 : i32 to index
      %get3A_251 = arith.constant 96 : index
      %get3A_252 = tpu.vector_load %arg13[%get3A_250, %get3A_251] {strides = array<i32>} : memref<60x144xf32, #tpu.memory_space<vmem>>, vector<16xf32>,
      %get3A_253 = arith.index_cast %shift_right_arithmetic3A_217 : i32 to index
      %get3A_254 = arith.constant 112 : index
      %get3A_255 = tpu.vector_load %arg13[%get3A_253, %get3A_254] {strides = array<i32>} : memref<60x144xf32, #tpu.memory_space<vmem>>, vector<16xf32>,
      %get3A_256 = arith.index_cast %shift_right_arithmetic3A_217 : i32 to index
      %get3A_257 = arith.constant 128 : index
      %get3A_258 = tpu.vector_load %arg13[%get3A_256, %get3A_257] {strides = array<i32>} : memref<60x144xf32, #tpu.memory_space<vmem>>, vector<16xf32>,
      %scan3A_259 = arith.constant 0 : i32
      %scan3A_260 = arith.constant 128 : i32
      %scan3A_261 = arith.addi %scan3A_259, %scan3A_260 : i32
      %scan3A_262 = arith.constant 2 : i32
      scf.for %scan3A_292 = %scan3A_259 to %scan3A_261 step %scan3A_262  : i32 {
        %mul3A_293 = arith.constant 1 : i32
        %mul3A_294 = arith.muli %scan3A_292, %mul3A_293 : i32
        %add3A_295 = arith.constant 0 : i32
        %add3A_296 = arith.addi %add3A_295, %mul3A_294 : i32
        %get3A_297 = arith.index_cast %add3A_296 : i32 to index
        %get3A_298 = arith.constant 0 : index
        %get3A_299 = tpu.vector_load %arg10[%get3A_297, %get3A_298] {strides = array<i32>} : memref<128x144xf32, #tpu.memory_space<vmem>>, vector<16xf32>,
        %add3A_300 = arith.addf %get3A_299, %get3A_234 : vector<16xf32>
        %get3A_301 = arith.index_cast %add3A_296 : i32 to index
        %get3A_302 = arith.constant 16 : index
        %get3A_303 = tpu.vector_load %arg10[%get3A_301, %get3A_302] {strides = array<i32>} : memref<128x144xf32, #tpu.memory_space<vmem>>, vector<16xf32>,
        %add3A_304 = arith.addf %get3A_303, %get3A_237 : vector<16xf32>
        %get3A_305 = arith.index_cast %add3A_296 : i32 to index
        %get3A_306 = arith.constant 32 : index
        %get3A_307 = tpu.vector_load %arg10[%get3A_305, %get3A_306] {strides = array<i32>} : memref<128x144xf32, #tpu.memory_space<vmem>>, vector<16xf32>,
        %add3A_308 = arith.addf %get3A_307, %get3A_240 : vector<16xf32>
        %get3A_309 = arith.index_cast %add3A_296 : i32 to index
        %get3A_310 = arith.constant 48 : index
        %get3A_311 = tpu.vector_load %arg10[%get3A_309, %get3A_310] {strides = array<i32>} : memref<128x144xf32, #tpu.memory_space<vmem>>, vector<16xf32>,
        %add3A_312 = arith.addf %get3A_311, %get3A_243 : vector<16xf32>
        %get3A_313 = arith.index_cast %add3A_296 : i32 to index
        %get3A_314 = arith.constant 64 : index
        %get3A_315 = tpu.vector_load %arg10[%get3A_313, %get3A_314] {strides = array<i32>} : memref<128x144xf32, #tpu.memory_space<vmem>>, vector<16xf32>,
        %add3A_316 = arith.addf %get3A_315, %get3A_246 : vector<16xf32>
        %get3A_317 = arith.index_cast %add3A_296 : i32 to index
        %get3A_318 = arith.constant 80 : index
        %get3A_319 = tpu.vector_load %arg10[%get3A_317, %get3A_318] {strides = array<i32>} : memref<128x144xf32, #tpu.memory_space<vmem>>, vector<16xf32>,
        %add3A_320 = arith.addf %get3A_319, %get3A_249 : vector<16xf32>
        %get3A_321 = arith.index_cast %add3A_296 : i32 to index
        %get3A_322 = arith.constant 96 : index
        %get3A_323 = tpu.vector_load %arg10[%get3A_321, %get3A_322] {strides = array<i32>} : memref<128x144xf32, #tpu.memory_space<vmem>>, vector<16xf32>,
        %add3A_324 = arith.addf %get3A_323, %get3A_252 : vector<16xf32>
        %get3A_325 = arith.index_cast %add3A_296 : i32 to index
        %get3A_326 = arith.constant 112 : index
        %get3A_327 = tpu.vector_load %arg10[%get3A_325, %get3A_326] {strides = array<i32>} : memref<128x144xf32, #tpu.memory_space<vmem>>, vector<16xf32>,
        %add3A_328 = arith.addf %get3A_327, %get3A_255 : vector<16xf32>
        %get3A_329 = arith.index_cast %add3A_296 : i32 to index
        %get3A_330 = arith.constant 128 : index
        %get3A_331 = tpu.vector_load %arg10[%get3A_329, %get3A_330] {strides = array<i32>} : memref<128x144xf32, #tpu.memory_space<vmem>>, vector<16xf32>,
        %add3A_332 = arith.addf %get3A_331, %get3A_258 : vector<16xf32>
        %add3A_333 = arith.addf %add3A_300, %add3A_304 : vector<16xf32>
        %add3A_334 = arith.addf %add3A_308, %add3A_312 : vector<16xf32>
        %add3A_335 = arith.addf %add3A_316, %add3A_320 : vector<16xf32>
        %add3A_336 = arith.addf %add3A_324, %add3A_328 : vector<16xf32>
        %add3A_337 = arith.addf %add3A_333, %add3A_334 : vector<16xf32>
        %add3A_338 = arith.addf %add3A_335, %add3A_336 : vector<16xf32>
        %add3A_339 = arith.addf %add3A_337, %add3A_338 : vector<16xf32>
        %add3A_340 = arith.addf %add3A_339, %add3A_332 : vector<16xf32>
        %xor3A = arith.constant 8 : i32
        %xor3A_341 = vector.broadcast %xor3A : i32 to vector<16xi32>
        %xor3A_342 = arith.xori %iota3A, %xor3A_341 : vector<16xi32>
        %lt3A_343 = arith.constant 0 : i32
        %lt3A_344 = vector.broadcast %lt3A_343 : i32 to vector<16xi32>
        %lt3A_345 = arith.cmpi slt, %xor3A_342, %lt3A_344 : vector<16xi32>
        %add3A_346 = arith.constant 16 : i32
        %add3A_347 = vector.broadcast %add3A_346 : i32 to vector<16xi32>
        %add3A_348 = arith.addi %xor3A_342, %add3A_347 : vector<16xi32>
        %select_n3A = arith.select %lt3A_345, %add3A_348, %xor3A_342 : vector<16xi1>, vector<16xi32>
        %broadcast_in_dim3A = vector.shape_cast %select_n3A : vector<16xi32> to vector<16x1xi32>
        %gather3A = vector.shape_cast %broadcast_in_dim3A : vector<16x1xi32> to vector<16xi32>
        %gather3A_349 = tpu.dynamic_gather %add3A_340[%gather3A] in [0] : vector<16xf32>, vector<16xi32> -> vector<16xf32>
        %add3A_350 = arith.addf %add3A_340, %gather3A_349 : vector<16xf32>
        %xor3A_351 = arith.constant 4 : i32
        %xor3A_352 = vector.broadcast %xor3A_351 : i32 to vector<16xi32>
        %xor3A_353 = arith.xori %iota3A, %xor3A_352 : vector<16xi32>
        %lt3A_354 = arith.constant 0 : i32
        %lt3A_355 = vector.broadcast %lt3A_354 : i32 to vector<16xi32>
        %lt3A_356 = arith.cmpi slt, %xor3A_353, %lt3A_355 : vector<16xi32>
        %add3A_357 = arith.constant 16 : i32
        %add3A_358 = vector.broadcast %add3A_357 : i32 to vector<16xi32>
        %add3A_359 = arith.addi %xor3A_353, %add3A_358 : vector<16xi32>
        %select_n3A_360 = arith.select %lt3A_356, %add3A_359, %xor3A_353 : vector<16xi1>, vector<16xi32>
        %broadcast_in_dim3A_361 = vector.shape_cast %select_n3A_360 : vector<16xi32> to vector<16x1xi32>
        %gather3A_362 = vector.shape_cast %broadcast_in_dim3A_361 : vector<16x1xi32> to vector<16xi32>
        %gather3A_363 = tpu.dynamic_gather %add3A_350[%gather3A_362] in [0] : vector<16xf32>, vector<16xi32> -> vector<16xf32>
        %add3A_364 = arith.addf %add3A_350, %gather3A_363 : vector<16xf32>
        %xor3A_365 = arith.constant 2 : i32
        %xor3A_366 = vector.broadcast %xor3A_365 : i32 to vector<16xi32>
        %xor3A_367 = arith.xori %iota3A, %xor3A_366 : vector<16xi32>
        %lt3A_368 = arith.constant 0 : i32
        %lt3A_369 = vector.broadcast %lt3A_368 : i32 to vector<16xi32>
        %lt3A_370 = arith.cmpi slt, %xor3A_367, %lt3A_369 : vector<16xi32>
        %add3A_371 = arith.constant 16 : i32
        %add3A_372 = vector.broadcast %add3A_371 : i32 to vector<16xi32>
        %add3A_373 = arith.addi %xor3A_367, %add3A_372 : vector<16xi32>
        %select_n3A_374 = arith.select %lt3A_370, %add3A_373, %xor3A_367 : vector<16xi1>, vector<16xi32>
        %broadcast_in_dim3A_375 = vector.shape_cast %select_n3A_374 : vector<16xi32> to vector<16x1xi32>
        %gather3A_376 = vector.shape_cast %broadcast_in_dim3A_375 : vector<16x1xi32> to vector<16xi32>
        %gather3A_377 = tpu.dynamic_gather %add3A_364[%gather3A_376] in [0] : vector<16xf32>, vector<16xi32> -> vector<16xf32>
        %add3A_378 = arith.addf %add3A_364, %gather3A_377 : vector<16xf32>
        %xor3A_379 = arith.constant 1 : i32
        %xor3A_380 = vector.broadcast %xor3A_379 : i32 to vector<16xi32>
        %xor3A_381 = arith.xori %iota3A, %xor3A_380 : vector<16xi32>
        %lt3A_382 = arith.constant 0 : i32
        %lt3A_383 = vector.broadcast %lt3A_382 : i32 to vector<16xi32>
        %lt3A_384 = arith.cmpi slt, %xor3A_381, %lt3A_383 : vector<16xi32>
        %add3A_385 = arith.constant 16 : i32
        %add3A_386 = vector.broadcast %add3A_385 : i32 to vector<16xi32>
        %add3A_387 = arith.addi %xor3A_381, %add3A_386 : vector<16xi32>
        %select_n3A_388 = arith.select %lt3A_384, %add3A_387, %xor3A_381 : vector<16xi1>, vector<16xi32>
        %broadcast_in_dim3A_389 = vector.shape_cast %select_n3A_388 : vector<16xi32> to vector<16x1xi32>
        %gather3A_390 = vector.shape_cast %broadcast_in_dim3A_389 : vector<16x1xi32> to vector<16xi32>
        %gather3A_391 = tpu.dynamic_gather %add3A_378[%gather3A_390] in [0] : vector<16xf32>, vector<16xi32> -> vector<16xf32>
        %add3A_392 = arith.addf %add3A_378, %gather3A_391 : vector<16xf32>
        %mul3A_393 = arith.constant 0.0069444445 : f32
        %mul3A_394 = vector.broadcast %mul3A_393 : f32 to vector<16xf32>
        %mul3A_395 = arith.mulf %add3A_392, %mul3A_394 : vector<16xf32>
        %mul3A_396 = arith.mulf %add3A_300, %add3A_300 : vector<16xf32>
        %mul3A_397 = arith.mulf %add3A_304, %add3A_304 : vector<16xf32>
        %mul3A_398 = arith.mulf %add3A_308, %add3A_308 : vector<16xf32>
        %mul3A_399 = arith.mulf %add3A_312, %add3A_312 : vector<16xf32>
        %mul3A_400 = arith.mulf %add3A_316, %add3A_316 : vector<16xf32>
        %mul3A_401 = arith.mulf %add3A_320, %add3A_320 : vector<16xf32>
        %mul3A_402 = arith.mulf %add3A_324, %add3A_324 : vector<16xf32>
        %mul3A_403 = arith.mulf %add3A_328, %add3A_328 : vector<16xf32>
        %mul3A_404 = arith.mulf %add3A_332, %add3A_332 : vector<16xf32>
        %add3A_405 = arith.addf %mul3A_396, %mul3A_397 : vector<16xf32>
        %add3A_406 = arith.addf %mul3A_398, %mul3A_399 : vector<16xf32>
        %add3A_407 = arith.addf %mul3A_400, %mul3A_401 : vector<16xf32>
        %add3A_408 = arith.addf %mul3A_402, %mul3A_403 : vector<16xf32>
        %add3A_409 = arith.addf %add3A_405, %add3A_406 : vector<16xf32>
        %add3A_410 = arith.addf %add3A_407, %add3A_408 : vector<16xf32>
        %add3A_411 = arith.addf %add3A_409, %add3A_410 : vector<16xf32>
        %add3A_412 = arith.addf %add3A_411, %mul3A_404 : vector<16xf32>
        %xor3A_413 = arith.constant 8 : i32
        %xor3A_414 = vector.broadcast %xor3A_413 : i32 to vector<16xi32>
        %xor3A_415 = arith.xori %iota3A, %xor3A_414 : vector<16xi32>
        %lt3A_416 = arith.constant 0 : i32
        %lt3A_417 = vector.broadcast %lt3A_416 : i32 to vector<16xi32>
        %lt3A_418 = arith.cmpi slt, %xor3A_415, %lt3A_417 : vector<16xi32>
        %add3A_419 = arith.constant 16 : i32
        %add3A_420 = vector.broadcast %add3A_419 : i32 to vector<16xi32>
        %add3A_421 = arith.addi %xor3A_415, %add3A_420 : vector<16xi32>
        %select_n3A_422 = arith.select %lt3A_418, %add3A_421, %xor3A_415 : vector<16xi1>, vector<16xi32>
        %broadcast_in_dim3A_423 = vector.shape_cast %select_n3A_422 : vector<16xi32> to vector<16x1xi32>
        %gather3A_424 = vector.shape_cast %broadcast_in_dim3A_423 : vector<16x1xi32> to vector<16xi32>
        %gather3A_425 = tpu.dynamic_gather %add3A_412[%gather3A_424] in [0] : vector<16xf32>, vector<16xi32> -> vector<16xf32>
        %add3A_426 = arith.addf %add3A_412, %gather3A_425 : vector<16xf32>
        %xor3A_427 = arith.constant 4 : i32
        %xor3A_428 = vector.broadcast %xor3A_427 : i32 to vector<16xi32>
        %xor3A_429 = arith.xori %iota3A, %xor3A_428 : vector<16xi32>
        %lt3A_430 = arith.constant 0 : i32
        %lt3A_431 = vector.broadcast %lt3A_430 : i32 to vector<16xi32>
        %lt3A_432 = arith.cmpi slt, %xor3A_429, %lt3A_431 : vector<16xi32>
        %add3A_433 = arith.constant 16 : i32
        %add3A_434 = vector.broadcast %add3A_433 : i32 to vector<16xi32>
        %add3A_435 = arith.addi %xor3A_429, %add3A_434 : vector<16xi32>
        %select_n3A_436 = arith.select %lt3A_432, %add3A_435, %xor3A_429 : vector<16xi1>, vector<16xi32>
        %broadcast_in_dim3A_437 = vector.shape_cast %select_n3A_436 : vector<16xi32> to vector<16x1xi32>
        %gather3A_438 = vector.shape_cast %broadcast_in_dim3A_437 : vector<16x1xi32> to vector<16xi32>
        %gather3A_439 = tpu.dynamic_gather %add3A_426[%gather3A_438] in [0] : vector<16xf32>, vector<16xi32> -> vector<16xf32>
        %add3A_440 = arith.addf %add3A_426, %gather3A_439 : vector<16xf32>
        %xor3A_441 = arith.constant 2 : i32
        %xor3A_442 = vector.broadcast %xor3A_441 : i32 to vector<16xi32>
        %xor3A_443 = arith.xori %iota3A, %xor3A_442 : vector<16xi32>
        %lt3A_444 = arith.constant 0 : i32
        %lt3A_445 = vector.broadcast %lt3A_444 : i32 to vector<16xi32>
        %lt3A_446 = arith.cmpi slt, %xor3A_443, %lt3A_445 : vector<16xi32>
        %add3A_447 = arith.constant 16 : i32
        %add3A_448 = vector.broadcast %add3A_447 : i32 to vector<16xi32>
        %add3A_449 = arith.addi %xor3A_443, %add3A_448 : vector<16xi32>
        %select_n3A_450 = arith.select %lt3A_446, %add3A_449, %xor3A_443 : vector<16xi1>, vector<16xi32>
        %broadcast_in_dim3A_451 = vector.shape_cast %select_n3A_450 : vector<16xi32> to vector<16x1xi32>
        %gather3A_452 = vector.shape_cast %broadcast_in_dim3A_451 : vector<16x1xi32> to vector<16xi32>
        %gather3A_453 = tpu.dynamic_gather %add3A_440[%gather3A_452] in [0] : vector<16xf32>, vector<16xi32> -> vector<16xf32>
        %add3A_454 = arith.addf %add3A_440, %gather3A_453 : vector<16xf32>
        %xor3A_455 = arith.constant 1 : i32
        %xor3A_456 = vector.broadcast %xor3A_455 : i32 to vector<16xi32>
        %xor3A_457 = arith.xori %iota3A, %xor3A_456 : vector<16xi32>
        %lt3A_458 = arith.constant 0 : i32
        %lt3A_459 = vector.broadcast %lt3A_458 : i32 to vector<16xi32>
        %lt3A_460 = arith.cmpi slt, %xor3A_457, %lt3A_459 : vector<16xi32>
        %add3A_461 = arith.constant 16 : i32
        %add3A_462 = vector.broadcast %add3A_461 : i32 to vector<16xi32>
        %add3A_463 = arith.addi %xor3A_457, %add3A_462 : vector<16xi32>
        %select_n3A_464 = arith.select %lt3A_460, %add3A_463, %xor3A_457 : vector<16xi1>, vector<16xi32>
        %broadcast_in_dim3A_465 = vector.shape_cast %select_n3A_464 : vector<16xi32> to vector<16x1xi32>
        %gather3A_466 = vector.shape_cast %broadcast_in_dim3A_465 : vector<16x1xi32> to vector<16xi32>
        %gather3A_467 = tpu.dynamic_gather %add3A_454[%gather3A_466] in [0] : vector<16xf32>, vector<16xi32> -> vector<16xf32>
        %add3A_468 = arith.addf %add3A_454, %gather3A_467 : vector<16xf32>
        %mul3A_469 = arith.constant 0.0069444445 : f32
        %mul3A_470 = vector.broadcast %mul3A_469 : f32 to vector<16xf32>
        %mul3A_471 = arith.mulf %add3A_468, %mul3A_470 : vector<16xf32>
        %mul3A_472 = arith.mulf %mul3A_395, %mul3A_395 : vector<16xf32>
        %sub3A = arith.subf %mul3A_471, %mul3A_472 : vector<16xf32>
        %add3A_473 = arith.constant 9.99999974E-6 : f32
        %add3A_474 = vector.broadcast %add3A_473 : f32 to vector<16xf32>
        %add3A_475 = arith.addf %sub3A, %add3A_474 : vector<16xf32>
        %bitcast_convert_type3A = tpu.bitcast %add3A_475 : vector<16xf32> -> vector<16xi32>
        %shift_right_arithmetic3A_476 = arith.constant 1 : i32
        %shift_right_arithmetic3A_477 = vector.broadcast %shift_right_arithmetic3A_476 : i32 to vector<16xi32>
        %shift_right_arithmetic3A_478 = arith.shrsi %bitcast_convert_type3A, %shift_right_arithmetic3A_477 : vector<16xi32>
        %sub3A_479 = arith.constant 1597463007 : i32
        %sub3A_480 = vector.broadcast %sub3A_479 : i32 to vector<16xi32>
        %sub3A_481 = arith.subi %sub3A_480, %shift_right_arithmetic3A_478 : vector<16xi32>
        %bitcast_convert_type3A_482 = tpu.bitcast %sub3A_481 : vector<16xi32> -> vector<16xf32>
        %mul3A_483 = arith.constant 5.000000e-01 : f32
        %mul3A_484 = vector.broadcast %mul3A_483 : f32 to vector<16xf32>
        %mul3A_485 = arith.mulf %mul3A_484, %add3A_475 : vector<16xf32>
        %mul3A_486 = arith.mulf %mul3A_485, %bitcast_convert_type3A_482 : vector<16xf32>
        %mul3A_487 = arith.mulf %mul3A_486, %bitcast_convert_type3A_482 : vector<16xf32>
        %sub3A_488 = arith.constant 1.500000e+00 : f32
        %sub3A_489 = vector.broadcast %sub3A_488 : f32 to vector<16xf32>
        %sub3A_490 = arith.subf %sub3A_489, %mul3A_487 : vector<16xf32>
        %mul3A_491 = arith.mulf %bitcast_convert_type3A_482, %sub3A_490 : vector<16xf32>
        %mul3A_492 = arith.constant 5.000000e-01 : f32
        %mul3A_493 = vector.broadcast %mul3A_492 : f32 to vector<16xf32>
        %mul3A_494 = arith.mulf %mul3A_493, %add3A_475 : vector<16xf32>
        %mul3A_495 = arith.mulf %mul3A_494, %mul3A_491 : vector<16xf32>
        %mul3A_496 = arith.mulf %mul3A_495, %mul3A_491 : vector<16xf32>
        %sub3A_497 = arith.constant 1.500000e+00 : f32
        %sub3A_498 = vector.broadcast %sub3A_497 : f32 to vector<16xf32>
        %sub3A_499 = arith.subf %sub3A_498, %mul3A_496 : vector<16xf32>
        %mul3A_500 = arith.mulf %mul3A_491, %sub3A_499 : vector<16xf32>
        %broadcast_in_dim3A_501 = vector.broadcast %add3A_296 : i32 to vector<16xi32>
        %sub3A_502 = arith.subf %add3A_300, %mul3A_395 : vector<16xf32>
        %mul3A_503 = arith.mulf %mul3A_500, %get3A_6 : vector<16xf32>
        %mul3A_504 = arith.mulf %sub3A_502, %mul3A_503 : vector<16xf32>
        %add3A_505 = arith.addf %mul3A_504, %get3A_42 : vector<16xf32>
        %add3A_506 = arith.constant 0 : i32
        %add3A_507 = vector.broadcast %add3A_506 : i32 to vector<16xi32>
        %add3A_508 = arith.addi %shift_right_arithmetic3A_76, %add3A_507 : vector<16xi32>
        tpu.vector_store_idx %arg12[%add3A_508, %and3A_78, %broadcast_in_dim3A_501], %add3A_505 : memref<18x8x129xf32, #tpu.memory_space<vmem>>[vector<16xi32>, vector<16xi32>, vector<16xi32>], vector<16xf32>,
        %sub3A_509 = arith.subf %add3A_304, %mul3A_395 : vector<16xf32>
        %mul3A_510 = arith.mulf %mul3A_500, %get3A_10 : vector<16xf32>
        %mul3A_511 = arith.mulf %sub3A_509, %mul3A_510 : vector<16xf32>
        %add3A_512 = arith.addf %mul3A_511, %get3A_46 : vector<16xf32>
        %add3A_513 = arith.constant 2 : i32
        %add3A_514 = vector.broadcast %add3A_513 : i32 to vector<16xi32>
        %add3A_515 = arith.addi %shift_right_arithmetic3A_76, %add3A_514 : vector<16xi32>
        tpu.vector_store_idx %arg12[%add3A_515, %and3A_78, %broadcast_in_dim3A_501], %add3A_512 : memref<18x8x129xf32, #tpu.memory_space<vmem>>[vector<16xi32>, vector<16xi32>, vector<16xi32>], vector<16xf32>,
        %sub3A_516 = arith.subf %add3A_308, %mul3A_395 : vector<16xf32>
        %mul3A_517 = arith.mulf %mul3A_500, %get3A_14 : vector<16xf32>
        %mul3A_518 = arith.mulf %sub3A_516, %mul3A_517 : vector<16xf32>
        %add3A_519 = arith.addf %mul3A_518, %get3A_50 : vector<16xf32>
        %add3A_520 = arith.constant 4 : i32
        %add3A_521 = vector.broadcast %add3A_520 : i32 to vector<16xi32>
        %add3A_522 = arith.addi %shift_right_arithmetic3A_76, %add3A_521 : vector<16xi32>
        tpu.vector_store_idx %arg12[%add3A_522, %and3A_78, %broadcast_in_dim3A_501], %add3A_519 : memref<18x8x129xf32, #tpu.memory_space<vmem>>[vector<16xi32>, vector<16xi32>, vector<16xi32>], vector<16xf32>,
        %sub3A_523 = arith.subf %add3A_312, %mul3A_395 : vector<16xf32>
        %mul3A_524 = arith.mulf %mul3A_500, %get3A_18 : vector<16xf32>
        %mul3A_525 = arith.mulf %sub3A_523, %mul3A_524 : vector<16xf32>
        %add3A_526 = arith.addf %mul3A_525, %get3A_54 : vector<16xf32>
        %add3A_527 = arith.constant 6 : i32
        %add3A_528 = vector.broadcast %add3A_527 : i32 to vector<16xi32>
        %add3A_529 = arith.addi %shift_right_arithmetic3A_76, %add3A_528 : vector<16xi32>
        tpu.vector_store_idx %arg12[%add3A_529, %and3A_78, %broadcast_in_dim3A_501], %add3A_526 : memref<18x8x129xf32, #tpu.memory_space<vmem>>[vector<16xi32>, vector<16xi32>, vector<16xi32>], vector<16xf32>,
        %sub3A_530 = arith.subf %add3A_316, %mul3A_395 : vector<16xf32>
        %mul3A_531 = arith.mulf %mul3A_500, %get3A_22 : vector<16xf32>
        %mul3A_532 = arith.mulf %sub3A_530, %mul3A_531 : vector<16xf32>
        %add3A_533 = arith.addf %mul3A_532, %get3A_58 : vector<16xf32>
        %add3A_534 = arith.constant 8 : i32
        %add3A_535 = vector.broadcast %add3A_534 : i32 to vector<16xi32>
        %add3A_536 = arith.addi %shift_right_arithmetic3A_76, %add3A_535 : vector<16xi32>
        tpu.vector_store_idx %arg12[%add3A_536, %and3A_78, %broadcast_in_dim3A_501], %add3A_533 : memref<18x8x129xf32, #tpu.memory_space<vmem>>[vector<16xi32>, vector<16xi32>, vector<16xi32>], vector<16xf32>,
        %sub3A_537 = arith.subf %add3A_320, %mul3A_395 : vector<16xf32>
        %mul3A_538 = arith.mulf %mul3A_500, %get3A_26 : vector<16xf32>
        %mul3A_539 = arith.mulf %sub3A_537, %mul3A_538 : vector<16xf32>
        %add3A_540 = arith.addf %mul3A_539, %get3A_62 : vector<16xf32>
        %add3A_541 = arith.constant 10 : i32
        %add3A_542 = vector.broadcast %add3A_541 : i32 to vector<16xi32>
        %add3A_543 = arith.addi %shift_right_arithmetic3A_76, %add3A_542 : vector<16xi32>
        tpu.vector_store_idx %arg12[%add3A_543, %and3A_78, %broadcast_in_dim3A_501], %add3A_540 : memref<18x8x129xf32, #tpu.memory_space<vmem>>[vector<16xi32>, vector<16xi32>, vector<16xi32>], vector<16xf32>,
        %sub3A_544 = arith.subf %add3A_324, %mul3A_395 : vector<16xf32>
        %mul3A_545 = arith.mulf %mul3A_500, %get3A_30 : vector<16xf32>
        %mul3A_546 = arith.mulf %sub3A_544, %mul3A_545 : vector<16xf32>
        %add3A_547 = arith.addf %mul3A_546, %get3A_66 : vector<16xf32>
        %add3A_548 = arith.constant 12 : i32
        %add3A_549 = vector.broadcast %add3A_548 : i32 to vector<16xi32>
        %add3A_550 = arith.addi %shift_right_arithmetic3A_76, %add3A_549 : vector<16xi32>
        tpu.vector_store_idx %arg12[%add3A_550, %and3A_78, %broadcast_in_dim3A_501], %add3A_547 : memref<18x8x129xf32, #tpu.memory_space<vmem>>[vector<16xi32>, vector<16xi32>, vector<16xi32>], vector<16xf32>,
        %sub3A_551 = arith.subf %add3A_328, %mul3A_395 : vector<16xf32>
        %mul3A_552 = arith.mulf %mul3A_500, %get3A_34 : vector<16xf32>
        %mul3A_553 = arith.mulf %sub3A_551, %mul3A_552 : vector<16xf32>
        %add3A_554 = arith.addf %mul3A_553, %get3A_70 : vector<16xf32>
        %add3A_555 = arith.constant 14 : i32
        %add3A_556 = vector.broadcast %add3A_555 : i32 to vector<16xi32>
        %add3A_557 = arith.addi %shift_right_arithmetic3A_76, %add3A_556 : vector<16xi32>
        tpu.vector_store_idx %arg12[%add3A_557, %and3A_78, %broadcast_in_dim3A_501], %add3A_554 : memref<18x8x129xf32, #tpu.memory_space<vmem>>[vector<16xi32>, vector<16xi32>, vector<16xi32>], vector<16xf32>,
        %sub3A_558 = arith.subf %add3A_332, %mul3A_395 : vector<16xf32>
        %mul3A_559 = arith.mulf %mul3A_500, %get3A_38 : vector<16xf32>
        %mul3A_560 = arith.mulf %sub3A_558, %mul3A_559 : vector<16xf32>
        %add3A_561 = arith.addf %mul3A_560, %get3A_74 : vector<16xf32>
        %add3A_562 = arith.constant 16 : i32
        %add3A_563 = vector.broadcast %add3A_562 : i32 to vector<16xi32>
        %add3A_564 = arith.addi %shift_right_arithmetic3A_76, %add3A_563 : vector<16xi32>
        tpu.vector_store_idx %arg12[%add3A_564, %and3A_78, %broadcast_in_dim3A_501], %add3A_561 : memref<18x8x129xf32, #tpu.memory_space<vmem>>[vector<16xi32>, vector<16xi32>, vector<16xi32>], vector<16xf32>,
        %scan3A_565 = arith.constant 1 : i32
        %scan3A_566 = arith.addi %scan3A_292, %scan3A_565 : i32
        %mul3A_567 = arith.constant 1 : i32
        %mul3A_568 = arith.muli %scan3A_566, %mul3A_567 : i32
        %add3A_569 = arith.constant 0 : i32
        %add3A_570 = arith.addi %add3A_569, %mul3A_568 : i32
        %get3A_571 = arith.index_cast %add3A_570 : i32 to index
        %get3A_572 = arith.constant 0 : index
        %get3A_573 = tpu.vector_load %arg10[%get3A_571, %get3A_572] {strides = array<i32>} : memref<128x144xf32, #tpu.memory_space<vmem>>, vector<16xf32>,
        %add3A_574 = arith.addf %get3A_573, %get3A_234 : vector<16xf32>
        %get3A_575 = arith.index_cast %add3A_570 : i32 to index
        %get3A_576 = arith.constant 16 : index
        %get3A_577 = tpu.vector_load %arg10[%get3A_575, %get3A_576] {strides = array<i32>} : memref<128x144xf32, #tpu.memory_space<vmem>>, vector<16xf32>,
        %add3A_578 = arith.addf %get3A_577, %get3A_237 : vector<16xf32>
        %get3A_579 = arith.index_cast %add3A_570 : i32 to index
        %get3A_580 = arith.constant 32 : index
        %get3A_581 = tpu.vector_load %arg10[%get3A_579, %get3A_580] {strides = array<i32>} : memref<128x144xf32, #tpu.memory_space<vmem>>, vector<16xf32>,
        %add3A_582 = arith.addf %get3A_581, %get3A_240 : vector<16xf32>
        %get3A_583 = arith.index_cast %add3A_570 : i32 to index
        %get3A_584 = arith.constant 48 : index
        %get3A_585 = tpu.vector_load %arg10[%get3A_583, %get3A_584] {strides = array<i32>} : memref<128x144xf32, #tpu.memory_space<vmem>>, vector<16xf32>,
        %add3A_586 = arith.addf %get3A_585, %get3A_243 : vector<16xf32>
        %get3A_587 = arith.index_cast %add3A_570 : i32 to index
        %get3A_588 = arith.constant 64 : index
        %get3A_589 = tpu.vector_load %arg10[%get3A_587, %get3A_588] {strides = array<i32>} : memref<128x144xf32, #tpu.memory_space<vmem>>, vector<16xf32>,
        %add3A_590 = arith.addf %get3A_589, %get3A_246 : vector<16xf32>
        %get3A_591 = arith.index_cast %add3A_570 : i32 to index
        %get3A_592 = arith.constant 80 : index
        %get3A_593 = tpu.vector_load %arg10[%get3A_591, %get3A_592] {strides = array<i32>} : memref<128x144xf32, #tpu.memory_space<vmem>>, vector<16xf32>,
        %add3A_594 = arith.addf %get3A_593, %get3A_249 : vector<16xf32>
        %get3A_595 = arith.index_cast %add3A_570 : i32 to index
        %get3A_596 = arith.constant 96 : index
        %get3A_597 = tpu.vector_load %arg10[%get3A_595, %get3A_596] {strides = array<i32>} : memref<128x144xf32, #tpu.memory_space<vmem>>, vector<16xf32>,
        %add3A_598 = arith.addf %get3A_597, %get3A_252 : vector<16xf32>
        %get3A_599 = arith.index_cast %add3A_570 : i32 to index
        %get3A_600 = arith.constant 112 : index
        %get3A_601 = tpu.vector_load %arg10[%get3A_599, %get3A_600] {strides = array<i32>} : memref<128x144xf32, #tpu.memory_space<vmem>>, vector<16xf32>,
        %add3A_602 = arith.addf %get3A_601, %get3A_255 : vector<16xf32>
        %get3A_603 = arith.index_cast %add3A_570 : i32 to index
        %get3A_604 = arith.constant 128 : index
        %get3A_605 = tpu.vector_load %arg10[%get3A_603, %get3A_604] {strides = array<i32>} : memref<128x144xf32, #tpu.memory_space<vmem>>, vector<16xf32>,
        %add3A_606 = arith.addf %get3A_605, %get3A_258 : vector<16xf32>
        %add3A_607 = arith.addf %add3A_574, %add3A_578 : vector<16xf32>
        %add3A_608 = arith.addf %add3A_582, %add3A_586 : vector<16xf32>
        %add3A_609 = arith.addf %add3A_590, %add3A_594 : vector<16xf32>
        %add3A_610 = arith.addf %add3A_598, %add3A_602 : vector<16xf32>
        %add3A_611 = arith.addf %add3A_607, %add3A_608 : vector<16xf32>
        %add3A_612 = arith.addf %add3A_609, %add3A_610 : vector<16xf32>
        %add3A_613 = arith.addf %add3A_611, %add3A_612 : vector<16xf32>
        %add3A_614 = arith.addf %add3A_613, %add3A_606 : vector<16xf32>
        %xor3A_615 = arith.constant 8 : i32
        %xor3A_616 = vector.broadcast %xor3A_615 : i32 to vector<16xi32>
        %xor3A_617 = arith.xori %iota3A, %xor3A_616 : vector<16xi32>
        %lt3A_618 = arith.constant 0 : i32
        %lt3A_619 = vector.broadcast %lt3A_618 : i32 to vector<16xi32>
        %lt3A_620 = arith.cmpi slt, %xor3A_617, %lt3A_619 : vector<16xi32>
        %add3A_621 = arith.constant 16 : i32
        %add3A_622 = vector.broadcast %add3A_621 : i32 to vector<16xi32>
        %add3A_623 = arith.addi %xor3A_617, %add3A_622 : vector<16xi32>
        %select_n3A_624 = arith.select %lt3A_620, %add3A_623, %xor3A_617 : vector<16xi1>, vector<16xi32>
        %broadcast_in_dim3A_625 = vector.shape_cast %select_n3A_624 : vector<16xi32> to vector<16x1xi32>
        %gather3A_626 = vector.shape_cast %broadcast_in_dim3A_625 : vector<16x1xi32> to vector<16xi32>
        %gather3A_627 = tpu.dynamic_gather %add3A_614[%gather3A_626] in [0] : vector<16xf32>, vector<16xi32> -> vector<16xf32>
        %add3A_628 = arith.addf %add3A_614, %gather3A_627 : vector<16xf32>
        %xor3A_629 = arith.constant 4 : i32
        %xor3A_630 = vector.broadcast %xor3A_629 : i32 to vector<16xi32>
        %xor3A_631 = arith.xori %iota3A, %xor3A_630 : vector<16xi32>
        %lt3A_632 = arith.constant 0 : i32
        %lt3A_633 = vector.broadcast %lt3A_632 : i32 to vector<16xi32>
        %lt3A_634 = arith.cmpi slt, %xor3A_631, %lt3A_633 : vector<16xi32>
        %add3A_635 = arith.constant 16 : i32
        %add3A_636 = vector.broadcast %add3A_635 : i32 to vector<16xi32>
        %add3A_637 = arith.addi %xor3A_631, %add3A_636 : vector<16xi32>
        %select_n3A_638 = arith.select %lt3A_634, %add3A_637, %xor3A_631 : vector<16xi1>, vector<16xi32>
        %broadcast_in_dim3A_639 = vector.shape_cast %select_n3A_638 : vector<16xi32> to vector<16x1xi32>
        %gather3A_640 = vector.shape_cast %broadcast_in_dim3A_639 : vector<16x1xi32> to vector<16xi32>
        %gather3A_641 = tpu.dynamic_gather %add3A_628[%gather3A_640] in [0] : vector<16xf32>, vector<16xi32> -> vector<16xf32>
        %add3A_642 = arith.addf %add3A_628, %gather3A_641 : vector<16xf32>
        %xor3A_643 = arith.constant 2 : i32
        %xor3A_644 = vector.broadcast %xor3A_643 : i32 to vector<16xi32>
        %xor3A_645 = arith.xori %iota3A, %xor3A_644 : vector<16xi32>
        %lt3A_646 = arith.constant 0 : i32
        %lt3A_647 = vector.broadcast %lt3A_646 : i32 to vector<16xi32>
        %lt3A_648 = arith.cmpi slt, %xor3A_645, %lt3A_647 : vector<16xi32>
        %add3A_649 = arith.constant 16 : i32
        %add3A_650 = vector.broadcast %add3A_649 : i32 to vector<16xi32>
        %add3A_651 = arith.addi %xor3A_645, %add3A_650 : vector<16xi32>
        %select_n3A_652 = arith.select %lt3A_648, %add3A_651, %xor3A_645 : vector<16xi1>, vector<16xi32>
        %broadcast_in_dim3A_653 = vector.shape_cast %select_n3A_652 : vector<16xi32> to vector<16x1xi32>
        %gather3A_654 = vector.shape_cast %broadcast_in_dim3A_653 : vector<16x1xi32> to vector<16xi32>
        %gather3A_655 = tpu.dynamic_gather %add3A_642[%gather3A_654] in [0] : vector<16xf32>, vector<16xi32> -> vector<16xf32>
        %add3A_656 = arith.addf %add3A_642, %gather3A_655 : vector<16xf32>
        %xor3A_657 = arith.constant 1 : i32
        %xor3A_658 = vector.broadcast %xor3A_657 : i32 to vector<16xi32>
        %xor3A_659 = arith.xori %iota3A, %xor3A_658 : vector<16xi32>
        %lt3A_660 = arith.constant 0 : i32
        %lt3A_661 = vector.broadcast %lt3A_660 : i32 to vector<16xi32>
        %lt3A_662 = arith.cmpi slt, %xor3A_659, %lt3A_661 : vector<16xi32>
        %add3A_663 = arith.constant 16 : i32
        %add3A_664 = vector.broadcast %add3A_663 : i32 to vector<16xi32>
        %add3A_665 = arith.addi %xor3A_659, %add3A_664 : vector<16xi32>
        %select_n3A_666 = arith.select %lt3A_662, %add3A_665, %xor3A_659 : vector<16xi1>, vector<16xi32>
        %broadcast_in_dim3A_667 = vector.shape_cast %select_n3A_666 : vector<16xi32> to vector<16x1xi32>
        %gather3A_668 = vector.shape_cast %broadcast_in_dim3A_667 : vector<16x1xi32> to vector<16xi32>
        %gather3A_669 = tpu.dynamic_gather %add3A_656[%gather3A_668] in [0] : vector<16xf32>, vector<16xi32> -> vector<16xf32>
        %add3A_670 = arith.addf %add3A_656, %gather3A_669 : vector<16xf32>
        %mul3A_671 = arith.constant 0.0069444445 : f32
        %mul3A_672 = vector.broadcast %mul3A_671 : f32 to vector<16xf32>
        %mul3A_673 = arith.mulf %add3A_670, %mul3A_672 : vector<16xf32>
        %mul3A_674 = arith.mulf %add3A_574, %add3A_574 : vector<16xf32>
        %mul3A_675 = arith.mulf %add3A_578, %add3A_578 : vector<16xf32>
        %mul3A_676 = arith.mulf %add3A_582, %add3A_582 : vector<16xf32>
        %mul3A_677 = arith.mulf %add3A_586, %add3A_586 : vector<16xf32>
        %mul3A_678 = arith.mulf %add3A_590, %add3A_590 : vector<16xf32>
        %mul3A_679 = arith.mulf %add3A_594, %add3A_594 : vector<16xf32>
        %mul3A_680 = arith.mulf %add3A_598, %add3A_598 : vector<16xf32>
        %mul3A_681 = arith.mulf %add3A_602, %add3A_602 : vector<16xf32>
        %mul3A_682 = arith.mulf %add3A_606, %add3A_606 : vector<16xf32>
        %add3A_683 = arith.addf %mul3A_674, %mul3A_675 : vector<16xf32>
        %add3A_684 = arith.addf %mul3A_676, %mul3A_677 : vector<16xf32>
        %add3A_685 = arith.addf %mul3A_678, %mul3A_679 : vector<16xf32>
        %add3A_686 = arith.addf %mul3A_680, %mul3A_681 : vector<16xf32>
        %add3A_687 = arith.addf %add3A_683, %add3A_684 : vector<16xf32>
        %add3A_688 = arith.addf %add3A_685, %add3A_686 : vector<16xf32>
        %add3A_689 = arith.addf %add3A_687, %add3A_688 : vector<16xf32>
        %add3A_690 = arith.addf %add3A_689, %mul3A_682 : vector<16xf32>
        %xor3A_691 = arith.constant 8 : i32
        %xor3A_692 = vector.broadcast %xor3A_691 : i32 to vector<16xi32>
        %xor3A_693 = arith.xori %iota3A, %xor3A_692 : vector<16xi32>
        %lt3A_694 = arith.constant 0 : i32
        %lt3A_695 = vector.broadcast %lt3A_694 : i32 to vector<16xi32>
        %lt3A_696 = arith.cmpi slt, %xor3A_693, %lt3A_695 : vector<16xi32>
        %add3A_697 = arith.constant 16 : i32
        %add3A_698 = vector.broadcast %add3A_697 : i32 to vector<16xi32>
        %add3A_699 = arith.addi %xor3A_693, %add3A_698 : vector<16xi32>
        %select_n3A_700 = arith.select %lt3A_696, %add3A_699, %xor3A_693 : vector<16xi1>, vector<16xi32>
        %broadcast_in_dim3A_701 = vector.shape_cast %select_n3A_700 : vector<16xi32> to vector<16x1xi32>
        %gather3A_702 = vector.shape_cast %broadcast_in_dim3A_701 : vector<16x1xi32> to vector<16xi32>
        %gather3A_703 = tpu.dynamic_gather %add3A_690[%gather3A_702] in [0] : vector<16xf32>, vector<16xi32> -> vector<16xf32>
        %add3A_704 = arith.addf %add3A_690, %gather3A_703 : vector<16xf32>
        %xor3A_705 = arith.constant 4 : i32
        %xor3A_706 = vector.broadcast %xor3A_705 : i32 to vector<16xi32>
        %xor3A_707 = arith.xori %iota3A, %xor3A_706 : vector<16xi32>
        %lt3A_708 = arith.constant 0 : i32
        %lt3A_709 = vector.broadcast %lt3A_708 : i32 to vector<16xi32>
        %lt3A_710 = arith.cmpi slt, %xor3A_707, %lt3A_709 : vector<16xi32>
        %add3A_711 = arith.constant 16 : i32
        %add3A_712 = vector.broadcast %add3A_711 : i32 to vector<16xi32>
        %add3A_713 = arith.addi %xor3A_707, %add3A_712 : vector<16xi32>
        %select_n3A_714 = arith.select %lt3A_710, %add3A_713, %xor3A_707 : vector<16xi1>, vector<16xi32>
        %broadcast_in_dim3A_715 = vector.shape_cast %select_n3A_714 : vector<16xi32> to vector<16x1xi32>
        %gather3A_716 = vector.shape_cast %broadcast_in_dim3A_715 : vector<16x1xi32> to vector<16xi32>
        %gather3A_717 = tpu.dynamic_gather %add3A_704[%gather3A_716] in [0] : vector<16xf32>, vector<16xi32> -> vector<16xf32>
        %add3A_718 = arith.addf %add3A_704, %gather3A_717 : vector<16xf32>
        %xor3A_719 = arith.constant 2 : i32
        %xor3A_720 = vector.broadcast %xor3A_719 : i32 to vector<16xi32>
        %xor3A_721 = arith.xori %iota3A, %xor3A_720 : vector<16xi32>
        %lt3A_722 = arith.constant 0 : i32
        %lt3A_723 = vector.broadcast %lt3A_722 : i32 to vector<16xi32>
        %lt3A_724 = arith.cmpi slt, %xor3A_721, %lt3A_723 : vector<16xi32>
        %add3A_725 = arith.constant 16 : i32
        %add3A_726 = vector.broadcast %add3A_725 : i32 to vector<16xi32>
        %add3A_727 = arith.addi %xor3A_721, %add3A_726 : vector<16xi32>
        %select_n3A_728 = arith.select %lt3A_724, %add3A_727, %xor3A_721 : vector<16xi1>, vector<16xi32>
        %broadcast_in_dim3A_729 = vector.shape_cast %select_n3A_728 : vector<16xi32> to vector<16x1xi32>
        %gather3A_730 = vector.shape_cast %broadcast_in_dim3A_729 : vector<16x1xi32> to vector<16xi32>
        %gather3A_731 = tpu.dynamic_gather %add3A_718[%gather3A_730] in [0] : vector<16xf32>, vector<16xi32> -> vector<16xf32>
        %add3A_732 = arith.addf %add3A_718, %gather3A_731 : vector<16xf32>
        %xor3A_733 = arith.constant 1 : i32
        %xor3A_734 = vector.broadcast %xor3A_733 : i32 to vector<16xi32>
        %xor3A_735 = arith.xori %iota3A, %xor3A_734 : vector<16xi32>
        %lt3A_736 = arith.constant 0 : i32
        %lt3A_737 = vector.broadcast %lt3A_736 : i32 to vector<16xi32>
        %lt3A_738 = arith.cmpi slt, %xor3A_735, %lt3A_737 : vector<16xi32>
        %add3A_739 = arith.constant 16 : i32
        %add3A_740 = vector.broadcast %add3A_739 : i32 to vector<16xi32>
        %add3A_741 = arith.addi %xor3A_735, %add3A_740 : vector<16xi32>
        %select_n3A_742 = arith.select %lt3A_738, %add3A_741, %xor3A_735 : vector<16xi1>, vector<16xi32>
        %broadcast_in_dim3A_743 = vector.shape_cast %select_n3A_742 : vector<16xi32> to vector<16x1xi32>
        %gather3A_744 = vector.shape_cast %broadcast_in_dim3A_743 : vector<16x1xi32> to vector<16xi32>
        %gather3A_745 = tpu.dynamic_gather %add3A_732[%gather3A_744] in [0] : vector<16xf32>, vector<16xi32> -> vector<16xf32>
        %add3A_746 = arith.addf %add3A_732, %gather3A_745 : vector<16xf32>
        %mul3A_747 = arith.constant 0.0069444445 : f32
        %mul3A_748 = vector.broadcast %mul3A_747 : f32 to vector<16xf32>
        %mul3A_749 = arith.mulf %add3A_746, %mul3A_748 : vector<16xf32>
        %mul3A_750 = arith.mulf %mul3A_673, %mul3A_673 : vector<16xf32>
        %sub3A_751 = arith.subf %mul3A_749, %mul3A_750 : vector<16xf32>
        %add3A_752 = arith.constant 9.99999974E-6 : f32
        %add3A_753 = vector.broadcast %add3A_752 : f32 to vector<16xf32>
        %add3A_754 = arith.addf %sub3A_751, %add3A_753 : vector<16xf32>
        %bitcast_convert_type3A_755 = tpu.bitcast %add3A_754 : vector<16xf32> -> vector<16xi32>
        %shift_right_arithmetic3A_756 = arith.constant 1 : i32
        %shift_right_arithmetic3A_757 = vector.broadcast %shift_right_arithmetic3A_756 : i32 to vector<16xi32>
        %shift_right_arithmetic3A_758 = arith.shrsi %bitcast_convert_type3A_755, %shift_right_arithmetic3A_757 : vector<16xi32>
        %sub3A_759 = arith.constant 1597463007 : i32
        %sub3A_760 = vector.broadcast %sub3A_759 : i32 to vector<16xi32>
        %sub3A_761 = arith.subi %sub3A_760, %shift_right_arithmetic3A_758 : vector<16xi32>
        %bitcast_convert_type3A_762 = tpu.bitcast %sub3A_761 : vector<16xi32> -> vector<16xf32>
        %mul3A_763 = arith.constant 5.000000e-01 : f32
        %mul3A_764 = vector.broadcast %mul3A_763 : f32 to vector<16xf32>
        %mul3A_765 = arith.mulf %mul3A_764, %add3A_754 : vector<16xf32>
        %mul3A_766 = arith.mulf %mul3A_765, %bitcast_convert_type3A_762 : vector<16xf32>
        %mul3A_767 = arith.mulf %mul3A_766, %bitcast_convert_type3A_762 : vector<16xf32>
        %sub3A_768 = arith.constant 1.500000e+00 : f32
        %sub3A_769 = vector.broadcast %sub3A_768 : f32 to vector<16xf32>
        %sub3A_770 = arith.subf %sub3A_769, %mul3A_767 : vector<16xf32>
        %mul3A_771 = arith.mulf %bitcast_convert_type3A_762, %sub3A_770 : vector<16xf32>
        %mul3A_772 = arith.constant 5.000000e-01 : f32
        %mul3A_773 = vector.broadcast %mul3A_772 : f32 to vector<16xf32>
        %mul3A_774 = arith.mulf %mul3A_773, %add3A_754 : vector<16xf32>
        %mul3A_775 = arith.mulf %mul3A_774, %mul3A_771 : vector<16xf32>
        %mul3A_776 = arith.mulf %mul3A_775, %mul3A_771 : vector<16xf32>
        %sub3A_777 = arith.constant 1.500000e+00 : f32
        %sub3A_778 = vector.broadcast %sub3A_777 : f32 to vector<16xf32>
        %sub3A_779 = arith.subf %sub3A_778, %mul3A_776 : vector<16xf32>
        %mul3A_780 = arith.mulf %mul3A_771, %sub3A_779 : vector<16xf32>
        %broadcast_in_dim3A_781 = vector.broadcast %add3A_570 : i32 to vector<16xi32>
        %sub3A_782 = arith.subf %add3A_574, %mul3A_673 : vector<16xf32>
        %mul3A_783 = arith.mulf %mul3A_780, %get3A_6 : vector<16xf32>
        %mul3A_784 = arith.mulf %sub3A_782, %mul3A_783 : vector<16xf32>
        %add3A_785 = arith.addf %mul3A_784, %get3A_42 : vector<16xf32>
        %add3A_786 = arith.constant 0 : i32
        %add3A_787 = vector.broadcast %add3A_786 : i32 to vector<16xi32>
        %add3A_788 = arith.addi %shift_right_arithmetic3A_76, %add3A_787 : vector<16xi32>
        tpu.vector_store_idx %arg12[%add3A_788, %and3A_78, %broadcast_in_dim3A_781], %add3A_785 : memref<18x8x129xf32, #tpu.memory_space<vmem>>[vector<16xi32>, vector<16xi32>, vector<16xi32>], vector<16xf32>,
        %sub3A_789 = arith.subf %add3A_578, %mul3A_673 : vector<16xf32>
        %mul3A_790 = arith.mulf %mul3A_780, %get3A_10 : vector<16xf32>
        %mul3A_791 = arith.mulf %sub3A_789, %mul3A_790 : vector<16xf32>
        %add3A_792 = arith.addf %mul3A_791, %get3A_46 : vector<16xf32>
        %add3A_793 = arith.constant 2 : i32
        %add3A_794 = vector.broadcast %add3A_793 : i32 to vector<16xi32>
        %add3A_795 = arith.addi %shift_right_arithmetic3A_76, %add3A_794 : vector<16xi32>
        tpu.vector_store_idx %arg12[%add3A_795, %and3A_78, %broadcast_in_dim3A_781], %add3A_792 : memref<18x8x129xf32, #tpu.memory_space<vmem>>[vector<16xi32>, vector<16xi32>, vector<16xi32>], vector<16xf32>,
        %sub3A_796 = arith.subf %add3A_582, %mul3A_673 : vector<16xf32>
        %mul3A_797 = arith.mulf %mul3A_780, %get3A_14 : vector<16xf32>
        %mul3A_798 = arith.mulf %sub3A_796, %mul3A_797 : vector<16xf32>
        %add3A_799 = arith.addf %mul3A_798, %get3A_50 : vector<16xf32>
        %add3A_800 = arith.constant 4 : i32
        %add3A_801 = vector.broadcast %add3A_800 : i32 to vector<16xi32>
        %add3A_802 = arith.addi %shift_right_arithmetic3A_76, %add3A_801 : vector<16xi32>
        tpu.vector_store_idx %arg12[%add3A_802, %and3A_78, %broadcast_in_dim3A_781], %add3A_799 : memref<18x8x129xf32, #tpu.memory_space<vmem>>[vector<16xi32>, vector<16xi32>, vector<16xi32>], vector<16xf32>,
        %sub3A_803 = arith.subf %add3A_586, %mul3A_673 : vector<16xf32>
        %mul3A_804 = arith.mulf %mul3A_780, %get3A_18 : vector<16xf32>
        %mul3A_805 = arith.mulf %sub3A_803, %mul3A_804 : vector<16xf32>
        %add3A_806 = arith.addf %mul3A_805, %get3A_54 : vector<16xf32>
        %add3A_807 = arith.constant 6 : i32
        %add3A_808 = vector.broadcast %add3A_807 : i32 to vector<16xi32>
        %add3A_809 = arith.addi %shift_right_arithmetic3A_76, %add3A_808 : vector<16xi32>
        tpu.vector_store_idx %arg12[%add3A_809, %and3A_78, %broadcast_in_dim3A_781], %add3A_806 : memref<18x8x129xf32, #tpu.memory_space<vmem>>[vector<16xi32>, vector<16xi32>, vector<16xi32>], vector<16xf32>,
        %sub3A_810 = arith.subf %add3A_590, %mul3A_673 : vector<16xf32>
        %mul3A_811 = arith.mulf %mul3A_780, %get3A_22 : vector<16xf32>
        %mul3A_812 = arith.mulf %sub3A_810, %mul3A_811 : vector<16xf32>
        %add3A_813 = arith.addf %mul3A_812, %get3A_58 : vector<16xf32>
        %add3A_814 = arith.constant 8 : i32
        %add3A_815 = vector.broadcast %add3A_814 : i32 to vector<16xi32>
        %add3A_816 = arith.addi %shift_right_arithmetic3A_76, %add3A_815 : vector<16xi32>
        tpu.vector_store_idx %arg12[%add3A_816, %and3A_78, %broadcast_in_dim3A_781], %add3A_813 : memref<18x8x129xf32, #tpu.memory_space<vmem>>[vector<16xi32>, vector<16xi32>, vector<16xi32>], vector<16xf32>,
        %sub3A_817 = arith.subf %add3A_594, %mul3A_673 : vector<16xf32>
        %mul3A_818 = arith.mulf %mul3A_780, %get3A_26 : vector<16xf32>
        %mul3A_819 = arith.mulf %sub3A_817, %mul3A_818 : vector<16xf32>
        %add3A_820 = arith.addf %mul3A_819, %get3A_62 : vector<16xf32>
        %add3A_821 = arith.constant 10 : i32
        %add3A_822 = vector.broadcast %add3A_821 : i32 to vector<16xi32>
        %add3A_823 = arith.addi %shift_right_arithmetic3A_76, %add3A_822 : vector<16xi32>
        tpu.vector_store_idx %arg12[%add3A_823, %and3A_78, %broadcast_in_dim3A_781], %add3A_820 : memref<18x8x129xf32, #tpu.memory_space<vmem>>[vector<16xi32>, vector<16xi32>, vector<16xi32>], vector<16xf32>,
        %sub3A_824 = arith.subf %add3A_598, %mul3A_673 : vector<16xf32>
        %mul3A_825 = arith.mulf %mul3A_780, %get3A_30 : vector<16xf32>
        %mul3A_826 = arith.mulf %sub3A_824, %mul3A_825 : vector<16xf32>
        %add3A_827 = arith.addf %mul3A_826, %get3A_66 : vector<16xf32>
        %add3A_828 = arith.constant 12 : i32
        %add3A_829 = vector.broadcast %add3A_828 : i32 to vector<16xi32>
        %add3A_830 = arith.addi %shift_right_arithmetic3A_76, %add3A_829 : vector<16xi32>
        tpu.vector_store_idx %arg12[%add3A_830, %and3A_78, %broadcast_in_dim3A_781], %add3A_827 : memref<18x8x129xf32, #tpu.memory_space<vmem>>[vector<16xi32>, vector<16xi32>, vector<16xi32>], vector<16xf32>,
        %sub3A_831 = arith.subf %add3A_602, %mul3A_673 : vector<16xf32>
        %mul3A_832 = arith.mulf %mul3A_780, %get3A_34 : vector<16xf32>
        %mul3A_833 = arith.mulf %sub3A_831, %mul3A_832 : vector<16xf32>
        %add3A_834 = arith.addf %mul3A_833, %get3A_70 : vector<16xf32>
        %add3A_835 = arith.constant 14 : i32
        %add3A_836 = vector.broadcast %add3A_835 : i32 to vector<16xi32>
        %add3A_837 = arith.addi %shift_right_arithmetic3A_76, %add3A_836 : vector<16xi32>
        tpu.vector_store_idx %arg12[%add3A_837, %and3A_78, %broadcast_in_dim3A_781], %add3A_834 : memref<18x8x129xf32, #tpu.memory_space<vmem>>[vector<16xi32>, vector<16xi32>, vector<16xi32>], vector<16xf32>,
        %sub3A_838 = arith.subf %add3A_606, %mul3A_673 : vector<16xf32>
        %mul3A_839 = arith.mulf %mul3A_780, %get3A_38 : vector<16xf32>
        %mul3A_840 = arith.mulf %sub3A_838, %mul3A_839 : vector<16xf32>
        %add3A_841 = arith.addf %mul3A_840, %get3A_74 : vector<16xf32>
        %add3A_842 = arith.constant 16 : i32
        %add3A_843 = vector.broadcast %add3A_842 : i32 to vector<16xi32>
        %add3A_844 = arith.addi %shift_right_arithmetic3A_76, %add3A_843 : vector<16xi32>
        tpu.vector_store_idx %arg12[%add3A_844, %and3A_78, %broadcast_in_dim3A_781], %add3A_841 : memref<18x8x129xf32, #tpu.memory_space<vmem>>[vector<16xi32>, vector<16xi32>, vector<16xi32>], vector<16xf32>,
      }
      %scan3A_263 = arith.constant 128 : i32
      %add3A_264 = arith.constant 2 : i32
      %add3A_265 = arith.addi %add3A_215, %add3A_264 : i32
      %lt3A_266 = arith.constant 200 : i32
      %lt3A_267 = arith.cmpi slt, %add3A_265, %lt3A_266 : i32
      %convert_element_type3A_268 = arith.extui %lt3A_267 : i1 to i32
      %cond3A_269 = arith.constant 0 : i32
      %cond3A_270 = arith.cmpi ne, %convert_element_type3A_268, %cond3A_269 : i32
      scf.if %cond3A_270 {
        %add3A_292 = arith.constant 2 : i32
        %add3A_293 = arith.addi %add3A_215, %add3A_292 : i32
        %shift_right_arithmetic3A_294 = arith.constant 2 : i32
        %shift_right_arithmetic3A_295 = arith.shrsi %add3A_293, %shift_right_arithmetic3A_294 : i32
        %and3A_296 = arith.constant 3 : i32
        %and3A_297 = arith.andi %add3A_293, %and3A_296 : i32
        %mul3A_298 = arith.constant 128 : i32
        %mul3A_299 = arith.muli %and3A_297, %mul3A_298 : i32
        %dma_start3A_300 = tpu.memref_slice %arg8[%shift_right_arithmetic3A_295, %mul3A_299] : memref<50x512xi32, #tpu.memory_space<vmem>> -> memref<1x128xi32, #tpu.memory_space<vmem>>
        %dma_start3A_301 = tpu.memref_squeeze %dma_start3A_300 : memref<1x128xi32, #tpu.memory_space<vmem>> -> memref<128xi32, #tpu.memory_space<vmem>>
        %dma_start3A_302 = arith.constant 0 : i32
        %dma_start3A_303 = arith.constant 0 : i32
        %dma_start3A_304 = tpu.memref_slice %arg3[%dma_start3A_302, %dma_start3A_303] : memref<100000x144xf32, #tpu.memory_space<hbm>> -> memref<100000x144xf32, #tpu.memory_space<hbm>>
        tpu.enqueue_indirect_dma source(%dma_start3A_304 : memref<100000x144xf32, #tpu.memory_space<hbm>>) target(%arg10 : memref<128x144xf32, #tpu.memory_space<vmem>>) offsets(%dma_start3A_301 : memref<128xi32, #tpu.memory_space<vmem>>) semaphore(%arg16 : memref<!tpu.dma_semaphore, #tpu.memory_space<semaphore_mem>>)
      } else {
      }
      %mul3A_271 = arith.constant 4 : i32
      %mul3A_272 = arith.muli %mul3A_271, %add3A : i32
      %add3A_273 = arith.addi %mul3A_272, %and3A_219 : i32
      %dma_start3A_274 = arith.constant 0 : i32
      %dma_start3A_275 = arith.constant 0 : i32
      %dma_start3A_276 = arith.constant 0 : i32
      %dma_start3A_277 = tpu.memref_slice %arg12[%dma_start3A_274, %dma_start3A_275, %dma_start3A_276] : memref<18x8x129xf32, #tpu.memory_space<vmem>> -> memref<18x8x128xf32, #tpu.memory_space<vmem>>
      %dma_start3A_278 = arith.constant 0 : i32
      %dma_start3A_279 = arith.constant 0 : i32
      %dma_start3A_280 = arith.constant 0 : i32
      %dma_start3A_281 = tpu.memref_slice %arg7[%shift_right_arithmetic3A_217, %dma_start3A_278, %add3A_273, %dma_start3A_279, %dma_start3A_280] : memref<50x18x128x8x128xf32, #tpu.memory_space<hbm>> -> memref<1x18x1x8x128xf32, #tpu.memory_space<hbm>>
      %dma_start3A_282 = tpu.memref_squeeze %dma_start3A_281 : memref<1x18x1x8x128xf32, #tpu.memory_space<hbm>> -> memref<18x8x128xf32, #tpu.memory_space<hbm>>
      %dma_start3A_283 = arith.constant 0 : i32
      %dma_start3A_284 = arith.constant 0 : i32
      %dma_start3A_285 = arith.constant 0 : i32
      %dma_start3A_286 = tpu.memref_slice %arg7[%shift_right_arithmetic3A_217, %dma_start3A_283, %add3A_273, %dma_start3A_284, %dma_start3A_285] : memref<50x18x128x8x128xf32, #tpu.memory_space<hbm>> -> memref<1x18x1x8x128xf32, #tpu.memory_space<hbm>>
      %dma_start3A_287 = tpu.memref_squeeze %dma_start3A_286 : memref<1x18x1x8x128xf32, #tpu.memory_space<hbm>> -> memref<18x8x128xf32, #tpu.memory_space<hbm>>
      %dma_start3A_288 = arith.constant 0 : i32
      %dma_start3A_289 = arith.constant 0 : i32
      %dma_start3A_290 = arith.constant 0 : i32
      %dma_start3A_291 = tpu.memref_slice %arg12[%dma_start3A_288, %dma_start3A_289, %dma_start3A_290] : memref<18x8x129xf32, #tpu.memory_space<vmem>> -> memref<18x8x128xf32, #tpu.memory_space<vmem>>
      tpu.enqueue_dma source(%dma_start3A_291 : memref<18x8x128xf32, #tpu.memory_space<vmem>>) target(%dma_start3A_287 : memref<18x8x128xf32, #tpu.memory_space<hbm>>) target_semaphore(%arg17 : memref<!tpu.dma_semaphore, #tpu.memory_space<semaphore_mem>>)
    }
    %scan3A_95 = arith.constant 100 : i32
    %dma_wait3A = arith.constant 0 : i32
    %dma_wait3A_96 = arith.constant 0 : i32
    %dma_wait3A_97 = arith.constant 0 : i32
    %dma_wait3A_98 = arith.constant 0 : i32
    %dma_wait3A_99 = arith.constant 0 : i32
    %dma_wait3A_100 = tpu.memref_slice %arg11[%dma_wait3A_97, %dma_wait3A_98, %dma_wait3A_99] : memref<18x8x129xf32, #tpu.memory_space<vmem>> -> memref<18x8x128xf32, #tpu.memory_space<vmem>>
    %dma_wait3A_101 = arith.constant 0 : i32
    %dma_wait3A_102 = arith.constant 0 : i32
    %dma_wait3A_103 = arith.constant 0 : i32
    %dma_wait3A_104 = tpu.memref_slice %arg7[%dma_wait3A, %dma_wait3A_101, %dma_wait3A_96, %dma_wait3A_102, %dma_wait3A_103] : memref<50x18x128x8x128xf32, #tpu.memory_space<hbm>> -> memref<1x18x1x8x128xf32, #tpu.memory_space<hbm>>
    %dma_wait3A_105 = tpu.memref_squeeze %dma_wait3A_104 : memref<1x18x1x8x128xf32, #tpu.memory_space<hbm>> -> memref<18x8x128xf32, #tpu.memory_space<hbm>>
    %dma_wait3A_106 = arith.constant 0 : i32
    %dma_wait3A_107 = arith.constant 0 : i32
    %dma_wait3A_108 = arith.constant 0 : i32
    %dma_wait3A_109 = tpu.memref_slice %arg11[%dma_wait3A_106, %dma_wait3A_107, %dma_wait3A_108] : memref<18x8x129xf32, #tpu.memory_space<vmem>> -> memref<18x8x128xf32, #tpu.memory_space<vmem>>
    %dma_wait3A_110 = arith.constant 0 : i32
    %dma_wait3A_111 = arith.constant 0 : i32
    %dma_wait3A_112 = arith.constant 0 : i32
    %dma_wait3A_113 = tpu.memref_slice %arg7[%dma_wait3A, %dma_wait3A_110, %dma_wait3A_96, %dma_wait3A_111, %dma_wait3A_112] : memref<50x18x128x8x128xf32, #tpu.memory_space<hbm>> -> memref<1x18x1x8x128xf32, #tpu.memory_space<hbm>>
    %dma_wait3A_114 = tpu.memref_squeeze %dma_wait3A_113 : memref<1x18x1x8x128xf32, #tpu.memory_space<hbm>> -> memref<18x8x128xf32, #tpu.memory_space<hbm>>
    tpu.wait_dma2 semaphore(%arg17 : memref<!tpu.dma_semaphore, #tpu.memory_space<semaphore_mem>>) src(%dma_wait3A_114 : memref<18x8x128xf32, #tpu.memory_space<hbm>>) dst(%dma_wait3A_109 : memref<18x8x128xf32, #tpu.memory_space<vmem>>)
    %dma_wait3A_115 = arith.constant 0 : i32
    %dma_wait3A_116 = arith.constant 0 : i32
    %dma_wait3A_117 = arith.constant 0 : i32
    %dma_wait3A_118 = arith.constant 0 : i32
    %dma_wait3A_119 = arith.constant 0 : i32
    %dma_wait3A_120 = tpu.memref_slice %arg11[%dma_wait3A_117, %dma_wait3A_118, %dma_wait3A_119] : memref<18x8x129xf32, #tpu.memory_space<vmem>> -> memref<18x8x128xf32, #tpu.memory_space<vmem>>
    %dma_wait3A_121 = arith.constant 0 : i32
    %dma_wait3A_122 = arith.constant 0 : i32
    %dma_wait3A_123 = arith.constant 0 : i32
    %dma_wait3A_124 = tpu.memref_slice %arg7[%dma_wait3A_115, %dma_wait3A_121, %dma_wait3A_116, %dma_wait3A_122, %dma_wait3A_123] : memref<50x18x128x8x128xf32, #tpu.memory_space<hbm>> -> memref<1x18x1x8x128xf32, #tpu.memory_space<hbm>>
    %dma_wait3A_125 = tpu.memref_squeeze %dma_wait3A_124 : memref<1x18x1x8x128xf32, #tpu.memory_space<hbm>> -> memref<18x8x128xf32, #tpu.memory_space<hbm>>
    %dma_wait3A_126 = arith.constant 0 : i32
    %dma_wait3A_127 = arith.constant 0 : i32
    %dma_wait3A_128 = arith.constant 0 : i32
    %dma_wait3A_129 = tpu.memref_slice %arg11[%dma_wait3A_126, %dma_wait3A_127, %dma_wait3A_128] : memref<18x8x129xf32, #tpu.memory_space<vmem>> -> memref<18x8x128xf32, #tpu.memory_space<vmem>>
    %dma_wait3A_130 = arith.constant 0 : i32
    %dma_wait3A_131 = arith.constant 0 : i32
    %dma_wait3A_132 = arith.constant 0 : i32
    %dma_wait3A_133 = tpu.memref_slice %arg7[%dma_wait3A_115, %dma_wait3A_130, %dma_wait3A_116, %dma_wait3A_131, %dma_wait3A_132] : memref<50x18x128x8x128xf32, #tpu.memory_space<hbm>> -> memref<1x18x1x8x128xf32, #tpu.memory_space<hbm>>
    %dma_wait3A_134 = tpu.memref_squeeze %dma_wait3A_133 : memref<1x18x1x8x128xf32, #tpu.memory_space<hbm>> -> memref<18x8x128xf32, #tpu.memory_space<hbm>>
    tpu.wait_dma2 semaphore(%arg17 : memref<!tpu.dma_semaphore, #tpu.memory_space<semaphore_mem>>) src(%dma_wait3A_134 : memref<18x8x128xf32, #tpu.memory_space<hbm>>) dst(%dma_wait3A_129 : memref<18x8x128xf32, #tpu.memory_space<vmem>>)
    return
  }
}

</mosaic_0001>

<sc_bundles>
// kernel: kernel.3.cloned.1.call-start
scs
__scs_entry_jumppad:
0x0: {  	(pc) =	sbr.rel $0x88, $3  }
0x1: {  	(tag) =	ssettag $0x0;
	lr =	simm.s32 $0x1  }
0x2: {  	[smem:$0x3F9C] =	sst lr;
	_ =	strace $0xD0000000  }
0x3: {  	_ = 	snop  }
0x4: {  	_ = 	snop  }
0x5: {  	_ = 	snop  }
0x6: {  	_ = 	snop  }
0x7: {  	_ = 	snop  }
__scs_overlays_trampoline_lowered:
0x8: {  	[smem:$0x3FAB] =	sst s0  }
0x9: {  	[smem:$0x3FAC] =	sst s1  }
0xa: {  	[smem:$0x3FAD] =	sst s2  }
0xb: {  	[smem:$0x3FAE] =	sst s3  }
0xc: {  	[smem:$0x3FAF] =	sst s4  }
0xd: {  	[smem:$0x3FB0] =	sst s5  }
0xe: {  	[smem:$0x3FB1] =	sst s6  }
0xf: {  	[smem:$0x3FB2] =	sst s7  }
0x10: {  	[smem:$0x3FB3] =	sst s8  }
0x11: {  	[smem:$0x3FB4] =	sst s9;
	s0 =	simm.s32 @!p0 $0x0  }
0x12: {  	s1 =	sld [smem:$0x3F9A];
	s0 =	simm.s32 @p0 $0x1  }
0x13: {  	[smem:$0x3FB5] =	sst s0;
	s0 =	simm.s32 @!p1 $0x0  }
0x14: {  	s2 =	sld [smem:$0x3F99];
	s0 =	simm.s32 @p1 $0x1  }
0x15: {  	[smem:$0x3FB6] =	sst s0;
	s0 =	simm.s32 @!p2 $0x0  }
0x16: {  	s3 =	sld [smem:$0x3FDB];
	s0 =	simm.s32 @p2 $0x1  }
0x17: {  	s4 =	simm.s32 $0x1BF5;
	[smem:$0x3FB8] =	sst s0  }
0x18: {  	s0 =	sld [smem:$0x3F9B];
	_ =	swait.ge [sflag:s4], $0x0  }
0x19: {  	s7 =	sld [smem:$0x3F9C]  }
0x1a: {  	s8 =	sadd.s32 $0xFFFFE003, lr  }
0x1b: {  	s9 =	sadd.s32 $0xFFFFFEF7, lr;
	s5 =	simm.s32 $0xFFFFFFFF;
	p2 =	slt.u32 s8, $0xFFFFF086  }
0x1c: {  	p1 =	slt.u32 s9, $0xF7A;
	s5 =	simm.s32 @!p2 $0x0  }
0x1d: {  	s5 =	simm.s32 @p1 $0x1;
	p0 =	seq.s32 s7, s2  }
0x1e: {  	s7 =	smul.u32 @!p0 $0xF7A, s2;
	p2 =	seq.s32 @!p0 s5, $0x0  }
0x1f: {  	s9 =	smul.u32 $0xF7A, s1;
	s8 =	simm.s32 @!p0 $0x1BF5;
	p2 =	por !p2, p0  }
0x20: {  	[sflag:s8] =	ssyncset.s32 @!p0 $0xFFFFF086;
	s6 =	sadd.s32 @!p0 s3, s7;
	s7 =	simm.s32 @!p0 $0x108  }
0x21: {  	s3 =	sadd.s32 s3, s9;
	s6 =	sadd.s32 @!p0 $0x88, s6;
	s7 =	simm.s32 @p2 $0x1082  }
0x22: {  	[simem:s7], [sflag:s8] =	dma.local @!p0 [hbm:s6], $0xF7A  }
0x23: {  	s9 =	sor.u32 $0xD0000000, s2;
	s6 =	simm.s32 $0x108;
	_ =	swait.ge @!p0 [sflag:s8], $0x0  }
0x24: {  	s3 =	sadd.s32 $0x88, s3;
	s6 =	simm.s32 @!p1 $0x1082;
	[sflag:s4] =	ssyncset.s32 $0xFFFFF086  }
0x25: {  	[simem:s6], [sflag:s4] =	dma.local [hbm:s3], $0xF7A  }
0x26: {  	[smem:$0x3F9C] =	sst s1;
	(tag) =	ssettag s2;
	_ =	strace s9  }
0x27: {  	s1 =	sld [smem:$0x3FAC]  }
0x28: {  	s2 =	sld [smem:$0x3FAD]  }
0x29: {  	s4 =	sld [smem:$0x3FAF]  }
0x2a: {  	p0 =	seq.s32 s5, $0x0;
	s5 =	sld [smem:$0x3FB0]  }
0x2b: {  	s6 =	sld [smem:$0x3FB1]  }
0x2c: {  	s7 =	sld [smem:$0x3FB2]  }
0x2d: {  	s3 =	simm.s32 $0x108;
	s8 =	sld [smem:$0x3FB3]  }
0x2e: {  	s3 =	simm.s32 @!p0 $0x1082;
	s9 =	sld [smem:$0x3FB4]  }
0x2f: {  	lr =	sadd.s32 s0, s3;
	s0 =	sld [smem:$0x3FAB]  }
0x30: {  	s3 =	sld [smem:$0x3FAE]  }
0x31: {  	[smem:$0x3FB7] =	sst s10  }
0x32: {  	s10 =	sld [smem:$0x3FB5];
	_ =	sdelay $0x3  }
0x33: {  	p0 =	seq.s32 s10, $0x1;
	s10 =	sld [smem:$0x3FB7];
	_ =	sdelay $0x3  }
0x34: {  	[smem:$0x3FB7] =	sst s10  }
0x35: {  	s10 =	sld [smem:$0x3FB6];
	_ =	sdelay $0x3  }
0x36: {  	p1 =	seq.s32 s10, $0x1;
	s10 =	sld [smem:$0x3FB7];
	_ =	sdelay $0x3  }
0x37: {  	[smem:$0x3FB7] =	sst s10  }
0x38: {  	s10 =	sld [smem:$0x3FB8]  }
0x39: {  	_ = 	snop;
	(pc) =	sbr.ind lr, $3  }
0x3a: {  	_ = 	snop  }
0x3b: {  	_ = 	snop  }
0x3c: {  	p2 =	seq.s32 s10, $0x1;
	s10 =	sld [smem:$0x3FB7]  }
0x3d: {  	_ =	shalt  }
0x3e: {  	_ =	shalt  }
0x3f: {  	_ =	shalt  }
0x40: {  	_ =	shalt  }
0x41: {  	_ =	shalt  }
0x42: {  	_ =	shalt  }
0x43: {  	_ =	shalt  }
0x44: {  	_ =	shalt  }
0x45: {  	_ =	shalt  }
0x46: {  	_ =	shalt  }
0x47: {  	_ =	shalt  }
0x48: {  	_ =	shalt  }
0x49: {  	_ =	shalt  }
0x4a: {  	_ =	shalt  }
0x4b: {  	_ =	shalt  }
0x4c: {  	_ =	shalt  }
0x4d: {  	_ =	shalt  }
0x4e: {  	_ =	shalt  }
0x4f: {  	_ =	shalt  }
0x50: {  	_ =	shalt  }
0x51: {  	_ =	shalt  }
0x52: {  	_ =	shalt  }
0x53: {  	_ =	shalt  }
0x54: {  	_ =	shalt  }
0x55: {  	_ =	shalt  }
0x56: {  	_ =	shalt  }
0x57: {  	_ =	shalt  }
0x58: {  	_ =	shalt  }
0x59: {  	_ =	shalt  }
0x5a: {  	_ =	shalt  }
0x5b: {  	_ =	shalt  }
0x5c: {  	_ =	shalt  }
0x5d: {  	_ =	shalt  }
0x5e: {  	_ =	shalt  }
0x5f: {  	_ =	shalt  }
0x60: {  	_ =	shalt  }
0x61: {  	_ =	shalt  }
0x62: {  	_ =	shalt  }
0x63: {  	_ =	shalt  }
0x64: {  	_ =	shalt  }
0x65: {  	_ =	shalt  }
0x66: {  	_ =	shalt  }
0x67: {  	_ =	shalt  }
0x68: {  	_ =	shalt  }
0x69: {  	_ =	shalt  }
0x6a: {  	_ =	shalt  }
0x6b: {  	_ =	shalt  }
0x6c: {  	_ =	shalt  }
0x6d: {  	_ =	shalt  }
0x6e: {  	_ =	shalt  }
0x6f: {  	_ =	shalt  }
0x70: {  	_ =	shalt  }
0x71: {  	_ =	shalt  }
0x72: {  	_ =	shalt  }
0x73: {  	_ =	shalt  }
0x74: {  	_ =	shalt  }
0x75: {  	_ =	shalt  }
0x76: {  	_ =	shalt  }
0x77: {  	_ =	shalt  }
0x78: {  	_ =	shalt  }
0x79: {  	_ =	shalt  }
0x7a: {  	_ =	shalt  }
0x7b: {  	_ =	shalt  }
0x7c: {  	_ =	shalt  }
0x7d: {  	_ =	shalt  }
0x7e: {  	_ =	shalt  }
0x7f: {  	_ =	shalt  }
0x80: {  	_ =	shalt  }
0x81: {  	_ =	shalt  }
0x82: {  	_ =	shalt  }
0x83: {  	_ =	shalt  }
0x84: {  	_ =	shalt  }
0x85: {  	_ =	shalt  }
0x86: {  	_ =	shalt  }
0x87: {  	_ =	shalt  }
.Lfunc_end0:
.L_simem_size_0:
called_computation_lowered:
.L_overlay_start_0:
0x88: {  	s2 =	sld [smem:$0x3FD9]  }
0x89: {  	s3 =	sld [smem:$0x3FFE];
	_ =	sdelay $0x1  }
0x8a: {  	s1 =	srdreg.scid  }
0x8b: {  	s0 =	sand.u32 $0x1, s1  }
0x8c: {  	s17 =	sshll.u32 s0, $0xA;
	s2 =	sadd.s32 s3, s2  }
0x8d: {  	s2 =	sadd.s32 s2, s17  }
0x8e: {  	[smem:$0x3FC3] =	sst s2  }
0x8f: {  	_ = 	snop  }
0x90: {  	s2 =	sld [smem:$0x3FC6]  }
0x91: {  	s18 =	sld [smem:$0x3FC5]  }
0x92: {  	s4 =	sld [smem:$0x3FD0];
	(tm) =	ssettm $0x1  }
0x93: {  	s5 =	sld [smem:$0x3FFB];
	_ =	sdelay $0x3  }
0x94: {  	_ =	strace s5  }
0x95: {  	s5 =	sld [smem:$0x3FFC];
	_ =	sdelay $0x3  }
0x96: {  	_ =	strace s5  }
0x97: {  	s5 =	sld [smem:$0x3FFD];
	_ =	sdelay $0x3  }
0x98: {  	_ =	strace s5  }
0x99: {  	_ =	strace $0x8FFFFFFF  }
0x9a: {  	s19 =	sld [smem:$0x3FDB];
	_ =	sdelay $0x1  }
0x9b: {  	s6 =	simm.s32 $_scs_section_size  }
0x9c: {  	s7 =	simm.s32 $_size__tile_overlayer_lowered;
	s8 =	simm.s32 $_tile_overlayer_lowered  }
0x9d: {  	s22 =	simm.s32 $0x1BFF;
	s21 =	sshll.u32 s8, $0x1;
	s5 =	sadd.s32 s6, s19  }
0x9e: {  	s9 =	simm.s32 $0x0;
	s20 =	sshll.u32 s7, $0x1;
	s7 =	sadd.s32 s21, s5  }
0x9f: {  	[timem:s9], [sflag:s22] =	dma.local [hbm:s7], s20  }
0xa0: {  	_ =	swait.ge [sflag:s22], s20  }
0xa1: {  	s6 =	ssub.s32 $0x0, s20;
	[sflag:s22] =	ssyncset.done $0x0  }
0xa2: {  	[sflag:s22] =	ssyncadd.s32 s6;
	_ =	sdelay $0x1  }
0xa3: {  	s23 =	simm.s32 $0x1B8B  }
0xa4: {  	_ =	swait.ge [sflag:s23], $0x1  }
0xa5: {  	[sflag:s23] =	ssyncset.done $0x0  }
0xa6: {  	s25 =	simm.s32 $0x1B8E;
	s24 =	sld [smem:$0x3FFE];
	[sflag:s23] =	ssyncadd.s32 $0xFFFFFFFF  }
0xa7: {  	s26 =	simm.s32 $execute0_lowered;
	[smem:$0x3FD2] =	sst s25  }
0xa8: {  	s7 =	sshll.u32 s26, $0x1;
	_ =	strace $0x80000046;
	[dreg:$0x1] =	wrdreg $0xFFFFFFFF  }
0xa9: {  	s28 =	simm.s32 $_size_execute0_lowered;
	s5 =	sadd.s32 s5, s7;
	[dreg:$0x0] =	wrdreg $0x0  }
0xaa: {  	s7 =	sshll.u32 s28, $0x1;
	[dreg:$0x2] =	wrdreg s5  }
0xab: {  	[dreg:$0x3] =	wrdreg s7  }
0xac: {  	[dreg:$0x4] =	wrdreg $0xC0  }
0xad: {  	_ =	task [dreg:s9], $0x5FFFF  }
0xae: {  	[dreg:$0x1] =	wrdreg $0xFFFFFFFF  }
0xaf: {  	[dreg:$0x0] =	wrdreg $0x60  }
0xb0: {  	[dreg:$0x2] =	wrdreg s24  }
0xb1: {  	[dreg:$0x3] =	wrdreg s2  }
0xb2: {  	[dreg:$0x4] =	wrdreg s18  }
0xb3: {  	[dreg:$0x5] =	wrdreg s4  }
0xb4: {  	[dreg:$0x6] =	wrdreg $0x9  }
0xb5: {  	_ =	task.clear_ibuf [dreg:s9], $0x7FFFF;
	_ =	strace $0x90000046  }
0xb6: {  	s29 =	simm.s32 $0x9;
	_ =	strace $0x80000048  }
0xb7: {  	_ =	swait.ge [sflag:s29], $0x1  }
0xb8: {  	[sflag:s29] =	ssyncadd.s32 $0xFFFFFFFF  }
0xb9: {  	_ =	strace $0x90000048  }
0xba: {  	_ =	sfence  }
0xbb: {  	s30 =	sld [smem:$0x0];
	_ =	sdelay $0x2  }
0xbc: {  	s31 =	sshll.u32 s1, $0xD;
	s1 =	sshrl.u32 s1, $0x2  }
0xbd: {  	s3 =	sand.u32 $0x4000, s31;
	s1 =	sadd.s32 s1, s30  }
0xbe: {  	s0 =	sor.u32 s3, s0;
	s1 =	sshll.u32 s1, $0x11  }
0xbf: {  	s0 =	sor.u32 s1, s0  }
0xc0: {  	s0 =	sadd.s32 $0x8F2B, s0  }
0xc1: {  	[sflag:s0] =	ssyncadd.remote.s32 $0x1  }
0xc2: {  	_ =	sfence.sel $0xFFFF  }
0xc3: {  	[dreg:$0x0] =	wrdreg $0xFFFFFFFF;
	(pc) =	sbr.abs _section_cstart, $3  }
0xc4: {  	[dreg:$0x1] =	wrdreg $0xFFFFFFFF  }
0xc5: {  	_ =	task.clear_ibuf [dreg:s9], $0x2FFFF;
	_ =	strace $0x9FFFFFFF  }
0xc6: {  	(tm) =	ssettm $0x7FFFFFFF  }
0xc7: {  	_ =	shalt  }
tec
execute0_lowered:
.L_overlay_start_1:
0x0: {  	(tag) =	ssettag $0x1  }
0x1: {  	v0 =	vimm.s32 $0x76543210  }
0x2: {  	v1 =	vimm.s32 $0xFEDCBA98;
	v0 =	vunpack.c.l.s4.s8 v0  }
0x3: {  	v3 =	vimm.s32 $0x32107654;
	v4 =	vimm.s32 $0xDCFE98BA;
	v5 =	vimm.s32 $0x54761032  }
0x4: {  	v2 =	vunpack.c.0.s8.s32 v0;
	v0 =	vunpack.c.l.s4.s8 v1;
	v1 =	vimm.s32 $0xBA98FEDC  }
0x5: {  	s0 =	rddreg [dreg:$0x0];
	s1 =	srdreg.scid;
	v6 =	vimm.s32 $0xEFCDAB89;
	v3 =	vunpack.c.l.s4.s8 v3;
	v1 =	vunpack.c.l.s4.s8 v1  }
0x6: {  	s2 =	stileid.u32;
	s4 =	rddreg [dreg:$0x3];
	v7 =	vimm.s32 $0x67452301;
	v4 =	vunpack.c.l.s4.s8 v4;
	v5 =	vunpack.c.l.s4.s8 v5  }
0x7: {  	s5 =	simm.s32 $0x0;
	s12 =	simm.s32 $0x4000;
	s13 =	simm.s32 $0x4;
	v6 =	vunpack.c.l.s4.s8 v6;
	v3 =	vunpack.c.0.s8.s32 v3;
	v1 =	vunpack.c.0.s8.s32 v1  }
0x8: {  	s14 =	simm.s32 $0x18D00;
	s15 =	simm.s32 $0x1AEC0;
	s16 =	simm.s32 $0x1AF50;
	v7 =	vunpack.c.l.s4.s8 v7;
	v4 =	vunpack.c.0.s8.s32 v4;
	v5 =	vunpack.c.0.s8.s32 v5  }
0x9: {  	s17 =	simm.s32 $0x80;
	s18 =	simm.s32 $0x6400;
	s19 =	simm.s32 $0xAC00;
	v6 =	vunpack.c.0.s8.s32 v6;
	v3 =	vcombine.low v3, v1;
	v1 =	vlaneseq.u32  }
0xa: {  	s20 =	simm.s32 $0x1;
	s21 =	simm.s32 $0xF400;
	s22 =	simm.s32 $0x2;
	v7 =	vunpack.c.0.s8.s32 v7;
	v0 =	vunpack.c.0.s8.s32 v0;
	v63 =	vmul.u32 $0x88, v1  }
0xb: {  	s23 =	simm.s32 $0x14080;
	s24 =	simm.s32 $0x3;
	s25 =	simm.s32 $0x0;
	v4 =	vcombine.low v5, v4  }
0xc: {  	s1 =	sand.u32 $0x1, s1;
	s2 =	sshll.u32 s2, $0x1;
	[smem:$0x7FF] =	sst s5;
	v6 =	vcombine.low v7, v6;
	v5 =	vand.u32 $0xF, v0;
	v11 =	vadd.s32 $0x3300, v63  }
0xd: {  	s2 =	sor.u32 s1, s2;
	s1 =	ssub.s32 $0x2, s1;
	_ =	strace $0x80000047;
	v1 =	vcombine.low v5, v2;
	v2 =	vand.u32 $0xF, v3;
	v10 =	vadd.s32 $0x2A80, v63;
	[tilespmem:$0x1FFC0] =	vst v11  }
0xe: {  	s6 =	sadd.s32 $0x19A00, s0;
	s3 =	sshll.u32 s2, $0x6;
	s8 =	sshrl.u32 s1, $0x1;
	v3 =	vand.u32 $0xF, v4;
	v4 =	vand.u32 $0xF, v6;
	v6 =	vadd.s32 $0x880, v63;
	[tilespmem:$0x1FFD0] =	vst v10  }
0xf: {  	s7 =	sadd.s32 $0x400, s0;
	s3 =	sadd.s32 s3, s0;
	s31 =	ssub.s32 s1, s8;
	v7 =	vadd.s32 $0x1100, v63;
	v13 =	vadd.s32 $0x4400, v63;
	[tilespmem:$0x1FFE0] =	vst v6  }
0x10: {  	s9 =	sshll.u32 s2, $0xC;
	s8 =	sadd.s32 $0xA00, s3;
	s10 =	smax.u32 s31, $0x1;
	v8 =	vadd.s32 $0x1980, v63;
	v9 =	vadd.s32 $0x2200, v63;
	v12 =	vadd.s32 $0x3B80, v63;
	[tilespmem:$0x1FFF0] =	vst v13  }
.LBB2_1:
0x11: {  	s0 =	simm.s32 $0x200  }
0x12: {  	[tilespmem:s5], [sflag:$0x4] =	stream.strided.gather [hbm4b:s8+s0], $0x6400, s12, s0, $0x38;
	[tilespmem:$0x1AFE0] =	vst v63  }
0x13: {  	_ =	swait.ge [sflag:s13], $0x6400  }
0x14: {  	[sflag:s13] =	ssyncset.done $0x0  }
0x15: {  	[sflag:s13] =	ssyncadd.s32 $0xFFFF9C00  }
0x16: {  	[tilespmem:s14], [sflag:$0x4] =	stream.linear.gather [hbm4b:s7+s5], $0x21C0, $0x38;
	[tilespmem:$0x1AFE0] =	vst v63  }
0x17: {  	_ =	swait.ge [sflag:s13], $0x21C0  }
0x18: {  	[sflag:s13] =	ssyncset.done $0x0  }
0x19: {  	[sflag:s13] =	ssyncadd.s32 $0xFFFFDE40  }
0x1a: {  	s30 =	rddreg [dreg:$0x1]  }
0x1b: {  	[tilespmem:s15], [sflag:$0x4] =	stream.linear.gather [hbm4b:s30+s5], $0x90, $0x38;
	[tilespmem:$0x1AFE0] =	vst v63  }
0x1c: {  	_ =	swait.ge [sflag:s13], $0x90  }
0x1d: {  	[sflag:s13] =	ssyncset.done $0x0  }
0x1e: {  	[sflag:s13] =	ssyncadd.s32 $0xFFFFFF70  }
0x1f: {  	s31 =	rddreg [dreg:$0x2]  }
0x20: {  	[tilespmem:s16], [sflag:$0x4] =	stream.linear.gather [hbm4b:s31+s5], $0x90, $0x38;
	[tilespmem:$0x1AFE0] =	vst v63  }
0x21: {  	_ =	swait.ge [sflag:s13], $0x90  }
0x22: {  	[sflag:s13] =	ssyncset.done $0x0  }
0x23: {  	[sflag:s13] =	ssyncadd.s32 $0xFFFFFF70  }
0x24: {  	v14 =	vld [tilespmem:$0x1AEC0]  }
0x25: {  	v15 =	vld [tilespmem:$0x1AED0]  }
0x26: {  	v16 =	vld [tilespmem:$0x1AEE0]  }
0x27: {  	v17 =	vld [tilespmem:$0x1AEF0]  }
0x28: {  	v18 =	vld [tilespmem:$0x1AF00]  }
0x29: {  	v19 =	vld [tilespmem:$0x1AF10]  }
0x2a: {  	v20 =	vld [tilespmem:$0x1AF20]  }
0x2b: {  	v21 =	vld [tilespmem:$0x1AF30]  }
0x2c: {  	v62 =	vld [tilespmem:$0x1AF40]  }
0x2d: {  	v22 =	vld [tilespmem:$0x1AF50]  }
0x2e: {  	v23 =	vld [tilespmem:$0x1AF60]  }
0x2f: {  	v24 =	vld [tilespmem:$0x1AF70]  }
0x30: {  	v25 =	vld [tilespmem:$0x1AF80]  }
0x31: {  	v26 =	vld [tilespmem:$0x1AF90]  }
0x32: {  	v27 =	vld [tilespmem:$0x1AFA0]  }
0x33: {  	v28 =	vld [tilespmem:$0x1AFB0]  }
0x34: {  	v29 =	vld [tilespmem:$0x1AFC0]  }
0x35: {  	v30 =	vld [tilespmem:$0x1AFD0];
	[tilespmem:s18], [sflag:$0x1] =	stream.indirect.gather [hbm4b:s6+s17], $0x90, s5, s17, $0xb8  }
0x36: {  	_ = 	snop  }
0x37: {  	[tilespmem:s19], [sflag:$0x2] =	stream.indirect.gather [hbm4b:s6+s17], $0x90, s17, s17, $0xb8;
	[tilespmem:$0x1AFE0] =	vst v63  }
0x38: {  	[tilespmem:$0x1FF20] =	vst v16  }
0x39: {  	[tilespmem:$0x1FF30] =	vst v21  }
0x3a: {  	[tilespmem:$0x1FF40] =	vst v62  }
0x3b: {  	[tilespmem:$0x1FF50] =	vst v20  }
0x3c: {  	[tilespmem:$0x1FF60] =	vst v26  }
0x3d: {  	[tilespmem:$0x1FF70] =	vst v25  }
0x3e: {  	[tilespmem:$0x1FF80] =	vst v28  }
0x3f: {  	[tilespmem:$0x1FF90] =	vst v27  }
0x40: {  	[tilespmem:$0x1FFA0] =	vst v30  }
0x41: {  	s26 =	simm.s32 $0x0;
	[tilespmem:$0x1FFB0] =	vst v29  }
.LBB2_2:
0x42: {  	_ =	swait.ge [sflag:s20], $0x4800  }
0x43: {  	p0 =	seq.s32 s26, $0x0;
	[sflag:s20] =	ssyncset.done $0x0  }
0x44: {  	s30 =	sshrl.u32 s26, $0x1;
	s0 =	simm.s32 @!p0 $0x3;
	[sflag:s20] =	ssyncadd.s32 $0xFFFFB800  }
0x45: {  	s1 =	smul.u32 $0x240, s30;
	_ =	swait.ge @!p0 [sflag:s0], $0x4800  }
0x46: {  	[sflag:s0] =	ssyncset.done @!p0 $0x0  }
0x47: {  	s28 =	sshra.s32 s1, $0x2;
	[sflag:s0] =	ssyncadd.s32 @!p0 $0xFFFFB800  }
0x48: {  	v0 =	vld [tilespmem:s28+$0x18D00]  }
0x49: {  	v5 =	vld [tilespmem:s28+$0x18D10]  }
0x4a: {  	v31 =	vld [tilespmem:s28+$0x18D20]  }
0x4b: {  	v32 =	vld [tilespmem:s28+$0x18D30]  }
0x4c: {  	v33 =	vld [tilespmem:s28+$0x18D40]  }
0x4d: {  	v34 =	vld [tilespmem:s28+$0x18D50]  }
0x4e: {  	v35 =	vld [tilespmem:s28+$0x18D60]  }
0x4f: {  	s29 =	simm.s32 $0x6490;
	v36 =	vld [tilespmem:s28+$0x18D70]  }
0x50: {  	v39 =	vld [tilespmem:s29+$0xFFFFFF70]  }
0x51: {  	v40 =	vld [tilespmem:s29+$0xFFFFFFE0]  }
0x52: {  	v41 =	vld [tilespmem:s29+$0xFFFFFFD0]  }
0x53: {  	v42 =	vld [tilespmem:s29+$0xFFFFFFC0]  }
0x54: {  	v43 =	vld [tilespmem:s29+$0xFFFFFFB0]  }
0x55: {  	v44 =	vld [tilespmem:s29+$0xFFFFFFA0]  }
0x56: {  	v46 =	vld [tilespmem:s29+$0xFFFFFF80]  }
0x57: {  	v45 =	vld [tilespmem:s29+$0xFFFFFF90]  }
0x58: {  	v40 =	vadd.f32 v40, v36  }
0x59: {  	v41 =	vadd.f32 v41, v35;
	v47 =	vadd.f32 v39, v0  }
0x5a: {  	v43 =	vadd.f32 v43, v33;
	v42 =	vadd.f32 v42, v34  }
0x5b: {  	v44 =	vadd.f32 v44, v32;
	v46 =	vadd.f32 v46, v5  }
0x5c: {  	v45 =	vadd.f32 v45, v31;
	v61 =	vmul.f32 v41, v41;
	v48 =	vmul.f32 v40, v40  }
0x5d: {  	v37 =	vld [tilespmem:s28+$0x18D80];
	v49 =	vadd.f32 v40, v41;
	v50 =	vmul.f32 v43, v43;
	v51 =	vmul.f32 v42, v42  }
0x5e: {  	v54 =	vld [tilespmem:s29+$0xFFFFFFF0];
	v52 =	vadd.f32 v42, v43;
	v53 =	vmul.f32 v47, v47;
	v55 =	vmul.f32 v44, v44  }
0x5f: {  	v56 =	vadd.f32 v46, v47;
	v57 =	vmul.f32 v46, v46;
	v39 =	vadd.f32 v44, v45  }
0x60: {  	v58 =	vmul.f32 v45, v45;
	v48 =	vadd.f32 v48, v61;
	v50 =	vadd.f32 v51, v50  }
0x61: {  	v49 =	vadd.f32 v49, v52;
	v57 =	vadd.f32 v57, v53  }
0x62: {  	v51 =	vadd.f32 v39, v56;
	v59 =	vadd.f32 v55, v58  }
0x63: {  	v48 =	vadd.f32 v48, v50;
	v50 =	vadd.f32 v54, v37  }
0x64: {  	v49 =	vadd.f32 v49, v51;
	v60 =	vadd.f32 v59, v57;
	_ =	sdelay $0x1  }
0x65: {  	v49 =	vadd.f32 v49, v50;
	v61 =	vmul.f32 v50, v50;
	v48 =	vadd.f32 v48, v60;
	_ =	sdelay $0x1  }
0x66: {  	v38 =	vperm.xlane v49, v1;
	v48 =	vadd.f32 v48, v61;
	_ =	sdelay $0x1  }
0x67: {  	v49 =	vadd.f32 v49, v38;
	v39 =	vperm.xlane v48, v1;
	_ =	sdelay $0x1  }
0x68: {  	v56 =	vperm.xlane v49, v2;
	v48 =	vadd.f32 v39, v48;
	_ =	sdelay $0x1  }
0x69: {  	v49 =	vadd.f32 v49, v56;
	v51 =	vperm.xlane v48, v2;
	_ =	sdelay $0x1  }
0x6a: {  	v52 =	vperm.xlane v49, v3;
	v48 =	vadd.f32 v51, v48;
	_ =	sdelay $0x1  }
0x6b: {  	v49 =	vadd.f32 v49, v52;
	v51 =	vperm.xlane v48, v3;
	_ =	sdelay $0x1  }
0x6c: {  	v52 =	vperm.xlane v49, v4;
	v48 =	vadd.f32 v51, v48;
	_ =	sdelay $0x1  }
0x6d: {  	v49 =	vadd.f32 v49, v52;
	v51 =	vperm.xlane v48, v4;
	_ =	sdelay $0x1  }
0x6e: {  	v49 =	vmul.f32 $6.944444500e-03, v49;
	v48 =	vadd.f32 v51, v48;
	_ =	sdelay $0x1  }
0x6f: {  	v48 =	vmul.f32 $6.944444500e-03, v48;
	v57 =	vmul.f32 v49, v49;
	_ =	sdelay $0x1  }
0x70: {  	v48 =	vsub.f32 v48, v57;
	_ =	sdelay $0x1  }
0x71: {  	v48 =	vadd.f32 $9.999999740e-06, v48;
	_ =	sdelay $0x1  }
0x72: {  	v58 =	vshra.s32 v48, $0x1;
	v48 =	vmul.f32 $5.000000000e-01, v48  }
0x73: {  	v51 =	vsub.s32 $0x5F3759DF, v58  }
0x74: {  	v59 =	vmul.f32 v51, v48;
	_ =	sdelay $0x1  }
0x75: {  	v52 =	vmul.f32 v51, v59;
	_ =	sdelay $0x1  }
0x76: {  	v52 =	vsub.f32 $1.500000000e+00, v52;
	_ =	sdelay $0x1  }
0x77: {  	v51 =	vmul.f32 v51, v52;
	_ =	sdelay $0x1  }
0x78: {  	v48 =	vmul.f32 v51, v48;
	_ =	sdelay $0x1  }
0x79: {  	v48 =	vmul.f32 v48, v51  }
0x7a: {  	v47 =	vsub.f32 v47, v49;
	v44 =	vsub.f32 v44, v49  }
0x7b: {  	s3 =	simm.s32 $0x0;
	v45 =	vsub.f32 v45, v49;
	v48 =	vsub.f32 $1.500000000e+00, v48  }
0x7c: {  	v60 =	vmov s3;
	v46 =	vsub.f32 v46, v49;
	v43 =	vsub.f32 v43, v49  }
0x7d: {  	v42 =	vsub.f32 v42, v49;
	v41 =	vsub.f32 v41, v49;
	v48 =	vmul.f32 v48, v51  }
0x7e: {  	v40 =	vsub.f32 v40, v49;
	v49 =	vsub.f32 v50, v49;
	v51 =	vand.u32 $0x7E, v60  }
0x7f: {  	v38 =	vadd.s32 v63, v51;
	v50 =	vadd.s32 v9, v51;
	v61 =	vmul.f32 v48, v14  }
0x80: {  	v52 =	vadd.s32 v7, v51;
	v54 =	vadd.s32 v6, v51;
	v39 =	vmul.f32 v48, v17  }
0x81: {  	v55 =	vadd.s32 v8, v51;
	v60 =	vmul.f32 v48, v15;
	v47 =	vmul.f32 v61, v47  }
0x82: {  	v57 =	vadd.s32 v10, v51;
	v61 =	vmul.f32 v48, v16;
	v44 =	vmul.f32 v39, v44  }
0x83: {  	v46 =	vmul.f32 v60, v46;
	v39 =	vmul.f32 v48, v19;
	v47 =	vadd.f32 v47, v22  }
0x84: {  	v56 =	vadd.s32 v12, v51;
	v60 =	vmul.f32 v48, v21;
	v45 =	vmul.f32 v61, v45  }
0x85: {  	v46 =	vadd.f32 v46, v23;
	[tilespmem:v38+s21+$0x0] =	vst.idx.msk $0xffff, v47;
	v38 =	vmul.f32 v48, v18  }
0x86: {  	v42 =	vmul.f32 v39, v42;
	v61 =	vmul.f32 v48, v20;
	v44 =	vadd.f32 v44, v25  }
0x87: {  	v40 =	vmul.f32 v60, v40;
	v45 =	vadd.f32 v45, v24;
	v43 =	vmul.f32 v38, v43  }
0x88: {  	v47 =	vadd.s32 v11, v51;
	v48 =	vmul.f32 v48, v62;
	[tilespmem:v54+s21+$0x0] =	vst.idx.msk $0xffff, v46  }
0x89: {  	v41 =	vmul.f32 v61, v41;
	[tilespmem:v52+s21+$0x0] =	vst.idx.msk $0xffff, v45;
	v43 =	vadd.f32 v43, v26  }
0x8a: {  	v51 =	vadd.s32 v13, v51;
	v42 =	vadd.f32 v42, v27;
	[tilespmem:v55+s21+$0x0] =	vst.idx.msk $0xffff, v44  }
0x8b: {  	v62 =	vmul.f32 v48, v49;
	v41 =	vadd.f32 v41, v28;
	[tilespmem:v50+s21+$0x0] =	vst.idx.msk $0xffff, v43  }
0x8c: {  	v40 =	vadd.f32 v40, v29;
	[tilespmem:v57+s21+$0x0] =	vst.idx.msk $0xffff, v42  }
0x8d: {  	v29 =	vadd.f32 v62, v30;
	[tilespmem:v47+s21+$0x0] =	vst.idx.msk $0xffff, v41  }
0x8e: {  	[tilespmem:v56+s21+$0x0] =	vst.idx.msk $0xffff, v40  }
0x8f: {  	[tilespmem:v51+s21+$0x0] =	vst.idx.msk $0xffff, v29  }
0x90: {  	v40 =	vld [tilespmem:s29+$0x30]  }
0x91: {  	v41 =	vld [tilespmem:s29+$0x0]  }
0x92: {  	v42 =	vld [tilespmem:s29+$0x50]  }
0x93: {  	v43 =	vld [tilespmem:s29+$0x40]  }
0x94: {  	v30 =	vld [tilespmem:s29+$0x70]  }
0x95: {  	v46 =	vld [tilespmem:s29+$0x20]  }
0x96: {  	v45 =	vld [tilespmem:s29+$0x60]  }
0x97: {  	v47 =	vld [tilespmem:s29+$0x10]  }
0x98: {  	v40 =	vadd.f32 v40, v32  }
0x99: {  	v43 =	vadd.f32 v43, v33;
	v42 =	vadd.f32 v42, v34  }
0x9a: {  	v49 =	vadd.f32 v30, v36;
	v52 =	vadd.f32 v46, v31  }
0x9b: {  	v53 =	vadd.f32 v45, v35;
	v41 =	vadd.f32 v41, v0  }
0x9c: {  	[tilespmem:$0x1FEC0] =	vst v36;
	v46 =	vadd.f32 v47, v5;
	v36 =	vmul.f32 v40, v40;
	v59 =	vmul.f32 v43, v43  }
0x9d: {  	[tilespmem:$0x1FE90] =	vst v32;
	v38 =	vadd.f32 v42, v43;
	v60 =	vmul.f32 v42, v42;
	v61 =	vmul.f32 v49, v49  }
0x9e: {  	[tilespmem:$0x1FEA0] =	vst v33;
	v54 =	vld [tilespmem:s29+$0x80];
	v28 =	vadd.f32 v49, v53;
	v29 =	vmul.f32 v53, v53;
	v30 =	vadd.f32 v40, v52  }
0x9f: {  	[tilespmem:$0x1FED0] =	vst v31;
	v31 =	vmul.f32 v41, v41;
	v32 =	vadd.f32 v46, v41;
	v33 =	vmul.f32 v52, v52  }
0xa0: {  	[tilespmem:$0x1FEB0] =	vst v34;
	v34 =	vmul.f32 v46, v46;
	v62 =	vadd.f32 v60, v59;
	v45 =	vadd.f32 v61, v29  }
0xa1: {  	[tilespmem:$0x1FEE0] =	vst v35;
	v48 =	vadd.f32 v28, v38;
	v35 =	vadd.f32 v30, v32  }
0xa2: {  	v44 =	vadd.f32 v36, v33;
	v51 =	vadd.f32 v34, v31  }
0xa3: {  	v38 =	vadd.f32 v54, v37;
	v45 =	vadd.f32 v45, v62  }
0xa4: {  	v36 =	vadd.f32 v48, v35;
	v44 =	vadd.f32 v44, v51;
	_ =	sdelay $0x1  }
0xa5: {  	v48 =	vmul.f32 v38, v38;
	v44 =	vadd.f32 v45, v44;
	v39 =	vadd.f32 v36, v38;
	_ =	sdelay $0x1  }
0xa6: {  	v44 =	vadd.f32 v44, v48;
	v51 =	vperm.xlane v39, v1;
	_ =	sdelay $0x1  }
0xa7: {  	v45 =	vadd.f32 v39, v51;
	v54 =	vperm.xlane v44, v1;
	_ =	sdelay $0x1  }
0xa8: {  	v44 =	vadd.f32 v54, v44;
	v55 =	vperm.xlane v45, v2;
	_ =	sdelay $0x1  }
0xa9: {  	v45 =	vadd.f32 v45, v55;
	v56 =	vperm.xlane v44, v2;
	_ =	sdelay $0x1  }
0xaa: {  	v44 =	vadd.f32 v56, v44;
	v57 =	vperm.xlane v45, v3;
	_ =	sdelay $0x1  }
0xab: {  	v45 =	vadd.f32 v45, v57;
	v58 =	vperm.xlane v44, v3;
	_ =	sdelay $0x1  }
0xac: {  	v44 =	vadd.f32 v58, v44;
	v59 =	vperm.xlane v45, v4;
	_ =	sdelay $0x1  }
0xad: {  	v45 =	vadd.f32 v45, v59;
	v60 =	vperm.xlane v44, v4;
	_ =	sdelay $0x1  }
0xae: {  	v61 =	vmul.f32 $6.944444500e-03, v45;
	v44 =	vadd.f32 v60, v44;
	_ =	sdelay $0x1  }
0xaf: {  	v44 =	vmul.f32 $6.944444500e-03, v44;
	v45 =	vmul.f32 v61, v61;
	v48 =	vsub.f32 v41, v61  }
0xb0: {  	v46 =	vsub.f32 v46, v61;
	v47 =	vsub.f32 v52, v61  }
0xb1: {  	v41 =	vsub.f32 v49, v61;
	v62 =	vsub.f32 v44, v45  }
0xb2: {  	[tilespmem:$0x1FEF0] =	vst v0;
	v45 =	vsub.f32 v40, v61;
	v44 =	vsub.f32 v43, v61  }
0xb3: {  	s11 =	sshll.u32 s26, $0xB;
	[tilespmem:$0x1FF00] =	vst v5;
	v43 =	vsub.f32 v42, v61;
	v42 =	vsub.f32 v53, v61  }
0xb4: {  	s2 =	simm.s32 $0x1;
	s31 =	sand.u32 $0x800, s11;
	[tilespmem:$0x1FF10] =	vst v37;
	s3 =	simm.s32 $0x2;
	v40 =	vsub.f32 v38, v61;
	v49 =	vadd.f32 $9.999999740e-06, v62  }
.LBB2_3:
0xb5: {  	_ = 	snop  }
0xb6: {  	v51 =	vshra.s32 v49, $0x1;
	v34 =	vmul.f32 $5.000000000e-01, v49  }
0xb7: {  	v51 =	vsub.s32 $0x5F3759DF, v51  }
0xb8: {  	v53 =	vmul.f32 v51, v34;
	_ =	sdelay $0x1  }
0xb9: {  	v53 =	vmul.f32 v51, v53;
	_ =	sdelay $0x1  }
0xba: {  	v53 =	vsub.f32 $1.500000000e+00, v53;
	_ =	sdelay $0x1  }
0xbb: {  	v51 =	vmul.f32 v51, v53;
	_ =	sdelay $0x1  }
0xbc: {  	v49 =	vmul.f32 v51, v34;
	_ =	sdelay $0x1  }
0xbd: {  	v49 =	vmul.f32 v49, v51;
	_ =	sdelay $0x1  }
0xbe: {  	v49 =	vsub.f32 $1.500000000e+00, v49  }
0xbf: {  	v50 =	vmov s2  }
0xc0: {  	v50 =	vand.u32 $0x7F, v50;
	v49 =	vmul.f32 v49, v51  }
0xc1: {  	v52 =	vadd.s32 v11, v50;
	v54 =	vadd.s32 v6, v50;
	v55 =	vadd.s32 v10, v50  }
0xc2: {  	v56 =	vadd.s32 v63, v50;
	v57 =	vadd.s32 v7, v50;
	v51 =	vmul.f32 v49, v14  }
0xc3: {  	v58 =	vadd.s32 v8, v50;
	v60 =	vmul.f32 v49, v21;
	v61 =	vmul.f32 v49, v16  }
0xc4: {  	v59 =	vadd.s32 v9, v50;
	v62 =	vmul.f32 v49, v19;
	v36 =	vmul.f32 v49, v15  }
0xc5: {  	v0 =	vld [tilespmem:$0x1FF40];
	v35 =	vadd.s32 v12, v50;
	v37 =	vmul.f32 v49, v17;
	v48 =	vmul.f32 v51, v48  }
0xc6: {  	v30 =	vld [tilespmem:$0x1FF90];
	v50 =	vadd.s32 v13, v50;
	v38 =	vmul.f32 v49, v18;
	v46 =	vmul.f32 v36, v46  }
0xc7: {  	v27 =	vld [tilespmem:$0x1FF80];
	v39 =	vmul.f32 v49, v20;
	v47 =	vmul.f32 v61, v47;
	v48 =	vadd.f32 v48, v22  }
0xc8: {  	v28 =	vld [tilespmem:$0x1FFB0];
	v45 =	vmul.f32 v37, v45;
	v44 =	vmul.f32 v38, v44;
	v46 =	vadd.f32 v46, v23  }
0xc9: {  	v29 =	vld [tilespmem:$0x1FFA0];
	v43 =	vmul.f32 v62, v43;
	v47 =	vadd.f32 v47, v24;
	[tilespmem:v56+s21+$0x0] =	vst.idx.msk $0xffff, v48  }
0xca: {  	v32 =	vld [tilespmem:$0x1FEF0];
	v42 =	vmul.f32 v39, v42;
	v45 =	vadd.f32 v45, v25;
	[tilespmem:v54+s21+$0x0] =	vst.idx.msk $0xffff, v46  }
0xcb: {  	v31 =	vld [tilespmem:$0x1FF00];
	v44 =	vadd.f32 v44, v26;
	v56 =	vmul.f32 v49, v0;
	[tilespmem:v57+s21+$0x0] =	vst.idx.msk $0xffff, v47  }
0xcc: {  	v34 =	vld [tilespmem:$0x1FED0];
	v41 =	vmul.f32 v60, v41;
	v43 =	vadd.f32 v43, v30;
	[tilespmem:v58+s21+$0x0] =	vst.idx.msk $0xffff, v45  }
0xcd: {  	v39 =	vld [tilespmem:$0x1FEC0];
	v42 =	vadd.f32 v42, v27;
	v40 =	vmul.f32 v56, v40;
	[tilespmem:v59+s21+$0x0] =	vst.idx.msk $0xffff, v44  }
0xce: {  	v38 =	vld [tilespmem:$0x1FEE0];
	v41 =	vadd.f32 v41, v28;
	[tilespmem:v55+s21+$0x0] =	vst.idx.msk $0xffff, v43  }
0xcf: {  	v36 =	vld [tilespmem:$0x1FEA0];
	v40 =	vadd.f32 v40, v29;
	[tilespmem:v52+s21+$0x0] =	vst.idx.msk $0xffff, v42  }
0xd0: {  	v37 =	vld [tilespmem:$0x1FEB0];
	[tilespmem:v35+s21+$0x0] =	vst.idx.msk $0xffff, v41  }
0xd1: {  	s29 =	sadd.s32 $0x120, s29;
	v35 =	vld [tilespmem:$0x1FE90];
	[tilespmem:v50+s21+$0x0] =	vst.idx.msk $0xffff, v40  }
0xd2: {  	v40 =	vld [tilespmem:s29+$0xFFFFFF70]  }
0xd3: {  	v41 =	vld [tilespmem:s29+$0xFFFFFFE0]  }
0xd4: {  	v42 =	vld [tilespmem:s29+$0xFFFFFFD0]  }
0xd5: {  	v43 =	vld [tilespmem:s29+$0xFFFFFFC0]  }
0xd6: {  	v44 =	vld [tilespmem:s29+$0xFFFFFFB0]  }
0xd7: {  	v45 =	vld [tilespmem:s29+$0xFFFFFFA0]  }
0xd8: {  	v46 =	vld [tilespmem:s29+$0xFFFFFF90]  }
0xd9: {  	v47 =	vld [tilespmem:s29+$0xFFFFFF80];
	_ =	sdelay $0x1  }
0xda: {  	v41 =	vadd.f32 v41, v39;
	v42 =	vadd.f32 v42, v38  }
0xdb: {  	v40 =	vadd.f32 v40, v32;
	v44 =	vadd.f32 v44, v36  }
0xdc: {  	v43 =	vadd.f32 v43, v37;
	v45 =	vadd.f32 v45, v35  }
0xdd: {  	v47 =	vadd.f32 v47, v31;
	v46 =	vadd.f32 v46, v34  }
0xde: {  	v58 =	vmul.f32 v42, v42;
	v59 =	vmul.f32 v41, v41;
	v50 =	vadd.f32 v41, v42  }
0xdf: {  	v60 =	vadd.f32 v43, v44;
	v53 =	vmul.f32 v40, v40;
	v33 =	vmul.f32 v47, v47  }
0xe0: {  	v55 =	vld [tilespmem:s29+$0xFFFFFFF0];
	v51 =	vmul.f32 v44, v44;
	v62 =	vadd.f32 v47, v40;
	v48 =	vadd.f32 v59, v58  }
0xe1: {  	v49 =	vmul.f32 v43, v43;
	v59 =	vadd.f32 v45, v46;
	v53 =	vadd.f32 v33, v53;
	v33 =	vld [tilespmem:$0x1FF10]  }
0xe2: {  	v61 =	vmul.f32 v45, v45;
	v50 =	vadd.f32 v50, v60;
	v60 =	vmul.f32 v46, v46  }
0xe3: {  	v49 =	vadd.f32 v49, v51;
	v51 =	vadd.f32 v59, v62  }
0xe4: {  	v61 =	vadd.f32 v61, v60  }
0xe5: {  	v48 =	vadd.f32 v48, v49;
	v50 =	vadd.f32 v50, v51  }
0xe6: {  	v49 =	vadd.f32 v61, v53;
	v62 =	vadd.f32 v55, v33;
	_ =	sdelay $0x1  }
0xe7: {  	v48 =	vadd.f32 v48, v49;
	v50 =	vadd.f32 v50, v62;
	v54 =	vmul.f32 v62, v62;
	_ =	sdelay $0x1  }
0xe8: {  	v55 =	vperm.xlane v50, v1;
	v48 =	vadd.f32 v48, v54;
	_ =	sdelay $0x1  }
0xe9: {  	v49 =	vadd.f32 v50, v55;
	v56 =	vperm.xlane v48, v1;
	_ =	sdelay $0x1  }
0xea: {  	v57 =	vperm.xlane v49, v2;
	v48 =	vadd.f32 v56, v48;
	_ =	sdelay $0x1  }
0xeb: {  	v49 =	vadd.f32 v49, v57;
	v50 =	vperm.xlane v48, v2;
	_ =	sdelay $0x1  }
0xec: {  	v51 =	vperm.xlane v49, v3;
	v48 =	vadd.f32 v50, v48;
	_ =	sdelay $0x1  }
0xed: {  	v49 =	vadd.f32 v49, v51;
	v50 =	vperm.xlane v48, v3;
	_ =	sdelay $0x1  }
0xee: {  	v51 =	vperm.xlane v49, v4;
	v48 =	vadd.f32 v50, v48;
	_ =	sdelay $0x1  }
0xef: {  	v49 =	vadd.f32 v49, v51;
	v50 =	vperm.xlane v48, v4;
	_ =	sdelay $0x1  }
0xf0: {  	v49 =	vmul.f32 $6.944444500e-03, v49;
	v48 =	vadd.f32 v50, v48;
	_ =	sdelay $0x1  }
0xf1: {  	v48 =	vmul.f32 $6.944444500e-03, v48;
	v58 =	vmul.f32 v49, v49;
	_ =	sdelay $0x1  }
0xf2: {  	v48 =	vsub.f32 v48, v58;
	_ =	sdelay $0x1  }
0xf3: {  	v48 =	vadd.f32 $9.999999740e-06, v48;
	_ =	sdelay $0x1  }
0xf4: {  	v59 =	vshra.s32 v48, $0x1;
	v48 =	vmul.f32 $5.000000000e-01, v48  }
0xf5: {  	v50 =	vsub.s32 $0x5F3759DF, v59  }
0xf6: {  	v61 =	vmul.f32 v50, v48;
	_ =	sdelay $0x1  }
0xf7: {  	v52 =	vmul.f32 v50, v61;
	_ =	sdelay $0x1  }
0xf8: {  	v52 =	vsub.f32 $1.500000000e+00, v52;
	_ =	sdelay $0x1  }
0xf9: {  	v50 =	vmul.f32 v50, v52;
	_ =	sdelay $0x1  }
0xfa: {  	s11 =	smov.u32 s3;
	v48 =	vmul.f32 v50, v48  }
0xfb: {  	v60 =	vmov s11  }
0xfc: {  	v51 =	vand.u32 $0x7E, v60;
	v48 =	vmul.f32 v48, v50  }
0xfd: {  	v53 =	vadd.s32 v63, v51;
	v54 =	vadd.s32 v9, v51  }
0xfe: {  	v55 =	vadd.s32 v7, v51;
	v40 =	vsub.f32 v40, v49;
	v48 =	vsub.f32 $1.500000000e+00, v48  }
0xff: {  	v56 =	vadd.s32 v6, v51;
	v45 =	vsub.f32 v45, v49;
	v46 =	vsub.f32 v46, v49  }
0x100: {  	v47 =	vsub.f32 v47, v49;
	v44 =	vsub.f32 v44, v49;
	v48 =	vmul.f32 v48, v50  }
0x101: {  	v57 =	vadd.s32 v10, v51;
	v43 =	vsub.f32 v43, v49;
	v42 =	vsub.f32 v42, v49  }
0x102: {  	v41 =	vsub.f32 v41, v49;
	v49 =	vsub.f32 v62, v49;
	v50 =	vmul.f32 v48, v21  }
0x103: {  	v58 =	vadd.s32 v11, v51;
	v60 =	vmul.f32 v48, v0;
	v61 =	vmul.f32 v48, v14  }
0x104: {  	v5 =	vmovc v63;
	v59 =	vadd.s32 v12, v51;
	v62 =	vmul.f32 v48, v17;
	v63 =	vmul.f32 v48, v15  }
0x105: {  	v52 =	vadd.s32 v8, v51;
	v0 =	vmul.f32 v48, v16;
	v40 =	vmul.f32 v61, v40  }
0x106: {  	v51 =	vadd.s32 v13, v51;
	v45 =	vmul.f32 v62, v45;
	v47 =	vmul.f32 v63, v47  }
0x107: {  	v0 =	vmul.f32 v0, v46;
	v46 =	vmul.f32 v48, v18;
	v40 =	vadd.f32 v40, v22  }
0x108: {  	v61 =	vmul.f32 v48, v19;
	v48 =	vmul.f32 v48, v20;
	v62 =	vadd.f32 v47, v23  }
0x109: {  	v0 =	vadd.f32 v0, v24;
	v44 =	vmul.f32 v46, v44;
	[tilespmem:v53+s21+$0x0] =	vst.idx.msk $0xffff, v40  }
0x10a: {  	v43 =	vmul.f32 v61, v43;
	v40 =	vadd.f32 v45, v25;
	[tilespmem:v56+s21+$0x0] =	vst.idx.msk $0xffff, v62  }
0x10b: {  	v42 =	vmul.f32 v48, v42;
	v44 =	vadd.f32 v44, v26;
	[tilespmem:v55+s21+$0x0] =	vst.idx.msk $0xffff, v0  }
0x10c: {  	v41 =	vmul.f32 v50, v41;
	v43 =	vadd.f32 v43, v30;
	[tilespmem:v52+s21+$0x0] =	vst.idx.msk $0xffff, v40  }
0x10d: {  	v53 =	vmul.f32 v60, v49;
	v42 =	vadd.f32 v42, v27;
	[tilespmem:v54+s21+$0x0] =	vst.idx.msk $0xffff, v44  }
0x10e: {  	v0 =	vadd.f32 v41, v28;
	[tilespmem:v57+s21+$0x0] =	vst.idx.msk $0xffff, v43  }
0x10f: {  	v57 =	vadd.f32 v53, v29;
	[tilespmem:v58+s21+$0x0] =	vst.idx.msk $0xffff, v42  }
0x110: {  	[tilespmem:v59+s21+$0x0] =	vst.idx.msk $0xffff, v0  }
0x111: {  	[tilespmem:v51+s21+$0x0] =	vst.idx.msk $0xffff, v57  }
0x112: {  	v0 =	vld [tilespmem:s29+$0x30]  }
0x113: {  	v40 =	vld [tilespmem:s29+$0x0]  }
0x114: {  	v58 =	vld [tilespmem:s29+$0x70]  }
0x115: {  	v42 =	vld [tilespmem:s29+$0x50]  }
0x116: {  	v43 =	vld [tilespmem:s29+$0x40]  }
0x117: {  	v45 =	vld [tilespmem:s29+$0x20]  }
0x118: {  	v44 =	vld [tilespmem:s29+$0x60]  }
0x119: {  	v59 =	vld [tilespmem:s29+$0x10]  }
0x11a: {  	v41 =	vadd.f32 v58, v39  }
0x11b: {  	v0 =	vadd.f32 v0, v35;
	v43 =	vadd.f32 v43, v36  }
0x11c: {  	v42 =	vadd.f32 v42, v37;
	v45 =	vadd.f32 v45, v34  }
0x11d: {  	v28 =	vadd.f32 v44, v38;
	v40 =	vadd.f32 v40, v32  }
0x11e: {  	v46 =	vadd.f32 v59, v31;
	v47 =	vmul.f32 v0, v0;
	v61 =	vmul.f32 v43, v43  }
0x11f: {  	v60 =	vadd.f32 v42, v43;
	v62 =	vmul.f32 v42, v42;
	v29 =	vmul.f32 v41, v41  }
0x120: {  	v53 =	vld [tilespmem:s29+$0x80];
	v30 =	vadd.f32 v41, v28;
	v31 =	vmul.f32 v28, v28;
	v32 =	vadd.f32 v0, v45  }
0x121: {  	v34 =	vmul.f32 v40, v40;
	v35 =	vmul.f32 v45, v45;
	v36 =	vadd.f32 v46, v40  }
0x122: {  	v37 =	vmul.f32 v46, v46;
	v49 =	vadd.f32 v62, v61;
	v44 =	vadd.f32 v29, v31  }
0x123: {  	v48 =	vadd.f32 v30, v60;
	v47 =	vadd.f32 v47, v35  }
0x124: {  	v38 =	vadd.f32 v32, v36;
	v39 =	vadd.f32 v37, v34  }
0x125: {  	v56 =	vadd.f32 v53, v33;
	v44 =	vadd.f32 v44, v49  }
0x126: {  	v48 =	vadd.f32 v48, v38;
	v47 =	vadd.f32 v47, v39;
	_ =	sdelay $0x1  }
0x127: {  	v58 =	vmul.f32 v56, v56;
	v44 =	vadd.f32 v44, v47;
	v57 =	vadd.f32 v48, v56;
	_ =	sdelay $0x1  }
0x128: {  	v59 =	vperm.xlane v57, v1;
	v44 =	vadd.f32 v44, v58;
	_ =	sdelay $0x1  }
0x129: {  	v47 =	vadd.f32 v57, v59;
	v48 =	vperm.xlane v44, v1;
	_ =	sdelay $0x1  }
0x12a: {  	v49 =	vperm.xlane v47, v2;
	v44 =	vadd.f32 v48, v44;
	_ =	sdelay $0x1  }
0x12b: {  	v47 =	vadd.f32 v47, v49;
	v48 =	vperm.xlane v44, v2;
	_ =	sdelay $0x1  }
0x12c: {  	v49 =	vperm.xlane v47, v3;
	v44 =	vadd.f32 v48, v44;
	_ =	sdelay $0x1  }
0x12d: {  	v47 =	vadd.f32 v47, v49;
	v48 =	vperm.xlane v44, v3;
	_ =	sdelay $0x1  }
0x12e: {  	v49 =	vperm.xlane v47, v4;
	v44 =	vadd.f32 v48, v44;
	_ =	sdelay $0x1  }
0x12f: {  	v47 =	vadd.f32 v47, v49;
	v48 =	vperm.xlane v44, v4;
	_ =	sdelay $0x1  }
0x130: {  	v60 =	vmul.f32 $6.944444500e-03, v47;
	v44 =	vadd.f32 v48, v44;
	_ =	sdelay $0x1  }
0x131: {  	p1 =	slt.u32 s3, $0x7E;
	v44 =	vmul.f32 $6.944444500e-03, v44;
	v48 =	vsub.f32 v40, v60  }
.Ltmp0:
0x132: {  	v61 =	vmul.f32 v60, v60;
	v46 =	vsub.f32 v46, v60;
	v47 =	vsub.f32 v45, v60;
	(pc) =	sbr.rel @p1 .LBB2_3-.Ltmp0, $4  }
0x133: {  	v45 =	vsub.f32 v0, v60;
	v41 =	vsub.f32 v41, v60  }
0x134: {  	v40 =	vsub.f32 v56, v60;
	v62 =	vsub.f32 v44, v61  }
0x135: {  	v44 =	vsub.f32 v43, v60;
	v43 =	vsub.f32 v42, v60  }
0x136: {  	s3 =	sadd.s32 $0x2, s3;
	s2 =	sadd.s32 $0x1, s11;
	v63 =	vmov v5;
	v42 =	vsub.f32 v28, v60;
	v49 =	vadd.f32 $9.999999740e-06, v62  }
0x137: {  	_ = 	snop  }
0x138: {  	v0 =	vshra.s32 v49, $0x1;
	v31 =	vmul.f32 $5.000000000e-01, v49  }
0x139: {  	v0 =	vsub.s32 $0x5F3759DF, v0  }
0x13a: {  	v32 =	vmul.f32 v0, v31;
	_ =	sdelay $0x1  }
0x13b: {  	v32 =	vmul.f32 v0, v32;
	_ =	sdelay $0x1  }
0x13c: {  	v32 =	vsub.f32 $1.500000000e+00, v32;
	_ =	sdelay $0x1  }
0x13d: {  	v0 =	vmul.f32 v0, v32;
	_ =	sdelay $0x1  }
0x13e: {  	v31 =	vmul.f32 v0, v31;
	_ =	sdelay $0x1  }
0x13f: {  	v31 =	vmul.f32 v31, v0;
	_ =	sdelay $0x1  }
0x140: {  	v31 =	vsub.f32 $1.500000000e+00, v31;
	_ =	sdelay $0x1  }
0x141: {  	v57 =	vmov s2;
	v0 =	vmul.f32 v31, v0  }
0x142: {  	v32 =	vand.u32 $0x7F, v57  }
0x143: {  	v34 =	vadd.s32 v10, v32;
	v10 =	vmov v14;
	v37 =	vmul.f32 v0, v14;
	v14 =	vld [tilespmem:$0x1FF40];
	_ =	sdelay $0x1  }
0x144: {  	v62 =	vmov v12;
	v39 =	vmul.f32 v0, v21;
	v58 =	vmul.f32 v0, v16  }
0x145: {  	v51 =	vadd.s32 v12, v32;
	v12 =	vmovc v17;
	v16 =	vmul.f32 v0, v15;
	v17 =	vmul.f32 v0, v17  }
0x146: {  	v33 =	vmul.f32 v0, v18;
	v52 =	vmul.f32 v0, v19  }
0x147: {  	v54 =	vmul.f32 v0, v20;
	v0 =	vmul.f32 v0, v14;
	v14 =	vld [tilespmem:$0x1FF80];
	_ =	sdelay $0x1  }
0x148: {  	v53 =	vadd.s32 v6, v32;
	v35 =	vadd.s32 v63, v32;
	v6 =	vmov v7  }
0x149: {  	v36 =	vadd.s32 v7, v32;
	v7 =	vmovc v9;
	v50 =	vadd.s32 v9, v32;
	v9 =	vmul.f32 v54, v42  }
0x14a: {  	v37 =	vmul.f32 v37, v48  }
0x14b: {  	v46 =	vmul.f32 v16, v46;
	v9 =	vadd.f32 v9, v14;
	v14 =	vld [tilespmem:$0x1FFB0]  }
0x14c: {  	v38 =	vadd.s32 v8, v32;
	v47 =	vmul.f32 v58, v47;
	v37 =	vadd.f32 v37, v22  }
0x14d: {  	v27 =	vld [tilespmem:$0x1FF90];
	v31 =	vadd.s32 v11, v32;
	v45 =	vmul.f32 v17, v45;
	v46 =	vadd.f32 v46, v23  }
0x14e: {  	v58 =	vmul.f32 v39, v41;
	v55 =	vadd.f32 v47, v24;
	[tilespmem:v35+s21+$0x0] =	vst.idx.msk $0xffff, v37  }
0x14f: {  	v44 =	vmul.f32 v33, v44;
	v43 =	vmul.f32 v52, v43;
	[tilespmem:v53+s21+$0x0] =	vst.idx.msk $0xffff, v46  }
0x150: {  	v56 =	vadd.f32 v45, v25;
	[tilespmem:v36+s21+$0x0] =	vst.idx.msk $0xffff, v55;
	v61 =	vmov v14;
	v36 =	vadd.f32 v58, v14;
	v14 =	vld [tilespmem:$0x1FFA0]  }
0x151: {  	v44 =	vadd.f32 v44, v26  }
0x152: {  	v32 =	vadd.s32 v13, v32;
	v57 =	vadd.f32 v43, v27;
	[tilespmem:v38+s21+$0x0] =	vst.idx.msk $0xffff, v56  }
0x153: {  	v0 =	vmul.f32 v0, v40;
	[tilespmem:v50+s21+$0x0] =	vst.idx.msk $0xffff, v44  }
0x154: {  	p1 =	seq.s32 s26, $0x63;
	[tilespmem:v34+s21+$0x0] =	vst.idx.msk $0xffff, v57  }
0x155: {  	s29 =	sshll.u32 @!p1 s26, $0x8;
	[tilespmem:v31+s21+$0x0] =	vst.idx.msk $0xffff, v9;
	v0 =	vadd.f32 v0, v14  }
0x156: {  	s3 =	smul.u32 $0x240000, s30;
	s11 =	sor.u32 s9, s31;
	s0 =	sadd.s32 @!p1 $0x100, s29;
	[tilespmem:v51+s21+$0x0] =	vst.idx.msk $0xffff, v36  }
0x157: {  	s1 =	simm.s32 @!p1 $0x80;
	s2 =	simm.s32 @!p1 $0x6400;
	s0 =	sand.u32 @!p1 $0xFF00, s0;
	[tilespmem:v32+s21+$0x0] =	vst.idx.msk $0xffff, v0  }
0x158: {  	[tilespmem:s2], [sflag:$0x1] =	stream.indirect.gather @!p1 [hbm4b:s6+s1], $0x90, s0, s1, $0xb8;
	[tilespmem:$0x1AFE0] =	vst v63  }
0x159: {  	s0 =	sor.u32 s3, s11  }
0x15a: {  	s30 =	sshrl.u32 s0, $0x3  }
0x15b: {  	s1 =	simm.s32 $0xF400;
	s3 =	sadd.s32 s4, s30  }
0x15c: {  	[hbm4b:s3+s5] =	stream.linear.scatter [tilespmem:s1], [sflag:$0x3], $0x80, $0x38;
	[tilespmem:$0x1AFE0] =	vst v63  }
0x15d: {  	s2 =	simm.s32 $0xF488;
	s11 =	sadd.s32 $0x10, s3  }
0x15e: {  	[hbm4b:s11+s5] =	stream.linear.scatter [tilespmem:s2], [sflag:$0x3], $0x80, $0x38;
	[tilespmem:$0x1AFE0] =	vst v63  }
0x15f: {  	s2 =	simm.s32 $0xF510;
	s11 =	sadd.s32 $0x20, s3  }
0x160: {  	[hbm4b:s11+s5] =	stream.linear.scatter [tilespmem:s2], [sflag:$0x3], $0x80, $0x38;
	[tilespmem:$0x1AFE0] =	vst v63  }
0x161: {  	s2 =	simm.s32 $0xF598;
	s11 =	sadd.s32 $0x30, s3  }
0x162: {  	[hbm4b:s11+s5] =	stream.linear.scatter [tilespmem:s2], [sflag:$0x3], $0x80, $0x38;
	[tilespmem:$0x1AFE0] =	vst v63  }
0x163: {  	s2 =	simm.s32 $0xF620;
	s11 =	sadd.s32 $0x40, s3  }
0x164: {  	[hbm4b:s11+s5] =	stream.linear.scatter [tilespmem:s2], [sflag:$0x3], $0x80, $0x38;
	[tilespmem:$0x1AFE0] =	vst v63  }
0x165: {  	s31 =	simm.s32 $0x2200;
	s2 =	simm.s32 $0xF6A8;
	s11 =	sadd.s32 $0x50, s3  }
0x166: {  	[hbm4b:s11+s5] =	stream.linear.scatter [tilespmem:s2], [sflag:$0x3], $0x80, $0x38;
	[tilespmem:$0x1AFE0] =	vst v63  }
0x167: {  	s0 =	simm.s32 $0xF7B8;
	s2 =	simm.s32 $0xF730;
	s11 =	sadd.s32 $0x60, s3  }
0x168: {  	v59 =	vmov v8;
	v60 =	vmov v24;
	v8 =	vmov v22;
	[hbm4b:s11+s5] =	stream.linear.scatter [tilespmem:s2], [sflag:$0x3], $0x80, $0x38;
	[tilespmem:$0x1AFE0] =	vst v63  }
0x169: {  	v11 =	vmovc v15;
	v13 =	vmovc v18;
	v21 =	vmov v19;
	v20 =	vmov v23;
	v58 =	vmov v14;
	s1 =	sadd.s32 $0x70, s3;
	s3 =	sadd.s32 $0x4000, s3;
	s2 =	simm.s32 $0x440  }
.LBB2_5:
0x16a: {  	[hbm4b:s1+s5] =	stream.linear.scatter [tilespmem:s0], [sflag:$0x3], $0x80, $0x38;
	[tilespmem:$0x1AFE0] =	vst v63  }
0x16b: {  	s0 =	smov.u32 s2;
	s1 =	smov.u32 s31  }
0x16c: {  	s11 =	sadd.s32 $0x1100, s31;
	s2 =	sshra.s32 s1, $0x2;
	s1 =	sadd.s32 $0xF400, s0  }
0x16d: {  	[hbm4b:s3+s5] =	stream.linear.scatter [tilespmem:s1], [sflag:$0x3], $0x80, $0x38;
	[tilespmem:$0x1AFE0] =	vst v63  }
0x16e: {  	p2 =	sne.s32 s31, $0x12100;
	s31 =	sadd.s32 $0x10, s3;
	s1 =	sadd.s32 $0xF488, s0  }
0x16f: {  	[hbm4b:s31+s5] =	stream.linear.scatter [tilespmem:s1], [sflag:$0x3], $0x80, $0x38;
	[tilespmem:$0x1AFE0] =	vst v63  }
0x170: {  	s1 =	sadd.s32 $0xF510, s0;
	s31 =	sadd.s32 $0x20, s3  }
0x171: {  	[hbm4b:s31+s5] =	stream.linear.scatter [tilespmem:s1], [sflag:$0x3], $0x80, $0x38;
	[tilespmem:$0x1AFE0] =	vst v63  }
0x172: {  	s1 =	sadd.s32 $0xF598, s0;
	s31 =	sadd.s32 $0x30, s3  }
0x173: {  	[hbm4b:s31+s5] =	stream.linear.scatter [tilespmem:s1], [sflag:$0x3], $0x80, $0x38;
	[tilespmem:$0x1AFE0] =	vst v63  }
0x174: {  	s1 =	sadd.s32 $0xF620, s0;
	s31 =	sadd.s32 $0x40, s3  }
0x175: {  	[hbm4b:s31+s5] =	stream.linear.scatter [tilespmem:s1], [sflag:$0x3], $0x80, $0x38;
	[tilespmem:$0x1AFE0] =	vst v63  }
.Ltmp1:
0x176: {  	s1 =	sadd.s32 $0xF6A8, s0;
	s31 =	sadd.s32 $0x50, s3;
	(pc) =	sbr.rel @p2 .LBB2_5-.Ltmp1, $4  }
0x177: {  	[hbm4b:s31+s5] =	stream.linear.scatter [tilespmem:s1], [sflag:$0x3], $0x80, $0x38;
	[tilespmem:$0x1AFE0] =	vst v63  }
0x178: {  	s1 =	sadd.s32 $0xF730, s0;
	s31 =	sadd.s32 $0x60, s3;
	s0 =	sadd.s32 $0xF7B8, s0  }
0x179: {  	[hbm4b:s31+s5] =	stream.linear.scatter [tilespmem:s1], [sflag:$0x3], $0x80, $0x38;
	[tilespmem:$0x1AFE0] =	vst v63  }
0x17a: {  	s1 =	sadd.s32 $0x70, s3;
	s3 =	sadd.s32 $0x4000, s3;
	s31 =	smov.u32 s11  }
0x17b: {  	[hbm4b:s1+s5] =	stream.linear.scatter [tilespmem:s0], [sflag:$0x3], $0x80, $0x38;
	[tilespmem:$0x1AFE0] =	vst v63  }
0x17c: {  	s11 =	sadd.s32 $0xF400, s2  }
0x17d: {  	[hbm4b:s3+s5] =	stream.linear.scatter [tilespmem:s11], [sflag:$0x3], $0x80, $0x38;
	[tilespmem:$0x1AFE0] =	vst v63  }
0x17e: {  	s1 =	sadd.s32 $0xF488, s2;
	s11 =	sadd.s32 $0x10, s3  }
0x17f: {  	[hbm4b:s11+s5] =	stream.linear.scatter [tilespmem:s1], [sflag:$0x3], $0x80, $0x38;
	[tilespmem:$0x1AFE0] =	vst v63  }
0x180: {  	s1 =	sadd.s32 $0xF510, s2;
	s11 =	sadd.s32 $0x20, s3  }
0x181: {  	[hbm4b:s11+s5] =	stream.linear.scatter [tilespmem:s1], [sflag:$0x3], $0x80, $0x38;
	[tilespmem:$0x1AFE0] =	vst v63  }
0x182: {  	s1 =	sadd.s32 $0xF598, s2;
	s11 =	sadd.s32 $0x30, s3  }
0x183: {  	[hbm4b:s11+s5] =	stream.linear.scatter [tilespmem:s1], [sflag:$0x3], $0x80, $0x38;
	[tilespmem:$0x1AFE0] =	vst v63  }
0x184: {  	s1 =	sadd.s32 $0xF620, s2;
	s11 =	sadd.s32 $0x40, s3  }
0x185: {  	[hbm4b:s11+s5] =	stream.linear.scatter [tilespmem:s1], [sflag:$0x3], $0x80, $0x38;
	[tilespmem:$0x1AFE0] =	vst v63  }
0x186: {  	s1 =	sadd.s32 $0xF6A8, s2;
	s11 =	sadd.s32 $0x50, s3  }
0x187: {  	[hbm4b:s11+s5] =	stream.linear.scatter [tilespmem:s1], [sflag:$0x3], $0x80, $0x38;
	[tilespmem:$0x1AFE0] =	vst v63  }
0x188: {  	s1 =	sadd.s32 $0xF730, s2;
	s11 =	sadd.s32 $0x60, s3  }
0x189: {  	[hbm4b:s11+s5] =	stream.linear.scatter [tilespmem:s1], [sflag:$0x3], $0x80, $0x38;
	[tilespmem:$0x1AFE0] =	vst v63  }
0x18a: {  	s2 =	sadd.s32 $0xF7B8, s2;
	s11 =	sadd.s32 $0x70, s3  }
0x18b: {  	[hbm4b:s11+s5] =	stream.linear.scatter [tilespmem:s2], [sflag:$0x3], $0x80, $0x38;
	[tilespmem:$0x1AFE0] =	vst v63  }
0x18c: {  	_ =	swait.ge [sflag:s22], $0x4800  }
0x18d: {  	[sflag:s22] =	ssyncset.done $0x0  }
0x18e: {  	s0 =	simm.s32 @!p0 $0x3;
	[sflag:s22] =	ssyncadd.s32 $0xFFFFB800  }
0x18f: {  	_ =	swait.ge @!p0 [sflag:s0], $0x4800  }
0x190: {  	[sflag:s0] =	ssyncset.done @!p0 $0x0  }
0x191: {  	[sflag:s0] =	ssyncadd.s32 @!p0 $0xFFFFB800  }
0x192: {  	v31 =	vld [tilespmem:s28+$0x18D00]  }
0x193: {  	v32 =	vld [tilespmem:s28+$0x18D10]  }
0x194: {  	v33 =	vld [tilespmem:s28+$0x18D20]  }
0x195: {  	v34 =	vld [tilespmem:s28+$0x18D30]  }
0x196: {  	v35 =	vld [tilespmem:s28+$0x18D40]  }
0x197: {  	v36 =	vld [tilespmem:s28+$0x18D50]  }
0x198: {  	v37 =	vld [tilespmem:s28+$0x18D60]  }
0x199: {  	s31 =	simm.s32 $0xAC90;
	v38 =	vld [tilespmem:s28+$0x18D70]  }
0x19a: {  	v0 =	vld [tilespmem:s31+$0xFFFFFF70]  }
0x19b: {  	v39 =	vld [tilespmem:s31+$0xFFFFFFE0]  }
0x19c: {  	v40 =	vld [tilespmem:s31+$0xFFFFFFD0]  }
0x19d: {  	v41 =	vld [tilespmem:s31+$0xFFFFFFC0]  }
0x19e: {  	v42 =	vld [tilespmem:s31+$0xFFFFFFB0]  }
0x19f: {  	v43 =	vld [tilespmem:s31+$0xFFFFFFA0]  }
0x1a0: {  	v46 =	vld [tilespmem:s31+$0xFFFFFF80]  }
0x1a1: {  	v44 =	vld [tilespmem:s31+$0xFFFFFF90]  }
0x1a2: {  	v45 =	vadd.f32 v39, v38  }
0x1a3: {  	v40 =	vadd.f32 v40, v37;
	v0 =	vadd.f32 v0, v31  }
0x1a4: {  	v42 =	vadd.f32 v42, v35;
	v41 =	vadd.f32 v41, v36  }
0x1a5: {  	v43 =	vadd.f32 v43, v34;
	v46 =	vadd.f32 v46, v32  }
0x1a6: {  	v44 =	vadd.f32 v44, v33;
	v55 =	vmul.f32 v40, v40;
	v47 =	vmul.f32 v45, v45  }
0x1a7: {  	v53 =	vld [tilespmem:s31+$0xFFFFFFF0];
	v48 =	vadd.f32 v45, v40;
	v49 =	vmul.f32 v42, v42;
	v50 =	vmul.f32 v41, v41  }
0x1a8: {  	v39 =	vld [tilespmem:s28+$0x18D80];
	v51 =	vadd.f32 v41, v42;
	v52 =	vmul.f32 v0, v0;
	v54 =	vmul.f32 v43, v43  }
0x1a9: {  	v56 =	vmul.f32 v46, v46;
	v47 =	vadd.f32 v47, v55;
	v55 =	vadd.f32 v46, v0  }
0x1aa: {  	v57 =	vmul.f32 v44, v44;
	v49 =	vadd.f32 v50, v49;
	v50 =	vadd.f32 v43, v44  }
0x1ab: {  	v48 =	vadd.f32 v48, v51;
	v51 =	vadd.f32 v56, v52  }
0x1ac: {  	v56 =	vadd.f32 v54, v57;
	v50 =	vadd.f32 v50, v55  }
0x1ad: {  	v47 =	vadd.f32 v47, v49;
	v49 =	vadd.f32 v53, v39  }
0x1ae: {  	v57 =	vadd.f32 v56, v51;
	v48 =	vadd.f32 v48, v50;
	_ =	sdelay $0x1  }
0x1af: {  	v54 =	vmul.f32 v49, v49;
	v47 =	vadd.f32 v47, v57;
	v48 =	vadd.f32 v48, v49;
	_ =	sdelay $0x1  }
0x1b0: {  	v47 =	vadd.f32 v47, v54;
	v55 =	vperm.xlane v48, v1;
	_ =	sdelay $0x1  }
0x1b1: {  	v56 =	vperm.xlane v47, v1;
	v48 =	vadd.f32 v48, v55;
	_ =	sdelay $0x1  }
0x1b2: {  	v47 =	vadd.f32 v56, v47;
	v57 =	vperm.xlane v48, v2;
	_ =	sdelay $0x1  }
0x1b3: {  	v50 =	vperm.xlane v47, v2;
	v48 =	vadd.f32 v48, v57;
	_ =	sdelay $0x1  }
0x1b4: {  	v47 =	vadd.f32 v50, v47;
	v51 =	vperm.xlane v48, v3;
	_ =	sdelay $0x1  }
0x1b5: {  	v50 =	vperm.xlane v47, v3;
	v48 =	vadd.f32 v48, v51;
	_ =	sdelay $0x1  }
0x1b6: {  	v47 =	vadd.f32 v50, v47;
	v51 =	vperm.xlane v48, v4;
	_ =	sdelay $0x1  }
0x1b7: {  	v50 =	vperm.xlane v47, v4;
	v48 =	vadd.f32 v48, v51;
	_ =	sdelay $0x1  }
0x1b8: {  	v47 =	vadd.f32 v50, v47;
	v48 =	vmul.f32 $6.944444500e-03, v48;
	_ =	sdelay $0x1  }
0x1b9: {  	v47 =	vmul.f32 $6.944444500e-03, v47;
	v53 =	vmul.f32 v48, v48;
	_ =	sdelay $0x1  }
0x1ba: {  	v47 =	vsub.f32 v47, v53;
	_ =	sdelay $0x1  }
0x1bb: {  	v47 =	vadd.f32 $9.999999740e-06, v47;
	_ =	sdelay $0x1  }
0x1bc: {  	v54 =	vshra.s32 v47, $0x1;
	v47 =	vmul.f32 $5.000000000e-01, v47  }
0x1bd: {  	v50 =	vsub.s32 $0x5F3759DF, v54  }
0x1be: {  	v55 =	vmul.f32 v50, v47;
	_ =	sdelay $0x1  }
0x1bf: {  	v51 =	vmul.f32 v50, v55;
	_ =	sdelay $0x1  }
0x1c0: {  	v51 =	vsub.f32 $1.500000000e+00, v51;
	_ =	sdelay $0x1  }
0x1c1: {  	v50 =	vmul.f32 v50, v51;
	_ =	sdelay $0x1  }
0x1c2: {  	v47 =	vmul.f32 v50, v47;
	_ =	sdelay $0x1  }
0x1c3: {  	v47 =	vmul.f32 v47, v50;
	_ =	sdelay $0x1  }
0x1c4: {  	v0 =	vsub.f32 v0, v48;
	v47 =	vsub.f32 $1.500000000e+00, v47  }
0x1c5: {  	v43 =	vsub.f32 v43, v48;
	v44 =	vsub.f32 v44, v48  }
0x1c6: {  	s28 =	simm.s32 $0x0;
	v46 =	vsub.f32 v46, v48;
	v42 =	vsub.f32 v42, v48;
	v47 =	vmul.f32 v47, v50  }
0x1c7: {  	v56 =	vmov s28;
	v41 =	vsub.f32 v41, v48;
	v40 =	vsub.f32 v40, v48  }
0x1c8: {  	v16 =	vld [tilespmem:$0x1FF20];
	v45 =	vsub.f32 v45, v48;
	v50 =	vand.u32 $0x7E, v56;
	v57 =	vmul.f32 v47, v10  }
0x1c9: {  	v9 =	vmovc v7;
	v25 =	vld [tilespmem:$0x1FF70];
	v48 =	vsub.f32 v49, v48;
	v52 =	vadd.s32 v63, v50;
	v49 =	vadd.s32 v7, v50  }
0x1ca: {  	v7 =	vmovc v6;
	v51 =	vadd.s32 v6, v50;
	v6 =	vld [tilespmem:$0x1FFE0];
	v0 =	vmul.f32 v57, v0;
	v57 =	vmul.f32 v47, v11  }
0x1cb: {  	v26 =	vld [tilespmem:$0x1FF60];
	v55 =	vmul.f32 v47, v12  }
0x1cc: {  	v14 =	vmov v10;
	v10 =	vld [tilespmem:$0x1FFD0];
	v46 =	vmul.f32 v57, v46  }
0x1cd: {  	v17 =	vmovc v12;
	v15 =	vmovc v11;
	v23 =	vmov v20;
	v11 =	vld [tilespmem:$0x1FFC0];
	v43 =	vmul.f32 v55, v43;
	v0 =	vadd.f32 v0, v8  }
0x1ce: {  	v12 =	vmovc v62;
	v55 =	vadd.s32 v62, v50;
	v62 =	vmul.f32 v47, v21;
	v46 =	vadd.f32 v46, v20;
	v20 =	vld [tilespmem:$0x1FF50]  }
0x1cf: {  	v19 =	vmov v21;
	v21 =	vld [tilespmem:$0x1FF30];
	v53 =	vadd.s32 v6, v50;
	[tilespmem:v52+s23+$0x0] =	vst.idx.msk $0xffff, v0;
	v52 =	vmul.f32 v47, v16  }
0x1d0: {  	v57 =	vmul.f32 v47, v13;
	v41 =	vmul.f32 v62, v41;
	v62 =	vld [tilespmem:$0x1FF40]  }
0x1d1: {  	v18 =	vmovc v13;
	v54 =	vadd.s32 v59, v50;
	v13 =	vld [tilespmem:$0x1FFF0];
	v43 =	vadd.f32 v43, v25;
	v44 =	vmul.f32 v52, v44  }
0x1d2: {  	v22 =	vmovc v8;
	v28 =	vld [tilespmem:$0x1FF80];
	v56 =	vadd.s32 v10, v50;
	v42 =	vmul.f32 v57, v42;
	v41 =	vadd.f32 v41, v27  }
0x1d3: {  	v8 =	vmovc v59;
	v0 =	vadd.s32 v11, v50;
	v44 =	vadd.f32 v44, v60;
	v59 =	vmul.f32 v47, v20  }
0x1d4: {  	v57 =	vmul.f32 v47, v21;
	v42 =	vadd.f32 v42, v26;
	[tilespmem:v53+s23+$0x0] =	vst.idx.msk $0xffff, v46  }
0x1d5: {  	v47 =	vmul.f32 v47, v62;
	[tilespmem:v51+s23+$0x0] =	vst.idx.msk $0xffff, v44;
	v40 =	vmul.f32 v59, v40  }
0x1d6: {  	v50 =	vadd.s32 v13, v50;
	v52 =	vmul.f32 v57, v45;
	[tilespmem:v54+s23+$0x0] =	vst.idx.msk $0xffff, v43  }
0x1d7: {  	v53 =	vmul.f32 v47, v48;
	[tilespmem:v49+s23+$0x0] =	vst.idx.msk $0xffff, v42;
	v40 =	vadd.f32 v40, v28  }
0x1d8: {  	v54 =	vadd.f32 v52, v61;
	[tilespmem:v56+s23+$0x0] =	vst.idx.msk $0xffff, v41  }
0x1d9: {  	[tilespmem:v0+s23+$0x0] =	vst.idx.msk $0xffff, v40;
	v0 =	vadd.f32 v53, v58  }
0x1da: {  	[tilespmem:v55+s23+$0x0] =	vst.idx.msk $0xffff, v54  }
0x1db: {  	[tilespmem:v50+s23+$0x0] =	vst.idx.msk $0xffff, v0  }
0x1dc: {  	v0 =	vld [tilespmem:s31+$0x30]  }
0x1dd: {  	v40 =	vld [tilespmem:s31+$0x0]  }
0x1de: {  	v41 =	vld [tilespmem:s31+$0x50]  }
0x1df: {  	v42 =	vld [tilespmem:s31+$0x40]  }
0x1e0: {  	v55 =	vld [tilespmem:s31+$0x70]  }
0x1e1: {  	v57 =	vld [tilespmem:s31+$0x20]  }
0x1e2: {  	v56 =	vld [tilespmem:s31+$0x60]  }
0x1e3: {  	v46 =	vld [tilespmem:s31+$0x10]  }
0x1e4: {  	v0 =	vadd.f32 v0, v34  }
0x1e5: {  	v42 =	vadd.f32 v42, v35;
	v41 =	vadd.f32 v41, v36  }
0x1e6: {  	v49 =	vadd.f32 v55, v38;
	v45 =	vadd.f32 v57, v33  }
0x1e7: {  	v51 =	vadd.f32 v56, v37;
	v40 =	vadd.f32 v40, v31  }
0x1e8: {  	v30 =	vmovc v58;
	v46 =	vadd.f32 v46, v32;
	v43 =	vmul.f32 v0, v0;
	v58 =	vmul.f32 v42, v42  }
0x1e9: {  	v47 =	vadd.f32 v41, v42;
	v59 =	vmul.f32 v41, v41;
	v44 =	vmul.f32 v49, v49  }
0x1ea: {  	v24 =	vmovc v60;
	v53 =	vld [tilespmem:s31+$0x80];
	v50 =	vadd.f32 v49, v51;
	v52 =	vmul.f32 v51, v51;
	v54 =	vadd.f32 v0, v45  }
0x1eb: {  	v29 =	vmovc v61;
	v55 =	vmul.f32 v40, v40;
	v60 =	vadd.f32 v46, v40;
	v61 =	vmul.f32 v45, v45  }
0x1ec: {  	v48 =	vadd.f32 v59, v58;
	v44 =	vadd.f32 v44, v52;
	v59 =	vmul.f32 v46, v46  }
0x1ed: {  	v47 =	vadd.f32 v50, v47;
	v60 =	vadd.f32 v54, v60  }
0x1ee: {  	v43 =	vadd.f32 v43, v61;
	v52 =	vadd.f32 v59, v55  }
0x1ef: {  	v50 =	vadd.f32 v53, v39;
	v47 =	vadd.f32 v47, v60  }
0x1f0: {  	v44 =	vadd.f32 v44, v48;
	v43 =	vadd.f32 v43, v52  }
0x1f1: {  	v61 =	vadd.f32 v47, v50  }
0x1f2: {  	v48 =	vmul.f32 v50, v50;
	v43 =	vadd.f32 v44, v43  }
0x1f3: {  	v52 =	vperm.xlane v61, v1  }
0x1f4: {  	v43 =	vadd.f32 v43, v48  }
0x1f5: {  	v44 =	vadd.f32 v61, v52  }
0x1f6: {  	v53 =	vperm.xlane v43, v1  }
0x1f7: {  	v54 =	vperm.xlane v44, v2  }
0x1f8: {  	v43 =	vadd.f32 v53, v43  }
0x1f9: {  	v44 =	vadd.f32 v44, v54  }
0x1fa: {  	v55 =	vperm.xlane v43, v2  }
0x1fb: {  	v56 =	vperm.xlane v44, v3  }
0x1fc: {  	v43 =	vadd.f32 v55, v43  }
0x1fd: {  	v44 =	vadd.f32 v44, v56  }
0x1fe: {  	v57 =	vperm.xlane v43, v3  }
0x1ff: {  	v58 =	vperm.xlane v44, v4  }
0x200: {  	v43 =	vadd.f32 v57, v43  }
0x201: {  	v44 =	vadd.f32 v44, v58  }
0x202: {  	v59 =	vperm.xlane v43, v4  }
0x203: {  	v60 =	vmul.f32 $6.944444500e-03, v44  }
0x204: {  	v43 =	vadd.f32 v59, v43  }
0x205: {  	v44 =	vmul.f32 v60, v60;
	v48 =	vsub.f32 v40, v60  }
0x206: {  	v46 =	vsub.f32 v46, v60;
	v47 =	vsub.f32 v45, v60;
	v43 =	vmul.f32 $6.944444500e-03, v43  }
0x207: {  	v45 =	vsub.f32 v0, v60;
	v40 =	vsub.f32 v50, v60  }
0x208: {  	v61 =	vsub.f32 v43, v44;
	v44 =	vsub.f32 v42, v60  }
0x209: {  	v43 =	vsub.f32 v41, v60;
	v42 =	vsub.f32 v51, v60  }
0x20a: {  	s3 =	simm.s32 $0x2;
	s2 =	simm.s32 $0x1;
	v41 =	vsub.f32 v49, v60;
	v49 =	vadd.f32 $9.999999740e-06, v61  }
.LBB2_7:
0x20b: {  	_ = 	snop  }
0x20c: {  	v50 =	vshra.s32 v49, $0x1;
	v61 =	vmul.f32 $5.000000000e-01, v49  }
0x20d: {  	v50 =	vsub.s32 $0x5F3759DF, v50  }
0x20e: {  	v52 =	vmul.f32 v50, v61;
	_ =	sdelay $0x1  }
0x20f: {  	v52 =	vmul.f32 v50, v52;
	_ =	sdelay $0x1  }
0x210: {  	v52 =	vsub.f32 $1.500000000e+00, v52;
	_ =	sdelay $0x1  }
0x211: {  	v50 =	vmul.f32 v50, v52;
	_ =	sdelay $0x1  }
0x212: {  	v49 =	vmul.f32 v50, v61;
	_ =	sdelay $0x1  }
0x213: {  	v49 =	vmul.f32 v49, v50;
	_ =	sdelay $0x1  }
0x214: {  	v49 =	vsub.f32 $1.500000000e+00, v49  }
0x215: {  	v0 =	vmov s2  }
0x216: {  	v0 =	vand.u32 $0x7F, v0;
	v49 =	vmul.f32 v49, v50  }
0x217: {  	v51 =	vadd.s32 v11, v0;
	v53 =	vadd.s32 v6, v0;
	v54 =	vadd.s32 v10, v0  }
0x218: {  	v55 =	vadd.s32 v63, v0;
	v56 =	vadd.s32 v7, v0;
	v50 =	vmul.f32 v49, v14  }
0x219: {  	v57 =	vadd.s32 v8, v0;
	v59 =	vmul.f32 v49, v21;
	v60 =	vmul.f32 v49, v16  }
0x21a: {  	v58 =	vadd.s32 v9, v0;
	v48 =	vmul.f32 v50, v48;
	v50 =	vmul.f32 v49, v15  }
0x21b: {  	v52 =	vadd.s32 v12, v0;
	v61 =	vmul.f32 v49, v19;
	v47 =	vmul.f32 v60, v47  }
0x21c: {  	v0 =	vadd.s32 v13, v0;
	v60 =	vmul.f32 v49, v17;
	v46 =	vmul.f32 v50, v46  }
0x21d: {  	v43 =	vmul.f32 v61, v43;
	v48 =	vadd.f32 v48, v22;
	v50 =	vmul.f32 v49, v18  }
0x21e: {  	v45 =	vmul.f32 v60, v45;
	v60 =	vmul.f32 v49, v20;
	v46 =	vadd.f32 v46, v23  }
0x21f: {  	v47 =	vadd.f32 v47, v24;
	[tilespmem:v55+s23+$0x0] =	vst.idx.msk $0xffff, v48;
	v44 =	vmul.f32 v50, v44  }
0x220: {  	v45 =	vadd.f32 v45, v25;
	v42 =	vmul.f32 v60, v42;
	[tilespmem:v53+s23+$0x0] =	vst.idx.msk $0xffff, v46  }
0x221: {  	v55 =	vmul.f32 v49, v62;
	v44 =	vadd.f32 v44, v26;
	[tilespmem:v56+s23+$0x0] =	vst.idx.msk $0xffff, v47  }
0x222: {  	v41 =	vmul.f32 v59, v41;
	v43 =	vadd.f32 v43, v27;
	[tilespmem:v57+s23+$0x0] =	vst.idx.msk $0xffff, v45  }
0x223: {  	v42 =	vadd.f32 v42, v28;
	v40 =	vmul.f32 v55, v40;
	[tilespmem:v58+s23+$0x0] =	vst.idx.msk $0xffff, v44  }
0x224: {  	v41 =	vadd.f32 v41, v29;
	[tilespmem:v54+s23+$0x0] =	vst.idx.msk $0xffff, v43  }
0x225: {  	v40 =	vadd.f32 v40, v30;
	[tilespmem:v51+s23+$0x0] =	vst.idx.msk $0xffff, v42  }
0x226: {  	[tilespmem:v52+s23+$0x0] =	vst.idx.msk $0xffff, v41  }
0x227: {  	s31 =	sadd.s32 $0x120, s31;
	[tilespmem:v0+s23+$0x0] =	vst.idx.msk $0xffff, v40  }
0x228: {  	v0 =	vld [tilespmem:s31+$0xFFFFFF70]  }
0x229: {  	v40 =	vld [tilespmem:s31+$0xFFFFFFE0]  }
0x22a: {  	v41 =	vld [tilespmem:s31+$0xFFFFFFD0]  }
0x22b: {  	v42 =	vld [tilespmem:s31+$0xFFFFFFC0]  }
0x22c: {  	v43 =	vld [tilespmem:s31+$0xFFFFFFB0]  }
0x22d: {  	v44 =	vld [tilespmem:s31+$0xFFFFFFA0]  }
0x22e: {  	v46 =	vld [tilespmem:s31+$0xFFFFFF80]  }
0x22f: {  	v45 =	vld [tilespmem:s31+$0xFFFFFF90]  }
0x230: {  	v40 =	vadd.f32 v40, v38  }
0x231: {  	v41 =	vadd.f32 v41, v37;
	v0 =	vadd.f32 v0, v31  }
0x232: {  	v43 =	vadd.f32 v43, v35;
	v42 =	vadd.f32 v42, v36  }
0x233: {  	v44 =	vadd.f32 v44, v34;
	v46 =	vadd.f32 v46, v32  }
0x234: {  	v45 =	vadd.f32 v45, v33;
	v58 =	vmul.f32 v41, v41;
	v59 =	vmul.f32 v40, v40  }
0x235: {  	v49 =	vadd.f32 v40, v41;
	v50 =	vmul.f32 v43, v43;
	v48 =	vmul.f32 v42, v42  }
0x236: {  	v54 =	vld [tilespmem:s31+$0xFFFFFFF0];
	v51 =	vadd.f32 v42, v43;
	v52 =	vmul.f32 v0, v0;
	v53 =	vmul.f32 v44, v44  }
0x237: {  	v60 =	vadd.f32 v46, v0;
	v61 =	vmul.f32 v46, v46;
	v47 =	vadd.f32 v59, v58  }
0x238: {  	v48 =	vadd.f32 v48, v50;
	v58 =	vadd.f32 v44, v45;
	v59 =	vmul.f32 v45, v45  }
0x239: {  	v49 =	vadd.f32 v49, v51;
	v52 =	vadd.f32 v61, v52  }
0x23a: {  	v50 =	vadd.f32 v58, v60;
	v60 =	vadd.f32 v53, v59  }
0x23b: {  	v61 =	vadd.f32 v54, v39;
	v47 =	vadd.f32 v47, v48  }
0x23c: {  	v49 =	vadd.f32 v49, v50;
	v48 =	vadd.f32 v60, v52;
	_ =	sdelay $0x1  }
0x23d: {  	v53 =	vmul.f32 v61, v61;
	v49 =	vadd.f32 v49, v61;
	v47 =	vadd.f32 v47, v48;
	_ =	sdelay $0x1  }
0x23e: {  	v54 =	vperm.xlane v49, v1;
	v47 =	vadd.f32 v47, v53;
	_ =	sdelay $0x1  }
0x23f: {  	v48 =	vadd.f32 v49, v54;
	v55 =	vperm.xlane v47, v1;
	_ =	sdelay $0x1  }
0x240: {  	v56 =	vperm.xlane v48, v2;
	v47 =	vadd.f32 v55, v47;
	_ =	sdelay $0x1  }
0x241: {  	v48 =	vadd.f32 v48, v56;
	v49 =	vperm.xlane v47, v2;
	_ =	sdelay $0x1  }
0x242: {  	v50 =	vperm.xlane v48, v3;
	v47 =	vadd.f32 v49, v47;
	_ =	sdelay $0x1  }
0x243: {  	v48 =	vadd.f32 v48, v50;
	v49 =	vperm.xlane v47, v3;
	_ =	sdelay $0x1  }
0x244: {  	v50 =	vperm.xlane v48, v4;
	v47 =	vadd.f32 v49, v47;
	_ =	sdelay $0x1  }
0x245: {  	v48 =	vadd.f32 v48, v50;
	v49 =	vperm.xlane v47, v4;
	_ =	sdelay $0x1  }
0x246: {  	v48 =	vmul.f32 $6.944444500e-03, v48;
	v47 =	vadd.f32 v49, v47;
	_ =	sdelay $0x1  }
0x247: {  	v47 =	vmul.f32 $6.944444500e-03, v47;
	v57 =	vmul.f32 v48, v48;
	_ =	sdelay $0x1  }
0x248: {  	v47 =	vsub.f32 v47, v57;
	_ =	sdelay $0x1  }
0x249: {  	v47 =	vadd.f32 $9.999999740e-06, v47;
	_ =	sdelay $0x1  }
0x24a: {  	v58 =	vshra.s32 v47, $0x1;
	v47 =	vmul.f32 $5.000000000e-01, v47  }
0x24b: {  	v49 =	vsub.s32 $0x5F3759DF, v58  }
0x24c: {  	v60 =	vmul.f32 v49, v47;
	_ =	sdelay $0x1  }
0x24d: {  	v51 =	vmul.f32 v49, v60;
	_ =	sdelay $0x1  }
0x24e: {  	v51 =	vsub.f32 $1.500000000e+00, v51;
	_ =	sdelay $0x1  }
0x24f: {  	v49 =	vmul.f32 v49, v51;
	_ =	sdelay $0x1  }
0x250: {  	s28 =	smov.u32 s3;
	v47 =	vmul.f32 v49, v47  }
0x251: {  	v59 =	vmov s28  }
0x252: {  	v50 =	vand.u32 $0x7E, v59;
	v47 =	vmul.f32 v47, v49  }
0x253: {  	v52 =	vadd.s32 v63, v50;
	v53 =	vadd.s32 v9, v50  }
0x254: {  	v54 =	vadd.s32 v7, v50;
	v0 =	vsub.f32 v0, v48;
	v47 =	vsub.f32 $1.500000000e+00, v47  }
0x255: {  	v55 =	vadd.s32 v6, v50;
	v44 =	vsub.f32 v44, v48;
	v45 =	vsub.f32 v45, v48  }
0x256: {  	v46 =	vsub.f32 v46, v48;
	v43 =	vsub.f32 v43, v48;
	v47 =	vmul.f32 v47, v49  }
0x257: {  	v56 =	vadd.s32 v10, v50;
	v42 =	vsub.f32 v42, v48;
	v41 =	vsub.f32 v41, v48  }
0x258: {  	v40 =	vsub.f32 v40, v48;
	v49 =	vmul.f32 v47, v21;
	v59 =	vmul.f32 v47, v62  }
0x259: {  	v48 =	vsub.f32 v61, v48;
	v60 =	vmul.f32 v47, v14;
	v61 =	vmul.f32 v47, v17  }
0x25a: {  	v57 =	vadd.s32 v11, v50;
	v62 =	vmul.f32 v47, v15;
	v63 =	vmul.f32 v47, v16  }
0x25b: {  	v58 =	vadd.s32 v12, v50;
	v0 =	vmul.f32 v60, v0;
	v44 =	vmul.f32 v61, v44  }
0x25c: {  	v51 =	vadd.s32 v8, v50;
	v61 =	vmul.f32 v47, v19;
	v46 =	vmul.f32 v62, v46  }
0x25d: {  	v45 =	vmul.f32 v63, v45;
	v60 =	vmul.f32 v47, v18;
	v0 =	vadd.f32 v0, v22  }
0x25e: {  	v47 =	vmul.f32 v47, v20;
	v42 =	vmul.f32 v61, v42;
	v61 =	vadd.f32 v46, v23  }
0x25f: {  	v45 =	vadd.f32 v45, v24;
	v43 =	vmul.f32 v60, v43;
	[tilespmem:v52+s23+$0x0] =	vst.idx.msk $0xffff, v0  }
0x260: {  	v50 =	vadd.s32 v13, v50;
	v0 =	vadd.f32 v44, v25;
	[tilespmem:v55+s23+$0x0] =	vst.idx.msk $0xffff, v61  }
0x261: {  	v41 =	vmul.f32 v47, v41;
	v43 =	vadd.f32 v43, v26;
	[tilespmem:v54+s23+$0x0] =	vst.idx.msk $0xffff, v45  }
0x262: {  	v40 =	vmul.f32 v49, v40;
	v42 =	vadd.f32 v42, v27;
	[tilespmem:v51+s23+$0x0] =	vst.idx.msk $0xffff, v0  }
0x263: {  	v52 =	vmul.f32 v59, v48;
	v41 =	vadd.f32 v41, v28;
	[tilespmem:v53+s23+$0x0] =	vst.idx.msk $0xffff, v43  }
0x264: {  	v0 =	vadd.f32 v40, v29;
	[tilespmem:v56+s23+$0x0] =	vst.idx.msk $0xffff, v42  }
0x265: {  	v56 =	vadd.f32 v52, v30;
	[tilespmem:v57+s23+$0x0] =	vst.idx.msk $0xffff, v41  }
0x266: {  	[tilespmem:v58+s23+$0x0] =	vst.idx.msk $0xffff, v0  }
0x267: {  	[tilespmem:v50+s23+$0x0] =	vst.idx.msk $0xffff, v56  }
0x268: {  	v0 =	vld [tilespmem:s31+$0x30]  }
0x269: {  	v40 =	vld [tilespmem:s31+$0x0]  }
0x26a: {  	v41 =	vld [tilespmem:s31+$0x70]  }
0x26b: {  	v42 =	vld [tilespmem:s31+$0x50]  }
0x26c: {  	v43 =	vld [tilespmem:s31+$0x40]  }
0x26d: {  	v45 =	vld [tilespmem:s31+$0x20]  }
0x26e: {  	v44 =	vld [tilespmem:s31+$0x60]  }
0x26f: {  	v57 =	vld [tilespmem:s31+$0x10]  }
0x270: {  	v41 =	vadd.f32 v41, v38  }
0x271: {  	v0 =	vadd.f32 v0, v34;
	v43 =	vadd.f32 v43, v35  }
0x272: {  	v42 =	vadd.f32 v42, v36;
	v45 =	vadd.f32 v45, v33  }
0x273: {  	v51 =	vadd.f32 v44, v37;
	v40 =	vadd.f32 v40, v31  }
0x274: {  	v46 =	vadd.f32 v57, v32;
	v47 =	vmul.f32 v0, v0;
	v58 =	vmul.f32 v43, v43  }
0x275: {  	v48 =	vadd.f32 v42, v43;
	v59 =	vmul.f32 v42, v42;
	v44 =	vmul.f32 v41, v41  }
0x276: {  	v53 =	vld [tilespmem:s31+$0x80];
	v50 =	vadd.f32 v41, v51;
	v52 =	vmul.f32 v51, v51;
	v54 =	vadd.f32 v0, v45  }
0x277: {  	v55 =	vmul.f32 v40, v40;
	v56 =	vmul.f32 v45, v45;
	v60 =	vadd.f32 v46, v40  }
0x278: {  	v61 =	vmul.f32 v46, v46;
	v49 =	vadd.f32 v59, v58;
	v44 =	vadd.f32 v44, v52  }
0x279: {  	v48 =	vadd.f32 v50, v48;
	v47 =	vadd.f32 v47, v56  }
0x27a: {  	v60 =	vadd.f32 v54, v60;
	v61 =	vadd.f32 v61, v55  }
0x27b: {  	v50 =	vadd.f32 v53, v39;
	v44 =	vadd.f32 v44, v49  }
0x27c: {  	v48 =	vadd.f32 v48, v60;
	v47 =	vadd.f32 v47, v61;
	_ =	sdelay $0x1  }
0x27d: {  	v57 =	vmul.f32 v50, v50;
	v44 =	vadd.f32 v44, v47;
	v56 =	vadd.f32 v48, v50;
	_ =	sdelay $0x1  }
0x27e: {  	v58 =	vperm.xlane v56, v1;
	v44 =	vadd.f32 v44, v57;
	_ =	sdelay $0x1  }
0x27f: {  	v47 =	vadd.f32 v56, v58;
	v48 =	vperm.xlane v44, v1;
	_ =	sdelay $0x1  }
0x280: {  	v49 =	vperm.xlane v47, v2;
	v44 =	vadd.f32 v48, v44;
	_ =	sdelay $0x1  }
0x281: {  	v47 =	vadd.f32 v47, v49;
	v48 =	vperm.xlane v44, v2;
	_ =	sdelay $0x1  }
0x282: {  	v49 =	vperm.xlane v47, v3;
	v44 =	vadd.f32 v48, v44;
	_ =	sdelay $0x1  }
0x283: {  	v47 =	vadd.f32 v47, v49;
	v48 =	vperm.xlane v44, v3;
	_ =	sdelay $0x1  }
0x284: {  	v49 =	vperm.xlane v47, v4;
	v44 =	vadd.f32 v48, v44;
	_ =	sdelay $0x1  }
0x285: {  	v47 =	vadd.f32 v47, v49;
	v48 =	vperm.xlane v44, v4;
	_ =	sdelay $0x1  }
0x286: {  	v59 =	vmul.f32 $6.944444500e-03, v47;
	v44 =	vadd.f32 v48, v44;
	_ =	sdelay $0x1  }
0x287: {  	p0 =	slt.u32 s3, $0x7E;
	v44 =	vmul.f32 $6.944444500e-03, v44;
	v48 =	vsub.f32 v40, v59  }
.Ltmp2:
0x288: {  	v60 =	vmul.f32 v59, v59;
	v46 =	vsub.f32 v46, v59;
	v47 =	vsub.f32 v45, v59;
	(pc) =	sbr.rel @p0 .LBB2_7-.Ltmp2, $4  }
0x289: {  	v45 =	vsub.f32 v0, v59;
	v41 =	vsub.f32 v41, v59  }
0x28a: {  	v40 =	vsub.f32 v50, v59;
	v61 =	vsub.f32 v44, v60  }
0x28b: {  	v44 =	vsub.f32 v43, v59;
	v43 =	vsub.f32 v42, v59  }
0x28c: {  	s3 =	sadd.s32 $0x2, s3;
	s2 =	sadd.s32 $0x1, s28;
	v62 =	vld [tilespmem:$0x1FF40];
	v63 =	vmov v5;
	v42 =	vsub.f32 v51, v59;
	v49 =	vadd.f32 $9.999999740e-06, v61  }
0x28d: {  	_ = 	snop  }
0x28e: {  	v0 =	vshra.s32 v49, $0x1;
	v31 =	vmul.f32 $5.000000000e-01, v49  }
0x28f: {  	v0 =	vsub.s32 $0x5F3759DF, v0  }
0x290: {  	v32 =	vmul.f32 v0, v31;
	_ =	sdelay $0x1  }
0x291: {  	v32 =	vmul.f32 v0, v32;
	_ =	sdelay $0x1  }
0x292: {  	v32 =	vsub.f32 $1.500000000e+00, v32;
	_ =	sdelay $0x1  }
0x293: {  	v0 =	vmul.f32 v0, v32;
	_ =	sdelay $0x1  }
0x294: {  	v31 =	vmul.f32 v0, v31;
	_ =	sdelay $0x1  }
0x295: {  	v31 =	vmul.f32 v31, v0;
	_ =	sdelay $0x1  }
0x296: {  	v31 =	vsub.f32 $1.500000000e+00, v31  }
0x297: {  	v57 =	vmov s2  }
0x298: {  	v32 =	vand.u32 $0x7F, v57;
	v0 =	vmul.f32 v31, v0  }
0x299: {  	v33 =	vadd.s32 v6, v32;
	v34 =	vadd.s32 v10, v32;
	v35 =	vadd.s32 v63, v32  }
0x29a: {  	v36 =	vadd.s32 v7, v32;
	v38 =	vadd.s32 v8, v32;
	v37 =	vmul.f32 v0, v14  }
0x29b: {  	v50 =	vadd.s32 v9, v32;
	v39 =	vmul.f32 v0, v21;
	v58 =	vmul.f32 v0, v16  }
0x29c: {  	v51 =	vadd.s32 v12, v32;
	v59 =	vmul.f32 v0, v15;
	v60 =	vmul.f32 v0, v17  }
0x29d: {  	v31 =	vadd.s32 v11, v32;
	v61 =	vmul.f32 v0, v18;
	v37 =	vmul.f32 v37, v48  }
0x29e: {  	v32 =	vadd.s32 v13, v32;
	v52 =	vmul.f32 v0, v19;
	v46 =	vmul.f32 v59, v46  }
0x29f: {  	v56 =	vmul.f32 v0, v20;
	v47 =	vmul.f32 v58, v47;
	v37 =	vadd.f32 v37, v22  }
0x2a0: {  	v0 =	vmul.f32 v0, v62;
	v45 =	vmul.f32 v60, v45;
	v46 =	vadd.f32 v46, v23  }
0x2a1: {  	v44 =	vmul.f32 v61, v44;
	v57 =	vadd.f32 v47, v24;
	[tilespmem:v35+s23+$0x0] =	vst.idx.msk $0xffff, v37  }
0x2a2: {  	v43 =	vmul.f32 v52, v43;
	v58 =	vadd.f32 v45, v25;
	[tilespmem:v33+s23+$0x0] =	vst.idx.msk $0xffff, v46  }
0x2a3: {  	v59 =	vmul.f32 v56, v42;
	v44 =	vadd.f32 v44, v26;
	[tilespmem:v36+s23+$0x0] =	vst.idx.msk $0xffff, v57  }
0x2a4: {  	v61 =	vmul.f32 v39, v41;
	v60 =	vadd.f32 v43, v27;
	[tilespmem:v38+s23+$0x0] =	vst.idx.msk $0xffff, v58  }
0x2a5: {  	v0 =	vmul.f32 v0, v40;
	v33 =	vadd.f32 v59, v28;
	[tilespmem:v50+s23+$0x0] =	vst.idx.msk $0xffff, v44  }
0x2a6: {  	v36 =	vadd.f32 v61, v29;
	[tilespmem:v34+s23+$0x0] =	vst.idx.msk $0xffff, v60  }
0x2a7: {  	v0 =	vadd.f32 v0, v30;
	[tilespmem:v31+s23+$0x0] =	vst.idx.msk $0xffff, v33  }
0x2a8: {  	s0 =	sadd.s32 @!p1 $0x180, s29;
	s1 =	simm.s32 @!p1 $0x80;
	[tilespmem:v51+s23+$0x0] =	vst.idx.msk $0xffff, v36  }
0x2a9: {  	s2 =	simm.s32 @!p1 $0xAC00;
	s30 =	sadd.s32 s30, s4;
	s0 =	sand.u32 @!p1 $0xFF80, s0;
	[tilespmem:v32+s23+$0x0] =	vst.idx.msk $0xffff, v0  }
0x2aa: {  	[tilespmem:s2], [sflag:$0x2] =	stream.indirect.gather @!p1 [hbm4b:s6+s1], $0x90, s0, s1, $0xb8;
	[tilespmem:$0x1AFE0] =	vst v63  }
0x2ab: {  	s31 =	simm.s32 $0x14080;
	s3 =	sadd.s32 $0x80, s30  }
0x2ac: {  	[hbm4b:s3+s5] =	stream.linear.scatter [tilespmem:s31], [sflag:$0x3], $0x80, $0x38;
	[tilespmem:$0x1AFE0] =	vst v63  }
0x2ad: {  	s1 =	simm.s32 $0x14108;
	s2 =	sadd.s32 $0x10, s3  }
0x2ae: {  	[hbm4b:s2+s5] =	stream.linear.scatter [tilespmem:s1], [sflag:$0x3], $0x80, $0x38;
	[tilespmem:$0x1AFE0] =	vst v63  }
0x2af: {  	s11 =	simm.s32 $0x14190;
	s28 =	simm.s32 $0x2200;
	s29 =	sadd.s32 $0x20, s3  }
0x2b0: {  	[hbm4b:s29+s5] =	stream.linear.scatter [tilespmem:s11], [sflag:$0x3], $0x80, $0x38;
	[tilespmem:$0x1AFE0] =	vst v63  }
0x2b1: {  	s30 =	simm.s32 $0x14218;
	s0 =	simm.s32 $0x14438;
	s31 =	sadd.s32 $0x30, s3  }
0x2b2: {  	[hbm4b:s31+s5] =	stream.linear.scatter [tilespmem:s30], [sflag:$0x3], $0x80, $0x38;
	[tilespmem:$0x1AFE0] =	vst v63  }
0x2b3: {  	s1 =	simm.s32 $0x142A0;
	s2 =	sadd.s32 $0x40, s3;
	s11 =	simm.s32 $0x14328  }
0x2b4: {  	[hbm4b:s2+s5] =	stream.linear.scatter [tilespmem:s1], [sflag:$0x3], $0x80, $0x38;
	[tilespmem:$0x1AFE0] =	vst v63  }
0x2b5: {  	s29 =	sadd.s32 $0x50, s3;
	s30 =	simm.s32 $0x143B0;
	s31 =	sadd.s32 $0x60, s3  }
0x2b6: {  	[hbm4b:s29+s5] =	stream.linear.scatter [tilespmem:s11], [sflag:$0x3], $0x80, $0x38;
	[tilespmem:$0x1AFE0] =	vst v63  }
0x2b7: {  	s2 =	simm.s32 $0x440;
	s1 =	sadd.s32 $0x70, s3;
	s3 =	sadd.s32 $0x4000, s3  }
0x2b8: {  	[hbm4b:s31+s5] =	stream.linear.scatter [tilespmem:s30], [sflag:$0x3], $0x80, $0x38;
	[tilespmem:$0x1AFE0] =	vst v63  }
.LBB2_9:
0x2b9: {  	[hbm4b:s1+s5] =	stream.linear.scatter [tilespmem:s0], [sflag:$0x3], $0x80, $0x38;
	[tilespmem:$0x1AFE0] =	vst v63  }
0x2ba: {  	s0 =	smov.u32 s2;
	s1 =	smov.u32 s28  }
0x2bb: {  	s11 =	sadd.s32 $0x1100, s28;
	s2 =	sshra.s32 s1, $0x2;
	s1 =	sadd.s32 $0x14080, s0  }
0x2bc: {  	[hbm4b:s3+s5] =	stream.linear.scatter [tilespmem:s1], [sflag:$0x3], $0x80, $0x38;
	[tilespmem:$0x1AFE0] =	vst v63  }
0x2bd: {  	p0 =	sne.s32 s28, $0x12100;
	s28 =	sadd.s32 $0x10, s3;
	s1 =	sadd.s32 $0x14108, s0  }
0x2be: {  	[hbm4b:s28+s5] =	stream.linear.scatter [tilespmem:s1], [sflag:$0x3], $0x80, $0x38;
	[tilespmem:$0x1AFE0] =	vst v63  }
0x2bf: {  	s1 =	sadd.s32 $0x14190, s0;
	s28 =	sadd.s32 $0x20, s3  }
0x2c0: {  	[hbm4b:s28+s5] =	stream.linear.scatter [tilespmem:s1], [sflag:$0x3], $0x80, $0x38;
	[tilespmem:$0x1AFE0] =	vst v63  }
0x2c1: {  	s1 =	sadd.s32 $0x14218, s0;
	s28 =	sadd.s32 $0x30, s3  }
0x2c2: {  	[hbm4b:s28+s5] =	stream.linear.scatter [tilespmem:s1], [sflag:$0x3], $0x80, $0x38;
	[tilespmem:$0x1AFE0] =	vst v63  }
0x2c3: {  	s1 =	sadd.s32 $0x142A0, s0;
	s28 =	sadd.s32 $0x40, s3  }
0x2c4: {  	[hbm4b:s28+s5] =	stream.linear.scatter [tilespmem:s1], [sflag:$0x3], $0x80, $0x38;
	[tilespmem:$0x1AFE0] =	vst v63  }
.Ltmp3:
0x2c5: {  	s1 =	sadd.s32 $0x14328, s0;
	s28 =	sadd.s32 $0x50, s3;
	(pc) =	sbr.rel @p0 .LBB2_9-.Ltmp3, $4  }
0x2c6: {  	[hbm4b:s28+s5] =	stream.linear.scatter [tilespmem:s1], [sflag:$0x3], $0x80, $0x38;
	[tilespmem:$0x1AFE0] =	vst v63  }
0x2c7: {  	s1 =	sadd.s32 $0x143B0, s0;
	s28 =	sadd.s32 $0x60, s3;
	s0 =	sadd.s32 $0x14438, s0  }
0x2c8: {  	[hbm4b:s28+s5] =	stream.linear.scatter [tilespmem:s1], [sflag:$0x3], $0x80, $0x38;
	[tilespmem:$0x1AFE0] =	vst v63  }
0x2c9: {  	s1 =	sadd.s32 $0x70, s3;
	s3 =	sadd.s32 $0x4000, s3;
	s28 =	smov.u32 s11  }
0x2ca: {  	[hbm4b:s1+s5] =	stream.linear.scatter [tilespmem:s0], [sflag:$0x3], $0x80, $0x38;
	[tilespmem:$0x1AFE0] =	vst v63  }
0x2cb: {  	s29 =	sadd.s32 $0x14080, s2  }
0x2cc: {  	[hbm4b:s3+s5] =	stream.linear.scatter [tilespmem:s29], [sflag:$0x3], $0x80, $0x38;
	[tilespmem:$0x1AFE0] =	vst v63  }
0x2cd: {  	s30 =	sadd.s32 $0x14108, s2;
	s31 =	sadd.s32 $0x10, s3  }
0x2ce: {  	[hbm4b:s31+s5] =	stream.linear.scatter [tilespmem:s30], [sflag:$0x3], $0x80, $0x38;
	[tilespmem:$0x1AFE0] =	vst v63  }
0x2cf: {  	s1 =	sadd.s32 $0x14190, s2;
	s11 =	sadd.s32 $0x20, s3  }
0x2d0: {  	[hbm4b:s11+s5] =	stream.linear.scatter [tilespmem:s1], [sflag:$0x3], $0x80, $0x38;
	[tilespmem:$0x1AFE0] =	vst v63  }
0x2d1: {  	s28 =	sadd.s32 $0x14218, s2;
	s29 =	sadd.s32 $0x30, s3  }
0x2d2: {  	[hbm4b:s29+s5] =	stream.linear.scatter [tilespmem:s28], [sflag:$0x3], $0x80, $0x38;
	[tilespmem:$0x1AFE0] =	vst v63  }
0x2d3: {  	s26 =	sadd.s32 $0x1, s26;
	s30 =	sadd.s32 $0x142A0, s2;
	s31 =	sadd.s32 $0x40, s3  }
0x2d4: {  	[hbm4b:s31+s5] =	stream.linear.scatter [tilespmem:s30], [sflag:$0x3], $0x80, $0x38;
	[tilespmem:$0x1AFE0] =	vst v63  }
0x2d5: {  	p0 =	sne.s32 s26, $0x64;
	s1 =	sadd.s32 $0x14328, s2;
	s11 =	sadd.s32 $0x50, s3  }
0x2d6: {  	[hbm4b:s11+s5] =	stream.linear.scatter [tilespmem:s1], [sflag:$0x3], $0x80, $0x38;
	[tilespmem:$0x1AFE0] =	vst v63  }
.Ltmp4:
0x2d7: {  	_ = 	snop;
	(pc) =	sbr.rel @p0 .LBB2_2-.Ltmp4, $4  }
0x2d8: {  	s28 =	sadd.s32 $0x143B0, s2;
	s29 =	sadd.s32 $0x60, s3  }
0x2d9: {  	[hbm4b:s29+s5] =	stream.linear.scatter [tilespmem:s28], [sflag:$0x3], $0x80, $0x38;
	[tilespmem:$0x1AFE0] =	vst v63  }
0x2da: {  	s30 =	sadd.s32 $0x14438, s2;
	s31 =	sadd.s32 $0x70, s3  }
0x2db: {  	[hbm4b:s31+s5] =	stream.linear.scatter [tilespmem:s30], [sflag:$0x3], $0x80, $0x38;
	[tilespmem:$0x1AFE0] =	vst v63  }
0x2dc: {  	s25 =	sadd.s32 $0x1, s25  }
0x2dd: {  	_ =	swait.ge [sflag:s24], $0x4800;
	p0 =	sne.s32 s25, s10  }
.Ltmp5:
0x2de: {  	[sflag:s24] =	ssyncset.done $0x0;
	(pc) =	sbr.rel @p0 .LBB2_1-.Ltmp5, $4  }
0x2df: {  	[sflag:s24] =	ssyncadd.s32 $0xFFFFB800  }
0x2e0: {  	_ =	swait.ge [sflag:s24], $0x4800  }
0x2e1: {  	[sflag:s24] =	ssyncset.done $0x0  }
0x2e2: {  	[sflag:s24] =	ssyncadd.s32 $0xFFFFB800  }
0x2e3: {  	_ =	sfence.sel $0x180000  }
0x2e4: {  	[bflag:$0x0] =	sbarrier.arrive $0xFFFF  }
0x2e5: {  	_ =	strace $0x90000047  }
0x2e6: {  	s0 =	stileid.u32;
	[bflag:$0x2] =	sbarrier.arrive $0xFFFF  }
0x2e7: {  	p0 =	sne.s32 s0, $0x0;
	s0 =	rddreg [dreg:$0x4]  }
0x2e8: {  	s0 =	sadd.s32 @!p0 $0x100000, s0  }
0x2e9: {  	[sflag:s0] =	ssyncadd.tile.s32 @!p0 $0x1;
	_ =	shalt  }
.Lfunc_end2:
_tile_overlayer_lowered:
.L_overlay_start_2:
0x2ea: {  	(tag) =	ssettag $0x2  }
0x2eb: {  	s0 =	rddreg [dreg:$0x0];
	s2 =	stileid.u32  }
0x2ec: {  	s1 =	rddreg [dreg:$0x1];
	p0 =	sne.s32 s2, $0x0  }
0x2ed: {  	s3 =	rddreg [dreg:$0x2];
	[bflag:$0x3] =	sbarrier.arrive $0xFFFF;
	s2 =	simm.s32 @!p0 $0x1C04  }
0x2ee: {  	[timem:s3], [sflag:s2] =	dma.local @!p0 [hbm:s0], s1  }
0x2ef: {  	s0 =	simm.s32 @!p0 $0x4  }
0x2f0: {  	_ =	swait.ge @!p0 [sflag:s0], s1  }
0x2f1: {  	s1 =	ssub.s32 @!p0 $0x0, s1;
	[sflag:s0] =	ssyncset.done @!p0 $0x0  }
0x2f2: {  	[sflag:s0] =	ssyncadd.s32 @!p0 s1  }
0x2f3: {  	[bflag:$0x3] =	sbarrier.arrive $0xFFFF  }
0x2f4: {  	_ =	shalt  }

</sc_bundles>
